<compile_context>
chip_gen: v7x
topology: tpu7x:2x2x1
jax: 0.10.2.dev20260603
libtpu: 0.0.44.dev20260713+nightly
codegen_flags: <defaults>
</compile_context>

<pallas_src>
import functools

import jax
import jax.numpy as jnp
from jax import lax
from jax.experimental import pallas as pl
from jax.experimental.pallas import tpu as pltpu
from jax.experimental.pallas import tpu_sc as plsc

_B, _C, _N = 2, 4, 1024
_H = _W = 128
_G = _H * _W
_T = 1024
_NC, _NS, _L = 2, 16, 16
_NW = _NC * _NS
_CHUNK = (_B * _G) // _NW


def _argmin_body(grd_ref, pc_ref, idx_ref):
    grd = grd_ref[...]
    pc = pc_ref[...]
    gx = grd[:, 0:1]
    gy = grd[:, 1:2]
    px = pc[0:1, :]
    py = pc[1:2, :]
    gg = gx * gx + gy * gy
    pp = px * px + py * py
    dot2 = lax.dot_general(grd, pc + pc, (((1,), (0,)), ((), ())),
                           preferred_element_type=jnp.float32)
    d2 = (gg - dot2) + pp
    lane = lax.broadcasted_iota(jnp.int32, (_T, 128), 1).astype(jnp.float32)
    for b in range(_B):
        bv = d2[:, b * _N:b * _N + 128]
        bi = lane
        for j in range(1, _N // 128):
            c = d2[:, b * _N + j * 128:b * _N + (j + 1) * 128]
            lt = c < bv
            bi = jnp.where(lt, lane + jnp.float32(j * 128), bi)
            bv = jnp.where(lt, c, bv)
        m = jnp.min(bv, axis=1, keepdims=True)
        bi_m = jnp.where(bv == m, bi, jnp.float32(_N))
        idx = jnp.min(bi_m, axis=1, keepdims=True).astype(jnp.int32)
        idx_ref[b] = idx


def _tc_argmin(grd, pc_cat):
    return pl.pallas_call(
        _argmin_body,
        grid=(_G // _T,),
        in_specs=[
            pl.BlockSpec((_T, 2), lambda t: (t, 0)),
            pl.BlockSpec((2, _B * _N), lambda t: (0, 0)),
        ],
        out_specs=pl.BlockSpec((_B, _T, 1), lambda t: (0, t, 0)),
        out_shape=jax.ShapeDtypeStruct((_B, _G, 1), jnp.int32),
    )(grd, pc_cat)


@functools.cache
def _sc_gather_kernel():
    mesh = plsc.VectorSubcoreMesh(core_axis_name="c", subcore_axis_name="s")

    @functools.partial(
        pl.kernel,
        mesh=mesh,
        compiler_params=pltpu.CompilerParams(
            needs_layout_passes=False,
            skip_device_barrier=True,
            disable_bounds_checks=True,
            disable_semaphore_checks=True,
        ),
        out_type=jax.ShapeDtypeStruct((_B, _C, _G), jnp.float32),
        scratch_types=[
            pltpu.VMEM((_C * _N,), jnp.float32),
            pltpu.VMEM((_CHUNK,), jnp.int32),
            pltpu.VMEM((_C * _CHUNK,), jnp.float32),
        ],
    )
    def _sc_gather(r_hbm, idx_hbm, out_hbm, tbl_v, idx_v, out_v):
        wid = lax.axis_index("s") * _NC + lax.axis_index("c")
        b = wid // (_NW // _B)
        base = (wid % (_NW // _B)) * _CHUNK
        pltpu.sync_copy(r_hbm.at[b], tbl_v)
        pltpu.sync_copy(idx_hbm.at[b, pl.ds(base, _CHUNK)], idx_v)
        for j in range(_CHUNK // _L):
            iv = idx_v[pl.ds(j * _L, _L)]
            for c in range(_C):
                vals = plsc.load_gather(tbl_v, [iv + c * _N])
                out_v[pl.ds(c * _CHUNK + j * _L, _L)] = vals
        for c in range(_C):
            pltpu.sync_copy(out_v.at[pl.ds(c * _CHUNK, _CHUNK)],
                            out_hbm.at[b, c, pl.ds(base, _CHUNK)])

    return _sc_gather


def kernel(R_pc, XY_pc, XY_grd):
    grd = XY_grd.reshape(_G, 2)
    pc_cat = jnp.transpose(XY_pc, (1, 0, 2)).reshape(2, _B * _N)
    idx = _tc_argmin(grd, pc_cat)
    out = _sc_gather_kernel()(R_pc.reshape(_B, _C * _N), idx.reshape(_B, _G))
    return out.reshape(_B, _C, _H, _W)

# --- scband reference (transcript-rebuilt; emitter-appended) ---
"""Pipeline reference for scband-predictor-interp2d-25890062860484 (READ-ONLY COPY).

The authoritative reference and input builder live on the scoring server;
editing this copy changes nothing except your own understanding.
"""

import jax, jax.numpy as jnp
import numpy as np


def setup_inputs(seed: int = 0) -> dict:
    key = jax.random.key(seed)
    k1, k2, k3 = jax.random.split(key, 3)
    B, C, N, H, W = 2, 4, 1024, 128, 128
    R_pc = jax.random.normal(k1, (B, C, N), dtype=jnp.float32)
    XY_pc = jax.random.uniform(k2, (B, 2, N), dtype=jnp.float32)
    XY_grd = jax.random.uniform(k3, (H, W, 2), dtype=jnp.float32)
    return {"R_pc": R_pc, "XY_pc": XY_pc, "XY_grd": XY_grd}


def reference(R_pc, XY_pc, XY_grd):
    # Nearest-neighbor 2-d interpolation from scattered points to a regular grid.
    # R_pc:   [B, C, N] field values at observation points
    # XY_pc:  [B, 2, N] observation point coordinates
    # XY_grd: [H, W, 2] grid point coordinates
    B, C, N = R_pc.shape
    H, W, _ = XY_grd.shape
    G = H * W
    grd = XY_grd.reshape(G, 2)                        # [G, 2]
    pc = jnp.transpose(XY_pc, (0, 2, 1))              # [B, N, 2]
    # squared euclidean distances [B, G, N] via expansion
    d2 = (jnp.sum(grd * grd, axis=-1)[None, :, None]
          - 2.0 * jnp.einsum('gd,bnd->bgn', grd, pc)
          + jnp.sum(pc * pc, axis=-1)[:, None, :])
    idx = jnp.argmin(d2, axis=-1)                     # [B, G] nearest point per grid cell
    idx_bc = jnp.broadcast_to(idx[:, None, :], (B, C, G))
    R_flat = jnp.take_along_axis(R_pc, idx_bc, axis=2)  # [B, C, G] gather
    R_grd = R_flat.reshape(B, C, H, W)
    return R_grd

if __name__ == "__main__":
    import jax
    _d = setup_inputs()
    print(jax.jit(kernel)(*tuple(_d.values())))

</pallas_src>

<mosaic_0001>
#map = affine_map<(d0, d1) -> (0, 0)>
#map1 = affine_map<(d0, d1) -> (0, 0, 0)>
module attributes {stable_mosaic.version = 14 : i64} {
  func.func @_sc_gather(%arg0: i32, %arg1: i32, %arg2: memref<2x4096xf32, #tpu.memory_space<hbm>>, %arg3: memref<2x16384xi32, #tpu.memory_space<hbm>>, %arg4: memref<2x4x16384xf32, #tpu.memory_space<hbm>>, %arg5: memref<4096xf32, #tpu.memory_space<vmem>>, %arg6: memref<1024xi32, #tpu.memory_space<vmem>>, %arg7: memref<4096xf32, #tpu.memory_space<vmem>>) attributes {dimension_semantics = [#tpu.dimension_semantics<core_parallel>, #tpu.dimension_semantics<subcore_parallel>], iteration_bounds = array<i64: 2, 16>, scalar_prefetch = 0 : i64, scratch_operands = 3 : i64, tpu.core_type = #tpu.core_type<sc_vector_subcore>, window_params = [{transform_indices = #map}, {transform_indices = #map}, {transform_indices = #map1}]} {
    %mul3A = arith.constant 2 : i32
    %mul3A_0 = arith.muli %arg1, %mul3A : i32
    %add3A = arith.addi %mul3A_0, %arg0 : i32
    %jit3A = arith.constant 16 : i32
    %div3A = arith.divsi %add3A, %jit3A : i32
    %sign3A = arith.constant 0 : i32
    %sign3A_1 = arith.cmpi sgt, %add3A, %sign3A : i32
    %sign3A_2 = arith.extui %sign3A_1 : i1 to i32
    %sign3A_3 = arith.constant 0 : i32
    %sign3A_4 = arith.cmpi slt, %add3A, %sign3A_3 : i32
    %sign3A_5 = arith.extui %sign3A_4 : i1 to i32
    %sign3A_6 = arith.subi %sign3A_2, %sign3A_5 : i32
    %sign3A_7 = arith.constant 0 : i32
    %sign3A_8 = arith.cmpi sgt, %jit3A, %sign3A_7 : i32
    %sign3A_9 = arith.extui %sign3A_8 : i1 to i32
    %sign3A_10 = arith.constant 0 : i32
    %sign3A_11 = arith.cmpi slt, %jit3A, %sign3A_10 : i32
    %sign3A_12 = arith.extui %sign3A_11 : i1 to i32
    %sign3A_13 = arith.subi %sign3A_9, %sign3A_12 : i32
    %ne3A = arith.cmpi ne, %sign3A_6, %sign3A_13 : i32
    %rem3A = arith.remsi %add3A, %jit3A : i32
    %ne3A_14 = arith.constant 0 : i32
    %ne3A_15 = arith.cmpi ne, %rem3A, %ne3A_14 : i32
    %and3A = arith.andi %ne3A, %ne3A_15 : i1
    %sub3A = arith.constant 1 : i32
    %sub3A_16 = arith.subi %div3A, %sub3A : i32
    %select_n3A = arith.select %and3A, %sub3A_16, %div3A : i32
    %jit3A_17 = arith.constant 16 : i32
    %eq3A = arith.constant 0 : i32
    %eq3A_18 = arith.cmpi eq, %jit3A_17, %eq3A : i32
    %jit3A_19 = arith.constant 1 : i32
    %select_n3A_20 = arith.select %eq3A_18, %jit3A_19, %jit3A_17 : i32
    %rem3A_21 = arith.remsi %add3A, %select_n3A_20 : i32
    %ne3A_22 = arith.constant 0 : i32
    %ne3A_23 = arith.cmpi ne, %rem3A_21, %ne3A_22 : i32
    %lt3A = arith.constant 0 : i32
    %lt3A_24 = arith.cmpi slt, %rem3A_21, %lt3A : i32
    %lt3A_25 = arith.constant 0 : i32
    %lt3A_26 = arith.cmpi slt, %select_n3A_20, %lt3A_25 : i32
    %ne3A_27 = arith.xori %lt3A_24, %lt3A_26 : i1
    %and3A_28 = arith.andi %ne3A_27, %ne3A_23 : i1
    %add3A_29 = arith.addi %rem3A_21, %select_n3A_20 : i32
    %select_n3A_30 = arith.select %and3A_28, %add3A_29, %rem3A_21 : i32
    %mul3A_31 = arith.constant 1024 : i32
    %mul3A_32 = arith.muli %select_n3A_30, %mul3A_31 : i32
    "tpu.region"() ({
      %run_scoped3A_1697 = tpu.sem_alloc : memref<!tpu.dma_semaphore, #tpu.memory_space<semaphore_mem>>
      %dma_start3A = arith.constant 0 : i32
      %dma_start3A_1698 = tpu.memref_slice %arg2[%select_n3A, %dma_start3A] : memref<2x4096xf32, #tpu.memory_space<hbm>> -> memref<1x4096xf32, #tpu.memory_space<hbm>>
      %dma_start3A_1699 = tpu.memref_squeeze %dma_start3A_1698 : memref<1x4096xf32, #tpu.memory_space<hbm>> -> memref<4096xf32, #tpu.memory_space<hbm>>
      %dma_start3A_1700 = arith.constant 0 : i32
      %dma_start3A_1701 = tpu.memref_slice %arg2[%select_n3A, %dma_start3A_1700] : memref<2x4096xf32, #tpu.memory_space<hbm>> -> memref<1x4096xf32, #tpu.memory_space<hbm>>
      %dma_start3A_1702 = tpu.memref_squeeze %dma_start3A_1701 : memref<1x4096xf32, #tpu.memory_space<hbm>> -> memref<4096xf32, #tpu.memory_space<hbm>>
      tpu.enqueue_dma source(%dma_start3A_1702 : memref<4096xf32, #tpu.memory_space<hbm>>) target(%arg5 : memref<4096xf32, #tpu.memory_space<vmem>>) target_semaphore(%run_scoped3A_1697 : memref<!tpu.dma_semaphore, #tpu.memory_space<semaphore_mem>>)
      %dma_wait3A = arith.constant 0 : i32
      %dma_wait3A_1703 = tpu.memref_slice %arg2[%select_n3A, %dma_wait3A] : memref<2x4096xf32, #tpu.memory_space<hbm>> -> memref<1x4096xf32, #tpu.memory_space<hbm>>
      %dma_wait3A_1704 = tpu.memref_squeeze %dma_wait3A_1703 : memref<1x4096xf32, #tpu.memory_space<hbm>> -> memref<4096xf32, #tpu.memory_space<hbm>>
      %dma_wait3A_1705 = arith.constant 0 : i32
      %dma_wait3A_1706 = tpu.memref_slice %arg2[%select_n3A, %dma_wait3A_1705] : memref<2x4096xf32, #tpu.memory_space<hbm>> -> memref<1x4096xf32, #tpu.memory_space<hbm>>
      %dma_wait3A_1707 = tpu.memref_squeeze %dma_wait3A_1706 : memref<1x4096xf32, #tpu.memory_space<hbm>> -> memref<4096xf32, #tpu.memory_space<hbm>>
      tpu.wait_dma2 semaphore(%run_scoped3A_1697 : memref<!tpu.dma_semaphore, #tpu.memory_space<semaphore_mem>>) src(%dma_wait3A_1707 : memref<4096xf32, #tpu.memory_space<hbm>>) dst(%arg5 : memref<4096xf32, #tpu.memory_space<vmem>>)
      tpu.yield
    }) : () -> ()
    "tpu.region"() ({
      %run_scoped3A_1697 = tpu.sem_alloc : memref<!tpu.dma_semaphore, #tpu.memory_space<semaphore_mem>>
      %dma_start3A = tpu.memref_slice %arg3[%select_n3A, %mul3A_32] : memref<2x16384xi32, #tpu.memory_space<hbm>> -> memref<1x1024xi32, #tpu.memory_space<hbm>>
      %dma_start3A_1698 = tpu.memref_squeeze %dma_start3A : memref<1x1024xi32, #tpu.memory_space<hbm>> -> memref<1024xi32, #tpu.memory_space<hbm>>
      %dma_start3A_1699 = tpu.memref_slice %arg3[%select_n3A, %mul3A_32] : memref<2x16384xi32, #tpu.memory_space<hbm>> -> memref<1x1024xi32, #tpu.memory_space<hbm>>
      %dma_start3A_1700 = tpu.memref_squeeze %dma_start3A_1699 : memref<1x1024xi32, #tpu.memory_space<hbm>> -> memref<1024xi32, #tpu.memory_space<hbm>>
      tpu.enqueue_dma source(%dma_start3A_1700 : memref<1024xi32, #tpu.memory_space<hbm>>) target(%arg6 : memref<1024xi32, #tpu.memory_space<vmem>>) target_semaphore(%run_scoped3A_1697 : memref<!tpu.dma_semaphore, #tpu.memory_space<semaphore_mem>>)
      %dma_wait3A = tpu.memref_slice %arg3[%select_n3A, %mul3A_32] : memref<2x16384xi32, #tpu.memory_space<hbm>> -> memref<1x1024xi32, #tpu.memory_space<hbm>>
      %dma_wait3A_1701 = tpu.memref_squeeze %dma_wait3A : memref<1x1024xi32, #tpu.memory_space<hbm>> -> memref<1024xi32, #tpu.memory_space<hbm>>
      %dma_wait3A_1702 = tpu.memref_slice %arg3[%select_n3A, %mul3A_32] : memref<2x16384xi32, #tpu.memory_space<hbm>> -> memref<1x1024xi32, #tpu.memory_space<hbm>>
      %dma_wait3A_1703 = tpu.memref_squeeze %dma_wait3A_1702 : memref<1x1024xi32, #tpu.memory_space<hbm>> -> memref<1024xi32, #tpu.memory_space<hbm>>
      tpu.wait_dma2 semaphore(%run_scoped3A_1697 : memref<!tpu.dma_semaphore, #tpu.memory_space<semaphore_mem>>) src(%dma_wait3A_1703 : memref<1024xi32, #tpu.memory_space<hbm>>) dst(%arg6 : memref<1024xi32, #tpu.memory_space<vmem>>)
      tpu.yield
    }) : () -> ()
    %get3A = arith.constant 0 : index
    %get3A_33 = tpu.vector_load %arg6[%get3A] {strides = array<i32>} : memref<1024xi32, #tpu.memory_space<vmem>>, vector<16xi32>,
    %add3A_34 = arith.constant 0 : i32
    %add3A_35 = vector.broadcast %add3A_34 : i32 to vector<16xi32>
    %add3A_36 = arith.addi %get3A_33, %add3A_35 : vector<16xi32>
    %gather3A = tpu.vector_load_idx %arg5[%add3A_36] : memref<4096xf32, #tpu.memory_space<vmem>>[vector<16xi32>], vector<16xf32>,
    %swap3A = arith.constant 0 : index
    %swap3A_37 = tpu.vector_load %arg7[%swap3A] {strides = array<i32>} : memref<4096xf32, #tpu.memory_space<vmem>>, vector<16xf32>,
    tpu.vector_store %arg7[%swap3A], %gather3A {strides = array<i32>} : memref<4096xf32, #tpu.memory_space<vmem>>, vector<16xf32>,
    %add3A_38 = arith.constant 1024 : i32
    %add3A_39 = vector.broadcast %add3A_38 : i32 to vector<16xi32>
    %add3A_40 = arith.addi %get3A_33, %add3A_39 : vector<16xi32>
    %gather3A_41 = tpu.vector_load_idx %arg5[%add3A_40] : memref<4096xf32, #tpu.memory_space<vmem>>[vector<16xi32>], vector<16xf32>,
    %swap3A_42 = arith.constant 1024 : index
    %swap3A_43 = tpu.vector_load %arg7[%swap3A_42] {strides = array<i32>} : memref<4096xf32, #tpu.memory_space<vmem>>, vector<16xf32>,
    tpu.vector_store %arg7[%swap3A_42], %gather3A_41 {strides = array<i32>} : memref<4096xf32, #tpu.memory_space<vmem>>, vector<16xf32>,
    %add3A_44 = arith.constant 2048 : i32
    %add3A_45 = vector.broadcast %add3A_44 : i32 to vector<16xi32>
    %add3A_46 = arith.addi %get3A_33, %add3A_45 : vector<16xi32>
    %gather3A_47 = tpu.vector_load_idx %arg5[%add3A_46] : memref<4096xf32, #tpu.memory_space<vmem>>[vector<16xi32>], vector<16xf32>,
    %swap3A_48 = arith.constant 2048 : index
    %swap3A_49 = tpu.vector_load %arg7[%swap3A_48] {strides = array<i32>} : memref<4096xf32, #tpu.memory_space<vmem>>, vector<16xf32>,
    tpu.vector_store %arg7[%swap3A_48], %gather3A_47 {strides = array<i32>} : memref<4096xf32, #tpu.memory_space<vmem>>, vector<16xf32>,
    %add3A_50 = arith.constant 3072 : i32
    %add3A_51 = vector.broadcast %add3A_50 : i32 to vector<16xi32>
    %add3A_52 = arith.addi %get3A_33, %add3A_51 : vector<16xi32>
    %gather3A_53 = tpu.vector_load_idx %arg5[%add3A_52] : memref<4096xf32, #tpu.memory_space<vmem>>[vector<16xi32>], vector<16xf32>,
    %swap3A_54 = arith.constant 3072 : index
    %swap3A_55 = tpu.vector_load %arg7[%swap3A_54] {strides = array<i32>} : memref<4096xf32, #tpu.memory_space<vmem>>, vector<16xf32>,
    tpu.vector_store %arg7[%swap3A_54], %gather3A_53 {strides = array<i32>} : memref<4096xf32, #tpu.memory_space<vmem>>, vector<16xf32>,
    %get3A_56 = arith.constant 16 : index
    %get3A_57 = tpu.vector_load %arg6[%get3A_56] {strides = array<i32>} : memref<1024xi32, #tpu.memory_space<vmem>>, vector<16xi32>,
    %add3A_58 = arith.constant 0 : i32
    %add3A_59 = vector.broadcast %add3A_58 : i32 to vector<16xi32>
    %add3A_60 = arith.addi %get3A_57, %add3A_59 : vector<16xi32>
    %gather3A_61 = tpu.vector_load_idx %arg5[%add3A_60] : memref<4096xf32, #tpu.memory_space<vmem>>[vector<16xi32>], vector<16xf32>,
    %swap3A_62 = arith.constant 16 : index
    %swap3A_63 = tpu.vector_load %arg7[%swap3A_62] {strides = array<i32>} : memref<4096xf32, #tpu.memory_space<vmem>>, vector<16xf32>,
    tpu.vector_store %arg7[%swap3A_62], %gather3A_61 {strides = array<i32>} : memref<4096xf32, #tpu.memory_space<vmem>>, vector<16xf32>,
    %add3A_64 = arith.constant 1024 : i32
    %add3A_65 = vector.broadcast %add3A_64 : i32 to vector<16xi32>
    %add3A_66 = arith.addi %get3A_57, %add3A_65 : vector<16xi32>
    %gather3A_67 = tpu.vector_load_idx %arg5[%add3A_66] : memref<4096xf32, #tpu.memory_space<vmem>>[vector<16xi32>], vector<16xf32>,
    %swap3A_68 = arith.constant 1040 : index
    %swap3A_69 = tpu.vector_load %arg7[%swap3A_68] {strides = array<i32>} : memref<4096xf32, #tpu.memory_space<vmem>>, vector<16xf32>,
    tpu.vector_store %arg7[%swap3A_68], %gather3A_67 {strides = array<i32>} : memref<4096xf32, #tpu.memory_space<vmem>>, vector<16xf32>,
    %add3A_70 = arith.constant 2048 : i32
    %add3A_71 = vector.broadcast %add3A_70 : i32 to vector<16xi32>
    %add3A_72 = arith.addi %get3A_57, %add3A_71 : vector<16xi32>
    %gather3A_73 = tpu.vector_load_idx %arg5[%add3A_72] : memref<4096xf32, #tpu.memory_space<vmem>>[vector<16xi32>], vector<16xf32>,
    %swap3A_74 = arith.constant 2064 : index
    %swap3A_75 = tpu.vector_load %arg7[%swap3A_74] {strides = array<i32>} : memref<4096xf32, #tpu.memory_space<vmem>>, vector<16xf32>,
    tpu.vector_store %arg7[%swap3A_74], %gather3A_73 {strides = array<i32>} : memref<4096xf32, #tpu.memory_space<vmem>>, vector<16xf32>,
    %add3A_76 = arith.constant 3072 : i32
    %add3A_77 = vector.broadcast %add3A_76 : i32 to vector<16xi32>
    %add3A_78 = arith.addi %get3A_57, %add3A_77 : vector<16xi32>
    %gather3A_79 = tpu.vector_load_idx %arg5[%add3A_78] : memref<4096xf32, #tpu.memory_space<vmem>>[vector<16xi32>], vector<16xf32>,
    %swap3A_80 = arith.constant 3088 : index
    %swap3A_81 = tpu.vector_load %arg7[%swap3A_80] {strides = array<i32>} : memref<4096xf32, #tpu.memory_space<vmem>>, vector<16xf32>,
    tpu.vector_store %arg7[%swap3A_80], %gather3A_79 {strides = array<i32>} : memref<4096xf32, #tpu.memory_space<vmem>>, vector<16xf32>,
    %get3A_82 = arith.constant 32 : index
    %get3A_83 = tpu.vector_load %arg6[%get3A_82] {strides = array<i32>} : memref<1024xi32, #tpu.memory_space<vmem>>, vector<16xi32>,
    %add3A_84 = arith.constant 0 : i32
    %add3A_85 = vector.broadcast %add3A_84 : i32 to vector<16xi32>
    %add3A_86 = arith.addi %get3A_83, %add3A_85 : vector<16xi32>
    %gather3A_87 = tpu.vector_load_idx %arg5[%add3A_86] : memref<4096xf32, #tpu.memory_space<vmem>>[vector<16xi32>], vector<16xf32>,
    %swap3A_88 = arith.constant 32 : index
    %swap3A_89 = tpu.vector_load %arg7[%swap3A_88] {strides = array<i32>} : memref<4096xf32, #tpu.memory_space<vmem>>, vector<16xf32>,
    tpu.vector_store %arg7[%swap3A_88], %gather3A_87 {strides = array<i32>} : memref<4096xf32, #tpu.memory_space<vmem>>, vector<16xf32>,
    %add3A_90 = arith.constant 1024 : i32
    %add3A_91 = vector.broadcast %add3A_90 : i32 to vector<16xi32>
    %add3A_92 = arith.addi %get3A_83, %add3A_91 : vector<16xi32>
    %gather3A_93 = tpu.vector_load_idx %arg5[%add3A_92] : memref<4096xf32, #tpu.memory_space<vmem>>[vector<16xi32>], vector<16xf32>,
    %swap3A_94 = arith.constant 1056 : index
    %swap3A_95 = tpu.vector_load %arg7[%swap3A_94] {strides = array<i32>} : memref<4096xf32, #tpu.memory_space<vmem>>, vector<16xf32>,
    tpu.vector_store %arg7[%swap3A_94], %gather3A_93 {strides = array<i32>} : memref<4096xf32, #tpu.memory_space<vmem>>, vector<16xf32>,
    %add3A_96 = arith.constant 2048 : i32
    %add3A_97 = vector.broadcast %add3A_96 : i32 to vector<16xi32>
    %add3A_98 = arith.addi %get3A_83, %add3A_97 : vector<16xi32>
    %gather3A_99 = tpu.vector_load_idx %arg5[%add3A_98] : memref<4096xf32, #tpu.memory_space<vmem>>[vector<16xi32>], vector<16xf32>,
    %swap3A_100 = arith.constant 2080 : index
    %swap3A_101 = tpu.vector_load %arg7[%swap3A_100] {strides = array<i32>} : memref<4096xf32, #tpu.memory_space<vmem>>, vector<16xf32>,
    tpu.vector_store %arg7[%swap3A_100], %gather3A_99 {strides = array<i32>} : memref<4096xf32, #tpu.memory_space<vmem>>, vector<16xf32>,
    %add3A_102 = arith.constant 3072 : i32
    %add3A_103 = vector.broadcast %add3A_102 : i32 to vector<16xi32>
    %add3A_104 = arith.addi %get3A_83, %add3A_103 : vector<16xi32>
    %gather3A_105 = tpu.vector_load_idx %arg5[%add3A_104] : memref<4096xf32, #tpu.memory_space<vmem>>[vector<16xi32>], vector<16xf32>,
    %swap3A_106 = arith.constant 3104 : index
    %swap3A_107 = tpu.vector_load %arg7[%swap3A_106] {strides = array<i32>} : memref<4096xf32, #tpu.memory_space<vmem>>, vector<16xf32>,
    tpu.vector_store %arg7[%swap3A_106], %gather3A_105 {strides = array<i32>} : memref<4096xf32, #tpu.memory_space<vmem>>, vector<16xf32>,
    %get3A_108 = arith.constant 48 : index
    %get3A_109 = tpu.vector_load %arg6[%get3A_108] {strides = array<i32>} : memref<1024xi32, #tpu.memory_space<vmem>>, vector<16xi32>,
    %add3A_110 = arith.constant 0 : i32
    %add3A_111 = vector.broadcast %add3A_110 : i32 to vector<16xi32>
    %add3A_112 = arith.addi %get3A_109, %add3A_111 : vector<16xi32>
    %gather3A_113 = tpu.vector_load_idx %arg5[%add3A_112] : memref<4096xf32, #tpu.memory_space<vmem>>[vector<16xi32>], vector<16xf32>,
    %swap3A_114 = arith.constant 48 : index
    %swap3A_115 = tpu.vector_load %arg7[%swap3A_114] {strides = array<i32>} : memref<4096xf32, #tpu.memory_space<vmem>>, vector<16xf32>,
    tpu.vector_store %arg7[%swap3A_114], %gather3A_113 {strides = array<i32>} : memref<4096xf32, #tpu.memory_space<vmem>>, vector<16xf32>,
    %add3A_116 = arith.constant 1024 : i32
    %add3A_117 = vector.broadcast %add3A_116 : i32 to vector<16xi32>
    %add3A_118 = arith.addi %get3A_109, %add3A_117 : vector<16xi32>
    %gather3A_119 = tpu.vector_load_idx %arg5[%add3A_118] : memref<4096xf32, #tpu.memory_space<vmem>>[vector<16xi32>], vector<16xf32>,
    %swap3A_120 = arith.constant 1072 : index
    %swap3A_121 = tpu.vector_load %arg7[%swap3A_120] {strides = array<i32>} : memref<4096xf32, #tpu.memory_space<vmem>>, vector<16xf32>,
    tpu.vector_store %arg7[%swap3A_120], %gather3A_119 {strides = array<i32>} : memref<4096xf32, #tpu.memory_space<vmem>>, vector<16xf32>,
    %add3A_122 = arith.constant 2048 : i32
    %add3A_123 = vector.broadcast %add3A_122 : i32 to vector<16xi32>
    %add3A_124 = arith.addi %get3A_109, %add3A_123 : vector<16xi32>
    %gather3A_125 = tpu.vector_load_idx %arg5[%add3A_124] : memref<4096xf32, #tpu.memory_space<vmem>>[vector<16xi32>], vector<16xf32>,
    %swap3A_126 = arith.constant 2096 : index
    %swap3A_127 = tpu.vector_load %arg7[%swap3A_126] {strides = array<i32>} : memref<4096xf32, #tpu.memory_space<vmem>>, vector<16xf32>,
    tpu.vector_store %arg7[%swap3A_126], %gather3A_125 {strides = array<i32>} : memref<4096xf32, #tpu.memory_space<vmem>>, vector<16xf32>,
    %add3A_128 = arith.constant 3072 : i32
    %add3A_129 = vector.broadcast %add3A_128 : i32 to vector<16xi32>
    %add3A_130 = arith.addi %get3A_109, %add3A_129 : vector<16xi32>
    %gather3A_131 = tpu.vector_load_idx %arg5[%add3A_130] : memref<4096xf32, #tpu.memory_space<vmem>>[vector<16xi32>], vector<16xf32>,
    %swap3A_132 = arith.constant 3120 : index
    %swap3A_133 = tpu.vector_load %arg7[%swap3A_132] {strides = array<i32>} : memref<4096xf32, #tpu.memory_space<vmem>>, vector<16xf32>,
    tpu.vector_store %arg7[%swap3A_132], %gather3A_131 {strides = array<i32>} : memref<4096xf32, #tpu.memory_space<vmem>>, vector<16xf32>,
    %get3A_134 = arith.constant 64 : index
    %get3A_135 = tpu.vector_load %arg6[%get3A_134] {strides = array<i32>} : memref<1024xi32, #tpu.memory_space<vmem>>, vector<16xi32>,
    %add3A_136 = arith.constant 0 : i32
    %add3A_137 = vector.broadcast %add3A_136 : i32 to vector<16xi32>
    %add3A_138 = arith.addi %get3A_135, %add3A_137 : vector<16xi32>
    %gather3A_139 = tpu.vector_load_idx %arg5[%add3A_138] : memref<4096xf32, #tpu.memory_space<vmem>>[vector<16xi32>], vector<16xf32>,
    %swap3A_140 = arith.constant 64 : index
    %swap3A_141 = tpu.vector_load %arg7[%swap3A_140] {strides = array<i32>} : memref<4096xf32, #tpu.memory_space<vmem>>, vector<16xf32>,
    tpu.vector_store %arg7[%swap3A_140], %gather3A_139 {strides = array<i32>} : memref<4096xf32, #tpu.memory_space<vmem>>, vector<16xf32>,
    %add3A_142 = arith.constant 1024 : i32
    %add3A_143 = vector.broadcast %add3A_142 : i32 to vector<16xi32>
    %add3A_144 = arith.addi %get3A_135, %add3A_143 : vector<16xi32>
    %gather3A_145 = tpu.vector_load_idx %arg5[%add3A_144] : memref<4096xf32, #tpu.memory_space<vmem>>[vector<16xi32>], vector<16xf32>,
    %swap3A_146 = arith.constant 1088 : index
    %swap3A_147 = tpu.vector_load %arg7[%swap3A_146] {strides = array<i32>} : memref<4096xf32, #tpu.memory_space<vmem>>, vector<16xf32>,
    tpu.vector_store %arg7[%swap3A_146], %gather3A_145 {strides = array<i32>} : memref<4096xf32, #tpu.memory_space<vmem>>, vector<16xf32>,
    %add3A_148 = arith.constant 2048 : i32
    %add3A_149 = vector.broadcast %add3A_148 : i32 to vector<16xi32>
    %add3A_150 = arith.addi %get3A_135, %add3A_149 : vector<16xi32>
    %gather3A_151 = tpu.vector_load_idx %arg5[%add3A_150] : memref<4096xf32, #tpu.memory_space<vmem>>[vector<16xi32>], vector<16xf32>,
    %swap3A_152 = arith.constant 2112 : index
    %swap3A_153 = tpu.vector_load %arg7[%swap3A_152] {strides = array<i32>} : memref<4096xf32, #tpu.memory_space<vmem>>, vector<16xf32>,
    tpu.vector_store %arg7[%swap3A_152], %gather3A_151 {strides = array<i32>} : memref<4096xf32, #tpu.memory_space<vmem>>, vector<16xf32>,
    %add3A_154 = arith.constant 3072 : i32
    %add3A_155 = vector.broadcast %add3A_154 : i32 to vector<16xi32>
    %add3A_156 = arith.addi %get3A_135, %add3A_155 : vector<16xi32>
    %gather3A_157 = tpu.vector_load_idx %arg5[%add3A_156] : memref<4096xf32, #tpu.memory_space<vmem>>[vector<16xi32>], vector<16xf32>,
    %swap3A_158 = arith.constant 3136 : index
    %swap3A_159 = tpu.vector_load %arg7[%swap3A_158] {strides = array<i32>} : memref<4096xf32, #tpu.memory_space<vmem>>, vector<16xf32>,
    tpu.vector_store %arg7[%swap3A_158], %gather3A_157 {strides = array<i32>} : memref<4096xf32, #tpu.memory_space<vmem>>, vector<16xf32>,
    %get3A_160 = arith.constant 80 : index
    %get3A_161 = tpu.vector_load %arg6[%get3A_160] {strides = array<i32>} : memref<1024xi32, #tpu.memory_space<vmem>>, vector<16xi32>,
    %add3A_162 = arith.constant 0 : i32
    %add3A_163 = vector.broadcast %add3A_162 : i32 to vector<16xi32>
    %add3A_164 = arith.addi %get3A_161, %add3A_163 : vector<16xi32>
    %gather3A_165 = tpu.vector_load_idx %arg5[%add3A_164] : memref<4096xf32, #tpu.memory_space<vmem>>[vector<16xi32>], vector<16xf32>,
    %swap3A_166 = arith.constant 80 : index
    %swap3A_167 = tpu.vector_load %arg7[%swap3A_166] {strides = array<i32>} : memref<4096xf32, #tpu.memory_space<vmem>>, vector<16xf32>,
    tpu.vector_store %arg7[%swap3A_166], %gather3A_165 {strides = array<i32>} : memref<4096xf32, #tpu.memory_space<vmem>>, vector<16xf32>,
    %add3A_168 = arith.constant 1024 : i32
    %add3A_169 = vector.broadcast %add3A_168 : i32 to vector<16xi32>
    %add3A_170 = arith.addi %get3A_161, %add3A_169 : vector<16xi32>
    %gather3A_171 = tpu.vector_load_idx %arg5[%add3A_170] : memref<4096xf32, #tpu.memory_space<vmem>>[vector<16xi32>], vector<16xf32>,
    %swap3A_172 = arith.constant 1104 : index
    %swap3A_173 = tpu.vector_load %arg7[%swap3A_172] {strides = array<i32>} : memref<4096xf32, #tpu.memory_space<vmem>>, vector<16xf32>,
    tpu.vector_store %arg7[%swap3A_172], %gather3A_171 {strides = array<i32>} : memref<4096xf32, #tpu.memory_space<vmem>>, vector<16xf32>,
    %add3A_174 = arith.constant 2048 : i32
    %add3A_175 = vector.broadcast %add3A_174 : i32 to vector<16xi32>
    %add3A_176 = arith.addi %get3A_161, %add3A_175 : vector<16xi32>
    %gather3A_177 = tpu.vector_load_idx %arg5[%add3A_176] : memref<4096xf32, #tpu.memory_space<vmem>>[vector<16xi32>], vector<16xf32>,
    %swap3A_178 = arith.constant 2128 : index
    %swap3A_179 = tpu.vector_load %arg7[%swap3A_178] {strides = array<i32>} : memref<4096xf32, #tpu.memory_space<vmem>>, vector<16xf32>,
    tpu.vector_store %arg7[%swap3A_178], %gather3A_177 {strides = array<i32>} : memref<4096xf32, #tpu.memory_space<vmem>>, vector<16xf32>,
    %add3A_180 = arith.constant 3072 : i32
    %add3A_181 = vector.broadcast %add3A_180 : i32 to vector<16xi32>
    %add3A_182 = arith.addi %get3A_161, %add3A_181 : vector<16xi32>
    %gather3A_183 = tpu.vector_load_idx %arg5[%add3A_182] : memref<4096xf32, #tpu.memory_space<vmem>>[vector<16xi32>], vector<16xf32>,
    %swap3A_184 = arith.constant 3152 : index
    %swap3A_185 = tpu.vector_load %arg7[%swap3A_184] {strides = array<i32>} : memref<4096xf32, #tpu.memory_space<vmem>>, vector<16xf32>,
    tpu.vector_store %arg7[%swap3A_184], %gather3A_183 {strides = array<i32>} : memref<4096xf32, #tpu.memory_space<vmem>>, vector<16xf32>,
    %get3A_186 = arith.constant 96 : index
    %get3A_187 = tpu.vector_load %arg6[%get3A_186] {strides = array<i32>} : memref<1024xi32, #tpu.memory_space<vmem>>, vector<16xi32>,
    %add3A_188 = arith.constant 0 : i32
    %add3A_189 = vector.broadcast %add3A_188 : i32 to vector<16xi32>
    %add3A_190 = arith.addi %get3A_187, %add3A_189 : vector<16xi32>
    %gather3A_191 = tpu.vector_load_idx %arg5[%add3A_190] : memref<4096xf32, #tpu.memory_space<vmem>>[vector<16xi32>], vector<16xf32>,
    %swap3A_192 = arith.constant 96 : index
    %swap3A_193 = tpu.vector_load %arg7[%swap3A_192] {strides = array<i32>} : memref<4096xf32, #tpu.memory_space<vmem>>, vector<16xf32>,
    tpu.vector_store %arg7[%swap3A_192], %gather3A_191 {strides = array<i32>} : memref<4096xf32, #tpu.memory_space<vmem>>, vector<16xf32>,
    %add3A_194 = arith.constant 1024 : i32
    %add3A_195 = vector.broadcast %add3A_194 : i32 to vector<16xi32>
    %add3A_196 = arith.addi %get3A_187, %add3A_195 : vector<16xi32>
    %gather3A_197 = tpu.vector_load_idx %arg5[%add3A_196] : memref<4096xf32, #tpu.memory_space<vmem>>[vector<16xi32>], vector<16xf32>,
    %swap3A_198 = arith.constant 1120 : index
    %swap3A_199 = tpu.vector_load %arg7[%swap3A_198] {strides = array<i32>} : memref<4096xf32, #tpu.memory_space<vmem>>, vector<16xf32>,
    tpu.vector_store %arg7[%swap3A_198], %gather3A_197 {strides = array<i32>} : memref<4096xf32, #tpu.memory_space<vmem>>, vector<16xf32>,
    %add3A_200 = arith.constant 2048 : i32
    %add3A_201 = vector.broadcast %add3A_200 : i32 to vector<16xi32>
    %add3A_202 = arith.addi %get3A_187, %add3A_201 : vector<16xi32>
    %gather3A_203 = tpu.vector_load_idx %arg5[%add3A_202] : memref<4096xf32, #tpu.memory_space<vmem>>[vector<16xi32>], vector<16xf32>,
    %swap3A_204 = arith.constant 2144 : index
    %swap3A_205 = tpu.vector_load %arg7[%swap3A_204] {strides = array<i32>} : memref<4096xf32, #tpu.memory_space<vmem>>, vector<16xf32>,
    tpu.vector_store %arg7[%swap3A_204], %gather3A_203 {strides = array<i32>} : memref<4096xf32, #tpu.memory_space<vmem>>, vector<16xf32>,
    %add3A_206 = arith.constant 3072 : i32
    %add3A_207 = vector.broadcast %add3A_206 : i32 to vector<16xi32>
    %add3A_208 = arith.addi %get3A_187, %add3A_207 : vector<16xi32>
    %gather3A_209 = tpu.vector_load_idx %arg5[%add3A_208] : memref<4096xf32, #tpu.memory_space<vmem>>[vector<16xi32>], vector<16xf32>,
    %swap3A_210 = arith.constant 3168 : index
    %swap3A_211 = tpu.vector_load %arg7[%swap3A_210] {strides = array<i32>} : memref<4096xf32, #tpu.memory_space<vmem>>, vector<16xf32>,
    tpu.vector_store %arg7[%swap3A_210], %gather3A_209 {strides = array<i32>} : memref<4096xf32, #tpu.memory_space<vmem>>, vector<16xf32>,
    %get3A_212 = arith.constant 112 : index
    %get3A_213 = tpu.vector_load %arg6[%get3A_212] {strides = array<i32>} : memref<1024xi32, #tpu.memory_space<vmem>>, vector<16xi32>,
    %add3A_214 = arith.constant 0 : i32
    %add3A_215 = vector.broadcast %add3A_214 : i32 to vector<16xi32>
    %add3A_216 = arith.addi %get3A_213, %add3A_215 : vector<16xi32>
    %gather3A_217 = tpu.vector_load_idx %arg5[%add3A_216] : memref<4096xf32, #tpu.memory_space<vmem>>[vector<16xi32>], vector<16xf32>,
    %swap3A_218 = arith.constant 112 : index
    %swap3A_219 = tpu.vector_load %arg7[%swap3A_218] {strides = array<i32>} : memref<4096xf32, #tpu.memory_space<vmem>>, vector<16xf32>,
    tpu.vector_store %arg7[%swap3A_218], %gather3A_217 {strides = array<i32>} : memref<4096xf32, #tpu.memory_space<vmem>>, vector<16xf32>,
    %add3A_220 = arith.constant 1024 : i32
    %add3A_221 = vector.broadcast %add3A_220 : i32 to vector<16xi32>
    %add3A_222 = arith.addi %get3A_213, %add3A_221 : vector<16xi32>
    %gather3A_223 = tpu.vector_load_idx %arg5[%add3A_222] : memref<4096xf32, #tpu.memory_space<vmem>>[vector<16xi32>], vector<16xf32>,
    %swap3A_224 = arith.constant 1136 : index
    %swap3A_225 = tpu.vector_load %arg7[%swap3A_224] {strides = array<i32>} : memref<4096xf32, #tpu.memory_space<vmem>>, vector<16xf32>,
    tpu.vector_store %arg7[%swap3A_224], %gather3A_223 {strides = array<i32>} : memref<4096xf32, #tpu.memory_space<vmem>>, vector<16xf32>,
    %add3A_226 = arith.constant 2048 : i32
    %add3A_227 = vector.broadcast %add3A_226 : i32 to vector<16xi32>
    %add3A_228 = arith.addi %get3A_213, %add3A_227 : vector<16xi32>
    %gather3A_229 = tpu.vector_load_idx %arg5[%add3A_228] : memref<4096xf32, #tpu.memory_space<vmem>>[vector<16xi32>], vector<16xf32>,
    %swap3A_230 = arith.constant 2160 : index
    %swap3A_231 = tpu.vector_load %arg7[%swap3A_230] {strides = array<i32>} : memref<4096xf32, #tpu.memory_space<vmem>>, vector<16xf32>,
    tpu.vector_store %arg7[%swap3A_230], %gather3A_229 {strides = array<i32>} : memref<4096xf32, #tpu.memory_space<vmem>>, vector<16xf32>,
    %add3A_232 = arith.constant 3072 : i32
    %add3A_233 = vector.broadcast %add3A_232 : i32 to vector<16xi32>
    %add3A_234 = arith.addi %get3A_213, %add3A_233 : vector<16xi32>
    %gather3A_235 = tpu.vector_load_idx %arg5[%add3A_234] : memref<4096xf32, #tpu.memory_space<vmem>>[vector<16xi32>], vector<16xf32>,
    %swap3A_236 = arith.constant 3184 : index
    %swap3A_237 = tpu.vector_load %arg7[%swap3A_236] {strides = array<i32>} : memref<4096xf32, #tpu.memory_space<vmem>>, vector<16xf32>,
    tpu.vector_store %arg7[%swap3A_236], %gather3A_235 {strides = array<i32>} : memref<4096xf32, #tpu.memory_space<vmem>>, vector<16xf32>,
    %get3A_238 = arith.constant 128 : index
    %get3A_239 = tpu.vector_load %arg6[%get3A_238] {strides = array<i32>} : memref<1024xi32, #tpu.memory_space<vmem>>, vector<16xi32>,
    %add3A_240 = arith.constant 0 : i32
    %add3A_241 = vector.broadcast %add3A_240 : i32 to vector<16xi32>
    %add3A_242 = arith.addi %get3A_239, %add3A_241 : vector<16xi32>
    %gather3A_243 = tpu.vector_load_idx %arg5[%add3A_242] : memref<4096xf32, #tpu.memory_space<vmem>>[vector<16xi32>], vector<16xf32>,
    %swap3A_244 = arith.constant 128 : index
    %swap3A_245 = tpu.vector_load %arg7[%swap3A_244] {strides = array<i32>} : memref<4096xf32, #tpu.memory_space<vmem>>, vector<16xf32>,
    tpu.vector_store %arg7[%swap3A_244], %gather3A_243 {strides = array<i32>} : memref<4096xf32, #tpu.memory_space<vmem>>, vector<16xf32>,
    %add3A_246 = arith.constant 1024 : i32
    %add3A_247 = vector.broadcast %add3A_246 : i32 to vector<16xi32>
    %add3A_248 = arith.addi %get3A_239, %add3A_247 : vector<16xi32>
    %gather3A_249 = tpu.vector_load_idx %arg5[%add3A_248] : memref<4096xf32, #tpu.memory_space<vmem>>[vector<16xi32>], vector<16xf32>,
    %swap3A_250 = arith.constant 1152 : index
    %swap3A_251 = tpu.vector_load %arg7[%swap3A_250] {strides = array<i32>} : memref<4096xf32, #tpu.memory_space<vmem>>, vector<16xf32>,
    tpu.vector_store %arg7[%swap3A_250], %gather3A_249 {strides = array<i32>} : memref<4096xf32, #tpu.memory_space<vmem>>, vector<16xf32>,
    %add3A_252 = arith.constant 2048 : i32
    %add3A_253 = vector.broadcast %add3A_252 : i32 to vector<16xi32>
    %add3A_254 = arith.addi %get3A_239, %add3A_253 : vector<16xi32>
    %gather3A_255 = tpu.vector_load_idx %arg5[%add3A_254] : memref<4096xf32, #tpu.memory_space<vmem>>[vector<16xi32>], vector<16xf32>,
    %swap3A_256 = arith.constant 2176 : index
    %swap3A_257 = tpu.vector_load %arg7[%swap3A_256] {strides = array<i32>} : memref<4096xf32, #tpu.memory_space<vmem>>, vector<16xf32>,
    tpu.vector_store %arg7[%swap3A_256], %gather3A_255 {strides = array<i32>} : memref<4096xf32, #tpu.memory_space<vmem>>, vector<16xf32>,
    %add3A_258 = arith.constant 3072 : i32
    %add3A_259 = vector.broadcast %add3A_258 : i32 to vector<16xi32>
    %add3A_260 = arith.addi %get3A_239, %add3A_259 : vector<16xi32>
    %gather3A_261 = tpu.vector_load_idx %arg5[%add3A_260] : memref<4096xf32, #tpu.memory_space<vmem>>[vector<16xi32>], vector<16xf32>,
    %swap3A_262 = arith.constant 3200 : index
    %swap3A_263 = tpu.vector_load %arg7[%swap3A_262] {strides = array<i32>} : memref<4096xf32, #tpu.memory_space<vmem>>, vector<16xf32>,
    tpu.vector_store %arg7[%swap3A_262], %gather3A_261 {strides = array<i32>} : memref<4096xf32, #tpu.memory_space<vmem>>, vector<16xf32>,
    %get3A_264 = arith.constant 144 : index
    %get3A_265 = tpu.vector_load %arg6[%get3A_264] {strides = array<i32>} : memref<1024xi32, #tpu.memory_space<vmem>>, vector<16xi32>,
    %add3A_266 = arith.constant 0 : i32
    %add3A_267 = vector.broadcast %add3A_266 : i32 to vector<16xi32>
    %add3A_268 = arith.addi %get3A_265, %add3A_267 : vector<16xi32>
    %gather3A_269 = tpu.vector_load_idx %arg5[%add3A_268] : memref<4096xf32, #tpu.memory_space<vmem>>[vector<16xi32>], vector<16xf32>,
    %swap3A_270 = arith.constant 144 : index
    %swap3A_271 = tpu.vector_load %arg7[%swap3A_270] {strides = array<i32>} : memref<4096xf32, #tpu.memory_space<vmem>>, vector<16xf32>,
    tpu.vector_store %arg7[%swap3A_270], %gather3A_269 {strides = array<i32>} : memref<4096xf32, #tpu.memory_space<vmem>>, vector<16xf32>,
    %add3A_272 = arith.constant 1024 : i32
    %add3A_273 = vector.broadcast %add3A_272 : i32 to vector<16xi32>
    %add3A_274 = arith.addi %get3A_265, %add3A_273 : vector<16xi32>
    %gather3A_275 = tpu.vector_load_idx %arg5[%add3A_274] : memref<4096xf32, #tpu.memory_space<vmem>>[vector<16xi32>], vector<16xf32>,
    %swap3A_276 = arith.constant 1168 : index
    %swap3A_277 = tpu.vector_load %arg7[%swap3A_276] {strides = array<i32>} : memref<4096xf32, #tpu.memory_space<vmem>>, vector<16xf32>,
    tpu.vector_store %arg7[%swap3A_276], %gather3A_275 {strides = array<i32>} : memref<4096xf32, #tpu.memory_space<vmem>>, vector<16xf32>,
    %add3A_278 = arith.constant 2048 : i32
    %add3A_279 = vector.broadcast %add3A_278 : i32 to vector<16xi32>
    %add3A_280 = arith.addi %get3A_265, %add3A_279 : vector<16xi32>
    %gather3A_281 = tpu.vector_load_idx %arg5[%add3A_280] : memref<4096xf32, #tpu.memory_space<vmem>>[vector<16xi32>], vector<16xf32>,
    %swap3A_282 = arith.constant 2192 : index
    %swap3A_283 = tpu.vector_load %arg7[%swap3A_282] {strides = array<i32>} : memref<4096xf32, #tpu.memory_space<vmem>>, vector<16xf32>,
    tpu.vector_store %arg7[%swap3A_282], %gather3A_281 {strides = array<i32>} : memref<4096xf32, #tpu.memory_space<vmem>>, vector<16xf32>,
    %add3A_284 = arith.constant 3072 : i32
    %add3A_285 = vector.broadcast %add3A_284 : i32 to vector<16xi32>
    %add3A_286 = arith.addi %get3A_265, %add3A_285 : vector<16xi32>
    %gather3A_287 = tpu.vector_load_idx %arg5[%add3A_286] : memref<4096xf32, #tpu.memory_space<vmem>>[vector<16xi32>], vector<16xf32>,
    %swap3A_288 = arith.constant 3216 : index
    %swap3A_289 = tpu.vector_load %arg7[%swap3A_288] {strides = array<i32>} : memref<4096xf32, #tpu.memory_space<vmem>>, vector<16xf32>,
    tpu.vector_store %arg7[%swap3A_288], %gather3A_287 {strides = array<i32>} : memref<4096xf32, #tpu.memory_space<vmem>>, vector<16xf32>,
    %get3A_290 = arith.constant 160 : index
    %get3A_291 = tpu.vector_load %arg6[%get3A_290] {strides = array<i32>} : memref<1024xi32, #tpu.memory_space<vmem>>, vector<16xi32>,
    %add3A_292 = arith.constant 0 : i32
    %add3A_293 = vector.broadcast %add3A_292 : i32 to vector<16xi32>
    %add3A_294 = arith.addi %get3A_291, %add3A_293 : vector<16xi32>
    %gather3A_295 = tpu.vector_load_idx %arg5[%add3A_294] : memref<4096xf32, #tpu.memory_space<vmem>>[vector<16xi32>], vector<16xf32>,
    %swap3A_296 = arith.constant 160 : index
    %swap3A_297 = tpu.vector_load %arg7[%swap3A_296] {strides = array<i32>} : memref<4096xf32, #tpu.memory_space<vmem>>, vector<16xf32>,
    tpu.vector_store %arg7[%swap3A_296], %gather3A_295 {strides = array<i32>} : memref<4096xf32, #tpu.memory_space<vmem>>, vector<16xf32>,
    %add3A_298 = arith.constant 1024 : i32
    %add3A_299 = vector.broadcast %add3A_298 : i32 to vector<16xi32>
    %add3A_300 = arith.addi %get3A_291, %add3A_299 : vector<16xi32>
    %gather3A_301 = tpu.vector_load_idx %arg5[%add3A_300] : memref<4096xf32, #tpu.memory_space<vmem>>[vector<16xi32>], vector<16xf32>,
    %swap3A_302 = arith.constant 1184 : index
    %swap3A_303 = tpu.vector_load %arg7[%swap3A_302] {strides = array<i32>} : memref<4096xf32, #tpu.memory_space<vmem>>, vector<16xf32>,
    tpu.vector_store %arg7[%swap3A_302], %gather3A_301 {strides = array<i32>} : memref<4096xf32, #tpu.memory_space<vmem>>, vector<16xf32>,
    %add3A_304 = arith.constant 2048 : i32
    %add3A_305 = vector.broadcast %add3A_304 : i32 to vector<16xi32>
    %add3A_306 = arith.addi %get3A_291, %add3A_305 : vector<16xi32>
    %gather3A_307 = tpu.vector_load_idx %arg5[%add3A_306] : memref<4096xf32, #tpu.memory_space<vmem>>[vector<16xi32>], vector<16xf32>,
    %swap3A_308 = arith.constant 2208 : index
    %swap3A_309 = tpu.vector_load %arg7[%swap3A_308] {strides = array<i32>} : memref<4096xf32, #tpu.memory_space<vmem>>, vector<16xf32>,
    tpu.vector_store %arg7[%swap3A_308], %gather3A_307 {strides = array<i32>} : memref<4096xf32, #tpu.memory_space<vmem>>, vector<16xf32>,
    %add3A_310 = arith.constant 3072 : i32
    %add3A_311 = vector.broadcast %add3A_310 : i32 to vector<16xi32>
    %add3A_312 = arith.addi %get3A_291, %add3A_311 : vector<16xi32>
    %gather3A_313 = tpu.vector_load_idx %arg5[%add3A_312] : memref<4096xf32, #tpu.memory_space<vmem>>[vector<16xi32>], vector<16xf32>,
    %swap3A_314 = arith.constant 3232 : index
    %swap3A_315 = tpu.vector_load %arg7[%swap3A_314] {strides = array<i32>} : memref<4096xf32, #tpu.memory_space<vmem>>, vector<16xf32>,
    tpu.vector_store %arg7[%swap3A_314], %gather3A_313 {strides = array<i32>} : memref<4096xf32, #tpu.memory_space<vmem>>, vector<16xf32>,
    %get3A_316 = arith.constant 176 : index
    %get3A_317 = tpu.vector_load %arg6[%get3A_316] {strides = array<i32>} : memref<1024xi32, #tpu.memory_space<vmem>>, vector<16xi32>,
    %add3A_318 = arith.constant 0 : i32
    %add3A_319 = vector.broadcast %add3A_318 : i32 to vector<16xi32>
    %add3A_320 = arith.addi %get3A_317, %add3A_319 : vector<16xi32>
    %gather3A_321 = tpu.vector_load_idx %arg5[%add3A_320] : memref<4096xf32, #tpu.memory_space<vmem>>[vector<16xi32>], vector<16xf32>,
    %swap3A_322 = arith.constant 176 : index
    %swap3A_323 = tpu.vector_load %arg7[%swap3A_322] {strides = array<i32>} : memref<4096xf32, #tpu.memory_space<vmem>>, vector<16xf32>,
    tpu.vector_store %arg7[%swap3A_322], %gather3A_321 {strides = array<i32>} : memref<4096xf32, #tpu.memory_space<vmem>>, vector<16xf32>,
    %add3A_324 = arith.constant 1024 : i32
    %add3A_325 = vector.broadcast %add3A_324 : i32 to vector<16xi32>
    %add3A_326 = arith.addi %get3A_317, %add3A_325 : vector<16xi32>
    %gather3A_327 = tpu.vector_load_idx %arg5[%add3A_326] : memref<4096xf32, #tpu.memory_space<vmem>>[vector<16xi32>], vector<16xf32>,
    %swap3A_328 = arith.constant 1200 : index
    %swap3A_329 = tpu.vector_load %arg7[%swap3A_328] {strides = array<i32>} : memref<4096xf32, #tpu.memory_space<vmem>>, vector<16xf32>,
    tpu.vector_store %arg7[%swap3A_328], %gather3A_327 {strides = array<i32>} : memref<4096xf32, #tpu.memory_space<vmem>>, vector<16xf32>,
    %add3A_330 = arith.constant 2048 : i32
    %add3A_331 = vector.broadcast %add3A_330 : i32 to vector<16xi32>
    %add3A_332 = arith.addi %get3A_317, %add3A_331 : vector<16xi32>
    %gather3A_333 = tpu.vector_load_idx %arg5[%add3A_332] : memref<4096xf32, #tpu.memory_space<vmem>>[vector<16xi32>], vector<16xf32>,
    %swap3A_334 = arith.constant 2224 : index
    %swap3A_335 = tpu.vector_load %arg7[%swap3A_334] {strides = array<i32>} : memref<4096xf32, #tpu.memory_space<vmem>>, vector<16xf32>,
    tpu.vector_store %arg7[%swap3A_334], %gather3A_333 {strides = array<i32>} : memref<4096xf32, #tpu.memory_space<vmem>>, vector<16xf32>,
    %add3A_336 = arith.constant 3072 : i32
    %add3A_337 = vector.broadcast %add3A_336 : i32 to vector<16xi32>
    %add3A_338 = arith.addi %get3A_317, %add3A_337 : vector<16xi32>
    %gather3A_339 = tpu.vector_load_idx %arg5[%add3A_338] : memref<4096xf32, #tpu.memory_space<vmem>>[vector<16xi32>], vector<16xf32>,
    %swap3A_340 = arith.constant 3248 : index
    %swap3A_341 = tpu.vector_load %arg7[%swap3A_340] {strides = array<i32>} : memref<4096xf32, #tpu.memory_space<vmem>>, vector<16xf32>,
    tpu.vector_store %arg7[%swap3A_340], %gather3A_339 {strides = array<i32>} : memref<4096xf32, #tpu.memory_space<vmem>>, vector<16xf32>,
    %get3A_342 = arith.constant 192 : index
    %get3A_343 = tpu.vector_load %arg6[%get3A_342] {strides = array<i32>} : memref<1024xi32, #tpu.memory_space<vmem>>, vector<16xi32>,
    %add3A_344 = arith.constant 0 : i32
    %add3A_345 = vector.broadcast %add3A_344 : i32 to vector<16xi32>
    %add3A_346 = arith.addi %get3A_343, %add3A_345 : vector<16xi32>
    %gather3A_347 = tpu.vector_load_idx %arg5[%add3A_346] : memref<4096xf32, #tpu.memory_space<vmem>>[vector<16xi32>], vector<16xf32>,
    %swap3A_348 = arith.constant 192 : index
    %swap3A_349 = tpu.vector_load %arg7[%swap3A_348] {strides = array<i32>} : memref<4096xf32, #tpu.memory_space<vmem>>, vector<16xf32>,
    tpu.vector_store %arg7[%swap3A_348], %gather3A_347 {strides = array<i32>} : memref<4096xf32, #tpu.memory_space<vmem>>, vector<16xf32>,
    %add3A_350 = arith.constant 1024 : i32
    %add3A_351 = vector.broadcast %add3A_350 : i32 to vector<16xi32>
    %add3A_352 = arith.addi %get3A_343, %add3A_351 : vector<16xi32>
    %gather3A_353 = tpu.vector_load_idx %arg5[%add3A_352] : memref<4096xf32, #tpu.memory_space<vmem>>[vector<16xi32>], vector<16xf32>,
    %swap3A_354 = arith.constant 1216 : index
    %swap3A_355 = tpu.vector_load %arg7[%swap3A_354] {strides = array<i32>} : memref<4096xf32, #tpu.memory_space<vmem>>, vector<16xf32>,
    tpu.vector_store %arg7[%swap3A_354], %gather3A_353 {strides = array<i32>} : memref<4096xf32, #tpu.memory_space<vmem>>, vector<16xf32>,
    %add3A_356 = arith.constant 2048 : i32
    %add3A_357 = vector.broadcast %add3A_356 : i32 to vector<16xi32>
    %add3A_358 = arith.addi %get3A_343, %add3A_357 : vector<16xi32>
    %gather3A_359 = tpu.vector_load_idx %arg5[%add3A_358] : memref<4096xf32, #tpu.memory_space<vmem>>[vector<16xi32>], vector<16xf32>,
    %swap3A_360 = arith.constant 2240 : index
    %swap3A_361 = tpu.vector_load %arg7[%swap3A_360] {strides = array<i32>} : memref<4096xf32, #tpu.memory_space<vmem>>, vector<16xf32>,
    tpu.vector_store %arg7[%swap3A_360], %gather3A_359 {strides = array<i32>} : memref<4096xf32, #tpu.memory_space<vmem>>, vector<16xf32>,
    %add3A_362 = arith.constant 3072 : i32
    %add3A_363 = vector.broadcast %add3A_362 : i32 to vector<16xi32>
    %add3A_364 = arith.addi %get3A_343, %add3A_363 : vector<16xi32>
    %gather3A_365 = tpu.vector_load_idx %arg5[%add3A_364] : memref<4096xf32, #tpu.memory_space<vmem>>[vector<16xi32>], vector<16xf32>,
    %swap3A_366 = arith.constant 3264 : index
    %swap3A_367 = tpu.vector_load %arg7[%swap3A_366] {strides = array<i32>} : memref<4096xf32, #tpu.memory_space<vmem>>, vector<16xf32>,
    tpu.vector_store %arg7[%swap3A_366], %gather3A_365 {strides = array<i32>} : memref<4096xf32, #tpu.memory_space<vmem>>, vector<16xf32>,
    %get3A_368 = arith.constant 208 : index
    %get3A_369 = tpu.vector_load %arg6[%get3A_368] {strides = array<i32>} : memref<1024xi32, #tpu.memory_space<vmem>>, vector<16xi32>,
    %add3A_370 = arith.constant 0 : i32
    %add3A_371 = vector.broadcast %add3A_370 : i32 to vector<16xi32>
    %add3A_372 = arith.addi %get3A_369, %add3A_371 : vector<16xi32>
    %gather3A_373 = tpu.vector_load_idx %arg5[%add3A_372] : memref<4096xf32, #tpu.memory_space<vmem>>[vector<16xi32>], vector<16xf32>,
    %swap3A_374 = arith.constant 208 : index
    %swap3A_375 = tpu.vector_load %arg7[%swap3A_374] {strides = array<i32>} : memref<4096xf32, #tpu.memory_space<vmem>>, vector<16xf32>,
    tpu.vector_store %arg7[%swap3A_374], %gather3A_373 {strides = array<i32>} : memref<4096xf32, #tpu.memory_space<vmem>>, vector<16xf32>,
    %add3A_376 = arith.constant 1024 : i32
    %add3A_377 = vector.broadcast %add3A_376 : i32 to vector<16xi32>
    %add3A_378 = arith.addi %get3A_369, %add3A_377 : vector<16xi32>
    %gather3A_379 = tpu.vector_load_idx %arg5[%add3A_378] : memref<4096xf32, #tpu.memory_space<vmem>>[vector<16xi32>], vector<16xf32>,
    %swap3A_380 = arith.constant 1232 : index
    %swap3A_381 = tpu.vector_load %arg7[%swap3A_380] {strides = array<i32>} : memref<4096xf32, #tpu.memory_space<vmem>>, vector<16xf32>,
    tpu.vector_store %arg7[%swap3A_380], %gather3A_379 {strides = array<i32>} : memref<4096xf32, #tpu.memory_space<vmem>>, vector<16xf32>,
    %add3A_382 = arith.constant 2048 : i32
    %add3A_383 = vector.broadcast %add3A_382 : i32 to vector<16xi32>
    %add3A_384 = arith.addi %get3A_369, %add3A_383 : vector<16xi32>
    %gather3A_385 = tpu.vector_load_idx %arg5[%add3A_384] : memref<4096xf32, #tpu.memory_space<vmem>>[vector<16xi32>], vector<16xf32>,
    %swap3A_386 = arith.constant 2256 : index
    %swap3A_387 = tpu.vector_load %arg7[%swap3A_386] {strides = array<i32>} : memref<4096xf32, #tpu.memory_space<vmem>>, vector<16xf32>,
    tpu.vector_store %arg7[%swap3A_386], %gather3A_385 {strides = array<i32>} : memref<4096xf32, #tpu.memory_space<vmem>>, vector<16xf32>,
    %add3A_388 = arith.constant 3072 : i32
    %add3A_389 = vector.broadcast %add3A_388 : i32 to vector<16xi32>
    %add3A_390 = arith.addi %get3A_369, %add3A_389 : vector<16xi32>
    %gather3A_391 = tpu.vector_load_idx %arg5[%add3A_390] : memref<4096xf32, #tpu.memory_space<vmem>>[vector<16xi32>], vector<16xf32>,
    %swap3A_392 = arith.constant 3280 : index
    %swap3A_393 = tpu.vector_load %arg7[%swap3A_392] {strides = array<i32>} : memref<4096xf32, #tpu.memory_space<vmem>>, vector<16xf32>,
    tpu.vector_store %arg7[%swap3A_392], %gather3A_391 {strides = array<i32>} : memref<4096xf32, #tpu.memory_space<vmem>>, vector<16xf32>,
    %get3A_394 = arith.constant 224 : index
    %get3A_395 = tpu.vector_load %arg6[%get3A_394] {strides = array<i32>} : memref<1024xi32, #tpu.memory_space<vmem>>, vector<16xi32>,
    %add3A_396 = arith.constant 0 : i32
    %add3A_397 = vector.broadcast %add3A_396 : i32 to vector<16xi32>
    %add3A_398 = arith.addi %get3A_395, %add3A_397 : vector<16xi32>
    %gather3A_399 = tpu.vector_load_idx %arg5[%add3A_398] : memref<4096xf32, #tpu.memory_space<vmem>>[vector<16xi32>], vector<16xf32>,
    %swap3A_400 = arith.constant 224 : index
    %swap3A_401 = tpu.vector_load %arg7[%swap3A_400] {strides = array<i32>} : memref<4096xf32, #tpu.memory_space<vmem>>, vector<16xf32>,
    tpu.vector_store %arg7[%swap3A_400], %gather3A_399 {strides = array<i32>} : memref<4096xf32, #tpu.memory_space<vmem>>, vector<16xf32>,
    %add3A_402 = arith.constant 1024 : i32
    %add3A_403 = vector.broadcast %add3A_402 : i32 to vector<16xi32>
    %add3A_404 = arith.addi %get3A_395, %add3A_403 : vector<16xi32>
    %gather3A_405 = tpu.vector_load_idx %arg5[%add3A_404] : memref<4096xf32, #tpu.memory_space<vmem>>[vector<16xi32>], vector<16xf32>,
    %swap3A_406 = arith.constant 1248 : index
    %swap3A_407 = tpu.vector_load %arg7[%swap3A_406] {strides = array<i32>} : memref<4096xf32, #tpu.memory_space<vmem>>, vector<16xf32>,
    tpu.vector_store %arg7[%swap3A_406], %gather3A_405 {strides = array<i32>} : memref<4096xf32, #tpu.memory_space<vmem>>, vector<16xf32>,
    %add3A_408 = arith.constant 2048 : i32
    %add3A_409 = vector.broadcast %add3A_408 : i32 to vector<16xi32>
    %add3A_410 = arith.addi %get3A_395, %add3A_409 : vector<16xi32>
    %gather3A_411 = tpu.vector_load_idx %arg5[%add3A_410] : memref<4096xf32, #tpu.memory_space<vmem>>[vector<16xi32>], vector<16xf32>,
    %swap3A_412 = arith.constant 2272 : index
    %swap3A_413 = tpu.vector_load %arg7[%swap3A_412] {strides = array<i32>} : memref<4096xf32, #tpu.memory_space<vmem>>, vector<16xf32>,
    tpu.vector_store %arg7[%swap3A_412], %gather3A_411 {strides = array<i32>} : memref<4096xf32, #tpu.memory_space<vmem>>, vector<16xf32>,
    %add3A_414 = arith.constant 3072 : i32
    %add3A_415 = vector.broadcast %add3A_414 : i32 to vector<16xi32>
    %add3A_416 = arith.addi %get3A_395, %add3A_415 : vector<16xi32>
    %gather3A_417 = tpu.vector_load_idx %arg5[%add3A_416] : memref<4096xf32, #tpu.memory_space<vmem>>[vector<16xi32>], vector<16xf32>,
    %swap3A_418 = arith.constant 3296 : index
    %swap3A_419 = tpu.vector_load %arg7[%swap3A_418] {strides = array<i32>} : memref<4096xf32, #tpu.memory_space<vmem>>, vector<16xf32>,
    tpu.vector_store %arg7[%swap3A_418], %gather3A_417 {strides = array<i32>} : memref<4096xf32, #tpu.memory_space<vmem>>, vector<16xf32>,
    %get3A_420 = arith.constant 240 : index
    %get3A_421 = tpu.vector_load %arg6[%get3A_420] {strides = array<i32>} : memref<1024xi32, #tpu.memory_space<vmem>>, vector<16xi32>,
    %add3A_422 = arith.constant 0 : i32
    %add3A_423 = vector.broadcast %add3A_422 : i32 to vector<16xi32>
    %add3A_424 = arith.addi %get3A_421, %add3A_423 : vector<16xi32>
    %gather3A_425 = tpu.vector_load_idx %arg5[%add3A_424] : memref<4096xf32, #tpu.memory_space<vmem>>[vector<16xi32>], vector<16xf32>,
    %swap3A_426 = arith.constant 240 : index
    %swap3A_427 = tpu.vector_load %arg7[%swap3A_426] {strides = array<i32>} : memref<4096xf32, #tpu.memory_space<vmem>>, vector<16xf32>,
    tpu.vector_store %arg7[%swap3A_426], %gather3A_425 {strides = array<i32>} : memref<4096xf32, #tpu.memory_space<vmem>>, vector<16xf32>,
    %add3A_428 = arith.constant 1024 : i32
    %add3A_429 = vector.broadcast %add3A_428 : i32 to vector<16xi32>
    %add3A_430 = arith.addi %get3A_421, %add3A_429 : vector<16xi32>
    %gather3A_431 = tpu.vector_load_idx %arg5[%add3A_430] : memref<4096xf32, #tpu.memory_space<vmem>>[vector<16xi32>], vector<16xf32>,
    %swap3A_432 = arith.constant 1264 : index
    %swap3A_433 = tpu.vector_load %arg7[%swap3A_432] {strides = array<i32>} : memref<4096xf32, #tpu.memory_space<vmem>>, vector<16xf32>,
    tpu.vector_store %arg7[%swap3A_432], %gather3A_431 {strides = array<i32>} : memref<4096xf32, #tpu.memory_space<vmem>>, vector<16xf32>,
    %add3A_434 = arith.constant 2048 : i32
    %add3A_435 = vector.broadcast %add3A_434 : i32 to vector<16xi32>
    %add3A_436 = arith.addi %get3A_421, %add3A_435 : vector<16xi32>
    %gather3A_437 = tpu.vector_load_idx %arg5[%add3A_436] : memref<4096xf32, #tpu.memory_space<vmem>>[vector<16xi32>], vector<16xf32>,
    %swap3A_438 = arith.constant 2288 : index
    %swap3A_439 = tpu.vector_load %arg7[%swap3A_438] {strides = array<i32>} : memref<4096xf32, #tpu.memory_space<vmem>>, vector<16xf32>,
    tpu.vector_store %arg7[%swap3A_438], %gather3A_437 {strides = array<i32>} : memref<4096xf32, #tpu.memory_space<vmem>>, vector<16xf32>,
    %add3A_440 = arith.constant 3072 : i32
    %add3A_441 = vector.broadcast %add3A_440 : i32 to vector<16xi32>
    %add3A_442 = arith.addi %get3A_421, %add3A_441 : vector<16xi32>
    %gather3A_443 = tpu.vector_load_idx %arg5[%add3A_442] : memref<4096xf32, #tpu.memory_space<vmem>>[vector<16xi32>], vector<16xf32>,
    %swap3A_444 = arith.constant 3312 : index
    %swap3A_445 = tpu.vector_load %arg7[%swap3A_444] {strides = array<i32>} : memref<4096xf32, #tpu.memory_space<vmem>>, vector<16xf32>,
    tpu.vector_store %arg7[%swap3A_444], %gather3A_443 {strides = array<i32>} : memref<4096xf32, #tpu.memory_space<vmem>>, vector<16xf32>,
    %get3A_446 = arith.constant 256 : index
    %get3A_447 = tpu.vector_load %arg6[%get3A_446] {strides = array<i32>} : memref<1024xi32, #tpu.memory_space<vmem>>, vector<16xi32>,
    %add3A_448 = arith.constant 0 : i32
    %add3A_449 = vector.broadcast %add3A_448 : i32 to vector<16xi32>
    %add3A_450 = arith.addi %get3A_447, %add3A_449 : vector<16xi32>
    %gather3A_451 = tpu.vector_load_idx %arg5[%add3A_450] : memref<4096xf32, #tpu.memory_space<vmem>>[vector<16xi32>], vector<16xf32>,
    %swap3A_452 = arith.constant 256 : index
    %swap3A_453 = tpu.vector_load %arg7[%swap3A_452] {strides = array<i32>} : memref<4096xf32, #tpu.memory_space<vmem>>, vector<16xf32>,
    tpu.vector_store %arg7[%swap3A_452], %gather3A_451 {strides = array<i32>} : memref<4096xf32, #tpu.memory_space<vmem>>, vector<16xf32>,
    %add3A_454 = arith.constant 1024 : i32
    %add3A_455 = vector.broadcast %add3A_454 : i32 to vector<16xi32>
    %add3A_456 = arith.addi %get3A_447, %add3A_455 : vector<16xi32>
    %gather3A_457 = tpu.vector_load_idx %arg5[%add3A_456] : memref<4096xf32, #tpu.memory_space<vmem>>[vector<16xi32>], vector<16xf32>,
    %swap3A_458 = arith.constant 1280 : index
    %swap3A_459 = tpu.vector_load %arg7[%swap3A_458] {strides = array<i32>} : memref<4096xf32, #tpu.memory_space<vmem>>, vector<16xf32>,
    tpu.vector_store %arg7[%swap3A_458], %gather3A_457 {strides = array<i32>} : memref<4096xf32, #tpu.memory_space<vmem>>, vector<16xf32>,
    %add3A_460 = arith.constant 2048 : i32
    %add3A_461 = vector.broadcast %add3A_460 : i32 to vector<16xi32>
    %add3A_462 = arith.addi %get3A_447, %add3A_461 : vector<16xi32>
    %gather3A_463 = tpu.vector_load_idx %arg5[%add3A_462] : memref<4096xf32, #tpu.memory_space<vmem>>[vector<16xi32>], vector<16xf32>,
    %swap3A_464 = arith.constant 2304 : index
    %swap3A_465 = tpu.vector_load %arg7[%swap3A_464] {strides = array<i32>} : memref<4096xf32, #tpu.memory_space<vmem>>, vector<16xf32>,
    tpu.vector_store %arg7[%swap3A_464], %gather3A_463 {strides = array<i32>} : memref<4096xf32, #tpu.memory_space<vmem>>, vector<16xf32>,
    %add3A_466 = arith.constant 3072 : i32
    %add3A_467 = vector.broadcast %add3A_466 : i32 to vector<16xi32>
    %add3A_468 = arith.addi %get3A_447, %add3A_467 : vector<16xi32>
    %gather3A_469 = tpu.vector_load_idx %arg5[%add3A_468] : memref<4096xf32, #tpu.memory_space<vmem>>[vector<16xi32>], vector<16xf32>,
    %swap3A_470 = arith.constant 3328 : index
    %swap3A_471 = tpu.vector_load %arg7[%swap3A_470] {strides = array<i32>} : memref<4096xf32, #tpu.memory_space<vmem>>, vector<16xf32>,
    tpu.vector_store %arg7[%swap3A_470], %gather3A_469 {strides = array<i32>} : memref<4096xf32, #tpu.memory_space<vmem>>, vector<16xf32>,
    %get3A_472 = arith.constant 272 : index
    %get3A_473 = tpu.vector_load %arg6[%get3A_472] {strides = array<i32>} : memref<1024xi32, #tpu.memory_space<vmem>>, vector<16xi32>,
    %add3A_474 = arith.constant 0 : i32
    %add3A_475 = vector.broadcast %add3A_474 : i32 to vector<16xi32>
    %add3A_476 = arith.addi %get3A_473, %add3A_475 : vector<16xi32>
    %gather3A_477 = tpu.vector_load_idx %arg5[%add3A_476] : memref<4096xf32, #tpu.memory_space<vmem>>[vector<16xi32>], vector<16xf32>,
    %swap3A_478 = arith.constant 272 : index
    %swap3A_479 = tpu.vector_load %arg7[%swap3A_478] {strides = array<i32>} : memref<4096xf32, #tpu.memory_space<vmem>>, vector<16xf32>,
    tpu.vector_store %arg7[%swap3A_478], %gather3A_477 {strides = array<i32>} : memref<4096xf32, #tpu.memory_space<vmem>>, vector<16xf32>,
    %add3A_480 = arith.constant 1024 : i32
    %add3A_481 = vector.broadcast %add3A_480 : i32 to vector<16xi32>
    %add3A_482 = arith.addi %get3A_473, %add3A_481 : vector<16xi32>
    %gather3A_483 = tpu.vector_load_idx %arg5[%add3A_482] : memref<4096xf32, #tpu.memory_space<vmem>>[vector<16xi32>], vector<16xf32>,
    %swap3A_484 = arith.constant 1296 : index
    %swap3A_485 = tpu.vector_load %arg7[%swap3A_484] {strides = array<i32>} : memref<4096xf32, #tpu.memory_space<vmem>>, vector<16xf32>,
    tpu.vector_store %arg7[%swap3A_484], %gather3A_483 {strides = array<i32>} : memref<4096xf32, #tpu.memory_space<vmem>>, vector<16xf32>,
    %add3A_486 = arith.constant 2048 : i32
    %add3A_487 = vector.broadcast %add3A_486 : i32 to vector<16xi32>
    %add3A_488 = arith.addi %get3A_473, %add3A_487 : vector<16xi32>
    %gather3A_489 = tpu.vector_load_idx %arg5[%add3A_488] : memref<4096xf32, #tpu.memory_space<vmem>>[vector<16xi32>], vector<16xf32>,
    %swap3A_490 = arith.constant 2320 : index
    %swap3A_491 = tpu.vector_load %arg7[%swap3A_490] {strides = array<i32>} : memref<4096xf32, #tpu.memory_space<vmem>>, vector<16xf32>,
    tpu.vector_store %arg7[%swap3A_490], %gather3A_489 {strides = array<i32>} : memref<4096xf32, #tpu.memory_space<vmem>>, vector<16xf32>,
    %add3A_492 = arith.constant 3072 : i32
    %add3A_493 = vector.broadcast %add3A_492 : i32 to vector<16xi32>
    %add3A_494 = arith.addi %get3A_473, %add3A_493 : vector<16xi32>
    %gather3A_495 = tpu.vector_load_idx %arg5[%add3A_494] : memref<4096xf32, #tpu.memory_space<vmem>>[vector<16xi32>], vector<16xf32>,
    %swap3A_496 = arith.constant 3344 : index
    %swap3A_497 = tpu.vector_load %arg7[%swap3A_496] {strides = array<i32>} : memref<4096xf32, #tpu.memory_space<vmem>>, vector<16xf32>,
    tpu.vector_store %arg7[%swap3A_496], %gather3A_495 {strides = array<i32>} : memref<4096xf32, #tpu.memory_space<vmem>>, vector<16xf32>,
    %get3A_498 = arith.constant 288 : index
    %get3A_499 = tpu.vector_load %arg6[%get3A_498] {strides = array<i32>} : memref<1024xi32, #tpu.memory_space<vmem>>, vector<16xi32>,
    %add3A_500 = arith.constant 0 : i32
    %add3A_501 = vector.broadcast %add3A_500 : i32 to vector<16xi32>
    %add3A_502 = arith.addi %get3A_499, %add3A_501 : vector<16xi32>
    %gather3A_503 = tpu.vector_load_idx %arg5[%add3A_502] : memref<4096xf32, #tpu.memory_space<vmem>>[vector<16xi32>], vector<16xf32>,
    %swap3A_504 = arith.constant 288 : index
    %swap3A_505 = tpu.vector_load %arg7[%swap3A_504] {strides = array<i32>} : memref<4096xf32, #tpu.memory_space<vmem>>, vector<16xf32>,
    tpu.vector_store %arg7[%swap3A_504], %gather3A_503 {strides = array<i32>} : memref<4096xf32, #tpu.memory_space<vmem>>, vector<16xf32>,
    %add3A_506 = arith.constant 1024 : i32
    %add3A_507 = vector.broadcast %add3A_506 : i32 to vector<16xi32>
    %add3A_508 = arith.addi %get3A_499, %add3A_507 : vector<16xi32>
    %gather3A_509 = tpu.vector_load_idx %arg5[%add3A_508] : memref<4096xf32, #tpu.memory_space<vmem>>[vector<16xi32>], vector<16xf32>,
    %swap3A_510 = arith.constant 1312 : index
    %swap3A_511 = tpu.vector_load %arg7[%swap3A_510] {strides = array<i32>} : memref<4096xf32, #tpu.memory_space<vmem>>, vector<16xf32>,
    tpu.vector_store %arg7[%swap3A_510], %gather3A_509 {strides = array<i32>} : memref<4096xf32, #tpu.memory_space<vmem>>, vector<16xf32>,
    %add3A_512 = arith.constant 2048 : i32
    %add3A_513 = vector.broadcast %add3A_512 : i32 to vector<16xi32>
    %add3A_514 = arith.addi %get3A_499, %add3A_513 : vector<16xi32>
    %gather3A_515 = tpu.vector_load_idx %arg5[%add3A_514] : memref<4096xf32, #tpu.memory_space<vmem>>[vector<16xi32>], vector<16xf32>,
    %swap3A_516 = arith.constant 2336 : index
    %swap3A_517 = tpu.vector_load %arg7[%swap3A_516] {strides = array<i32>} : memref<4096xf32, #tpu.memory_space<vmem>>, vector<16xf32>,
    tpu.vector_store %arg7[%swap3A_516], %gather3A_515 {strides = array<i32>} : memref<4096xf32, #tpu.memory_space<vmem>>, vector<16xf32>,
    %add3A_518 = arith.constant 3072 : i32
    %add3A_519 = vector.broadcast %add3A_518 : i32 to vector<16xi32>
    %add3A_520 = arith.addi %get3A_499, %add3A_519 : vector<16xi32>
    %gather3A_521 = tpu.vector_load_idx %arg5[%add3A_520] : memref<4096xf32, #tpu.memory_space<vmem>>[vector<16xi32>], vector<16xf32>,
    %swap3A_522 = arith.constant 3360 : index
    %swap3A_523 = tpu.vector_load %arg7[%swap3A_522] {strides = array<i32>} : memref<4096xf32, #tpu.memory_space<vmem>>, vector<16xf32>,
    tpu.vector_store %arg7[%swap3A_522], %gather3A_521 {strides = array<i32>} : memref<4096xf32, #tpu.memory_space<vmem>>, vector<16xf32>,
    %get3A_524 = arith.constant 304 : index
    %get3A_525 = tpu.vector_load %arg6[%get3A_524] {strides = array<i32>} : memref<1024xi32, #tpu.memory_space<vmem>>, vector<16xi32>,
    %add3A_526 = arith.constant 0 : i32
    %add3A_527 = vector.broadcast %add3A_526 : i32 to vector<16xi32>
    %add3A_528 = arith.addi %get3A_525, %add3A_527 : vector<16xi32>
    %gather3A_529 = tpu.vector_load_idx %arg5[%add3A_528] : memref<4096xf32, #tpu.memory_space<vmem>>[vector<16xi32>], vector<16xf32>,
    %swap3A_530 = arith.constant 304 : index
    %swap3A_531 = tpu.vector_load %arg7[%swap3A_530] {strides = array<i32>} : memref<4096xf32, #tpu.memory_space<vmem>>, vector<16xf32>,
    tpu.vector_store %arg7[%swap3A_530], %gather3A_529 {strides = array<i32>} : memref<4096xf32, #tpu.memory_space<vmem>>, vector<16xf32>,
    %add3A_532 = arith.constant 1024 : i32
    %add3A_533 = vector.broadcast %add3A_532 : i32 to vector<16xi32>
    %add3A_534 = arith.addi %get3A_525, %add3A_533 : vector<16xi32>
    %gather3A_535 = tpu.vector_load_idx %arg5[%add3A_534] : memref<4096xf32, #tpu.memory_space<vmem>>[vector<16xi32>], vector<16xf32>,
    %swap3A_536 = arith.constant 1328 : index
    %swap3A_537 = tpu.vector_load %arg7[%swap3A_536] {strides = array<i32>} : memref<4096xf32, #tpu.memory_space<vmem>>, vector<16xf32>,
    tpu.vector_store %arg7[%swap3A_536], %gather3A_535 {strides = array<i32>} : memref<4096xf32, #tpu.memory_space<vmem>>, vector<16xf32>,
    %add3A_538 = arith.constant 2048 : i32
    %add3A_539 = vector.broadcast %add3A_538 : i32 to vector<16xi32>
    %add3A_540 = arith.addi %get3A_525, %add3A_539 : vector<16xi32>
    %gather3A_541 = tpu.vector_load_idx %arg5[%add3A_540] : memref<4096xf32, #tpu.memory_space<vmem>>[vector<16xi32>], vector<16xf32>,
    %swap3A_542 = arith.constant 2352 : index
    %swap3A_543 = tpu.vector_load %arg7[%swap3A_542] {strides = array<i32>} : memref<4096xf32, #tpu.memory_space<vmem>>, vector<16xf32>,
    tpu.vector_store %arg7[%swap3A_542], %gather3A_541 {strides = array<i32>} : memref<4096xf32, #tpu.memory_space<vmem>>, vector<16xf32>,
    %add3A_544 = arith.constant 3072 : i32
    %add3A_545 = vector.broadcast %add3A_544 : i32 to vector<16xi32>
    %add3A_546 = arith.addi %get3A_525, %add3A_545 : vector<16xi32>
    %gather3A_547 = tpu.vector_load_idx %arg5[%add3A_546] : memref<4096xf32, #tpu.memory_space<vmem>>[vector<16xi32>], vector<16xf32>,
    %swap3A_548 = arith.constant 3376 : index
    %swap3A_549 = tpu.vector_load %arg7[%swap3A_548] {strides = array<i32>} : memref<4096xf32, #tpu.memory_space<vmem>>, vector<16xf32>,
    tpu.vector_store %arg7[%swap3A_548], %gather3A_547 {strides = array<i32>} : memref<4096xf32, #tpu.memory_space<vmem>>, vector<16xf32>,
    %get3A_550 = arith.constant 320 : index
    %get3A_551 = tpu.vector_load %arg6[%get3A_550] {strides = array<i32>} : memref<1024xi32, #tpu.memory_space<vmem>>, vector<16xi32>,
    %add3A_552 = arith.constant 0 : i32
    %add3A_553 = vector.broadcast %add3A_552 : i32 to vector<16xi32>
    %add3A_554 = arith.addi %get3A_551, %add3A_553 : vector<16xi32>
    %gather3A_555 = tpu.vector_load_idx %arg5[%add3A_554] : memref<4096xf32, #tpu.memory_space<vmem>>[vector<16xi32>], vector<16xf32>,
    %swap3A_556 = arith.constant 320 : index
    %swap3A_557 = tpu.vector_load %arg7[%swap3A_556] {strides = array<i32>} : memref<4096xf32, #tpu.memory_space<vmem>>, vector<16xf32>,
    tpu.vector_store %arg7[%swap3A_556], %gather3A_555 {strides = array<i32>} : memref<4096xf32, #tpu.memory_space<vmem>>, vector<16xf32>,
    %add3A_558 = arith.constant 1024 : i32
    %add3A_559 = vector.broadcast %add3A_558 : i32 to vector<16xi32>
    %add3A_560 = arith.addi %get3A_551, %add3A_559 : vector<16xi32>
    %gather3A_561 = tpu.vector_load_idx %arg5[%add3A_560] : memref<4096xf32, #tpu.memory_space<vmem>>[vector<16xi32>], vector<16xf32>,
    %swap3A_562 = arith.constant 1344 : index
    %swap3A_563 = tpu.vector_load %arg7[%swap3A_562] {strides = array<i32>} : memref<4096xf32, #tpu.memory_space<vmem>>, vector<16xf32>,
    tpu.vector_store %arg7[%swap3A_562], %gather3A_561 {strides = array<i32>} : memref<4096xf32, #tpu.memory_space<vmem>>, vector<16xf32>,
    %add3A_564 = arith.constant 2048 : i32
    %add3A_565 = vector.broadcast %add3A_564 : i32 to vector<16xi32>
    %add3A_566 = arith.addi %get3A_551, %add3A_565 : vector<16xi32>
    %gather3A_567 = tpu.vector_load_idx %arg5[%add3A_566] : memref<4096xf32, #tpu.memory_space<vmem>>[vector<16xi32>], vector<16xf32>,
    %swap3A_568 = arith.constant 2368 : index
    %swap3A_569 = tpu.vector_load %arg7[%swap3A_568] {strides = array<i32>} : memref<4096xf32, #tpu.memory_space<vmem>>, vector<16xf32>,
    tpu.vector_store %arg7[%swap3A_568], %gather3A_567 {strides = array<i32>} : memref<4096xf32, #tpu.memory_space<vmem>>, vector<16xf32>,
    %add3A_570 = arith.constant 3072 : i32
    %add3A_571 = vector.broadcast %add3A_570 : i32 to vector<16xi32>
    %add3A_572 = arith.addi %get3A_551, %add3A_571 : vector<16xi32>
    %gather3A_573 = tpu.vector_load_idx %arg5[%add3A_572] : memref<4096xf32, #tpu.memory_space<vmem>>[vector<16xi32>], vector<16xf32>,
    %swap3A_574 = arith.constant 3392 : index
    %swap3A_575 = tpu.vector_load %arg7[%swap3A_574] {strides = array<i32>} : memref<4096xf32, #tpu.memory_space<vmem>>, vector<16xf32>,
    tpu.vector_store %arg7[%swap3A_574], %gather3A_573 {strides = array<i32>} : memref<4096xf32, #tpu.memory_space<vmem>>, vector<16xf32>,
    %get3A_576 = arith.constant 336 : index
    %get3A_577 = tpu.vector_load %arg6[%get3A_576] {strides = array<i32>} : memref<1024xi32, #tpu.memory_space<vmem>>, vector<16xi32>,
    %add3A_578 = arith.constant 0 : i32
    %add3A_579 = vector.broadcast %add3A_578 : i32 to vector<16xi32>
    %add3A_580 = arith.addi %get3A_577, %add3A_579 : vector<16xi32>
    %gather3A_581 = tpu.vector_load_idx %arg5[%add3A_580] : memref<4096xf32, #tpu.memory_space<vmem>>[vector<16xi32>], vector<16xf32>,
    %swap3A_582 = arith.constant 336 : index
    %swap3A_583 = tpu.vector_load %arg7[%swap3A_582] {strides = array<i32>} : memref<4096xf32, #tpu.memory_space<vmem>>, vector<16xf32>,
    tpu.vector_store %arg7[%swap3A_582], %gather3A_581 {strides = array<i32>} : memref<4096xf32, #tpu.memory_space<vmem>>, vector<16xf32>,
    %add3A_584 = arith.constant 1024 : i32
    %add3A_585 = vector.broadcast %add3A_584 : i32 to vector<16xi32>
    %add3A_586 = arith.addi %get3A_577, %add3A_585 : vector<16xi32>
    %gather3A_587 = tpu.vector_load_idx %arg5[%add3A_586] : memref<4096xf32, #tpu.memory_space<vmem>>[vector<16xi32>], vector<16xf32>,
    %swap3A_588 = arith.constant 1360 : index
    %swap3A_589 = tpu.vector_load %arg7[%swap3A_588] {strides = array<i32>} : memref<4096xf32, #tpu.memory_space<vmem>>, vector<16xf32>,
    tpu.vector_store %arg7[%swap3A_588], %gather3A_587 {strides = array<i32>} : memref<4096xf32, #tpu.memory_space<vmem>>, vector<16xf32>,
    %add3A_590 = arith.constant 2048 : i32
    %add3A_591 = vector.broadcast %add3A_590 : i32 to vector<16xi32>
    %add3A_592 = arith.addi %get3A_577, %add3A_591 : vector<16xi32>
    %gather3A_593 = tpu.vector_load_idx %arg5[%add3A_592] : memref<4096xf32, #tpu.memory_space<vmem>>[vector<16xi32>], vector<16xf32>,
    %swap3A_594 = arith.constant 2384 : index
    %swap3A_595 = tpu.vector_load %arg7[%swap3A_594] {strides = array<i32>} : memref<4096xf32, #tpu.memory_space<vmem>>, vector<16xf32>,
    tpu.vector_store %arg7[%swap3A_594], %gather3A_593 {strides = array<i32>} : memref<4096xf32, #tpu.memory_space<vmem>>, vector<16xf32>,
    %add3A_596 = arith.constant 3072 : i32
    %add3A_597 = vector.broadcast %add3A_596 : i32 to vector<16xi32>
    %add3A_598 = arith.addi %get3A_577, %add3A_597 : vector<16xi32>
    %gather3A_599 = tpu.vector_load_idx %arg5[%add3A_598] : memref<4096xf32, #tpu.memory_space<vmem>>[vector<16xi32>], vector<16xf32>,
    %swap3A_600 = arith.constant 3408 : index
    %swap3A_601 = tpu.vector_load %arg7[%swap3A_600] {strides = array<i32>} : memref<4096xf32, #tpu.memory_space<vmem>>, vector<16xf32>,
    tpu.vector_store %arg7[%swap3A_600], %gather3A_599 {strides = array<i32>} : memref<4096xf32, #tpu.memory_space<vmem>>, vector<16xf32>,
    %get3A_602 = arith.constant 352 : index
    %get3A_603 = tpu.vector_load %arg6[%get3A_602] {strides = array<i32>} : memref<1024xi32, #tpu.memory_space<vmem>>, vector<16xi32>,
    %add3A_604 = arith.constant 0 : i32
    %add3A_605 = vector.broadcast %add3A_604 : i32 to vector<16xi32>
    %add3A_606 = arith.addi %get3A_603, %add3A_605 : vector<16xi32>
    %gather3A_607 = tpu.vector_load_idx %arg5[%add3A_606] : memref<4096xf32, #tpu.memory_space<vmem>>[vector<16xi32>], vector<16xf32>,
    %swap3A_608 = arith.constant 352 : index
    %swap3A_609 = tpu.vector_load %arg7[%swap3A_608] {strides = array<i32>} : memref<4096xf32, #tpu.memory_space<vmem>>, vector<16xf32>,
    tpu.vector_store %arg7[%swap3A_608], %gather3A_607 {strides = array<i32>} : memref<4096xf32, #tpu.memory_space<vmem>>, vector<16xf32>,
    %add3A_610 = arith.constant 1024 : i32
    %add3A_611 = vector.broadcast %add3A_610 : i32 to vector<16xi32>
    %add3A_612 = arith.addi %get3A_603, %add3A_611 : vector<16xi32>
    %gather3A_613 = tpu.vector_load_idx %arg5[%add3A_612] : memref<4096xf32, #tpu.memory_space<vmem>>[vector<16xi32>], vector<16xf32>,
    %swap3A_614 = arith.constant 1376 : index
    %swap3A_615 = tpu.vector_load %arg7[%swap3A_614] {strides = array<i32>} : memref<4096xf32, #tpu.memory_space<vmem>>, vector<16xf32>,
    tpu.vector_store %arg7[%swap3A_614], %gather3A_613 {strides = array<i32>} : memref<4096xf32, #tpu.memory_space<vmem>>, vector<16xf32>,
    %add3A_616 = arith.constant 2048 : i32
    %add3A_617 = vector.broadcast %add3A_616 : i32 to vector<16xi32>
    %add3A_618 = arith.addi %get3A_603, %add3A_617 : vector<16xi32>
    %gather3A_619 = tpu.vector_load_idx %arg5[%add3A_618] : memref<4096xf32, #tpu.memory_space<vmem>>[vector<16xi32>], vector<16xf32>,
    %swap3A_620 = arith.constant 2400 : index
    %swap3A_621 = tpu.vector_load %arg7[%swap3A_620] {strides = array<i32>} : memref<4096xf32, #tpu.memory_space<vmem>>, vector<16xf32>,
    tpu.vector_store %arg7[%swap3A_620], %gather3A_619 {strides = array<i32>} : memref<4096xf32, #tpu.memory_space<vmem>>, vector<16xf32>,
    %add3A_622 = arith.constant 3072 : i32
    %add3A_623 = vector.broadcast %add3A_622 : i32 to vector<16xi32>
    %add3A_624 = arith.addi %get3A_603, %add3A_623 : vector<16xi32>
    %gather3A_625 = tpu.vector_load_idx %arg5[%add3A_624] : memref<4096xf32, #tpu.memory_space<vmem>>[vector<16xi32>], vector<16xf32>,
    %swap3A_626 = arith.constant 3424 : index
    %swap3A_627 = tpu.vector_load %arg7[%swap3A_626] {strides = array<i32>} : memref<4096xf32, #tpu.memory_space<vmem>>, vector<16xf32>,
    tpu.vector_store %arg7[%swap3A_626], %gather3A_625 {strides = array<i32>} : memref<4096xf32, #tpu.memory_space<vmem>>, vector<16xf32>,
    %get3A_628 = arith.constant 368 : index
    %get3A_629 = tpu.vector_load %arg6[%get3A_628] {strides = array<i32>} : memref<1024xi32, #tpu.memory_space<vmem>>, vector<16xi32>,
    %add3A_630 = arith.constant 0 : i32
    %add3A_631 = vector.broadcast %add3A_630 : i32 to vector<16xi32>
    %add3A_632 = arith.addi %get3A_629, %add3A_631 : vector<16xi32>
    %gather3A_633 = tpu.vector_load_idx %arg5[%add3A_632] : memref<4096xf32, #tpu.memory_space<vmem>>[vector<16xi32>], vector<16xf32>,
    %swap3A_634 = arith.constant 368 : index
    %swap3A_635 = tpu.vector_load %arg7[%swap3A_634] {strides = array<i32>} : memref<4096xf32, #tpu.memory_space<vmem>>, vector<16xf32>,
    tpu.vector_store %arg7[%swap3A_634], %gather3A_633 {strides = array<i32>} : memref<4096xf32, #tpu.memory_space<vmem>>, vector<16xf32>,
    %add3A_636 = arith.constant 1024 : i32
    %add3A_637 = vector.broadcast %add3A_636 : i32 to vector<16xi32>
    %add3A_638 = arith.addi %get3A_629, %add3A_637 : vector<16xi32>
    %gather3A_639 = tpu.vector_load_idx %arg5[%add3A_638] : memref<4096xf32, #tpu.memory_space<vmem>>[vector<16xi32>], vector<16xf32>,
    %swap3A_640 = arith.constant 1392 : index
    %swap3A_641 = tpu.vector_load %arg7[%swap3A_640] {strides = array<i32>} : memref<4096xf32, #tpu.memory_space<vmem>>, vector<16xf32>,
    tpu.vector_store %arg7[%swap3A_640], %gather3A_639 {strides = array<i32>} : memref<4096xf32, #tpu.memory_space<vmem>>, vector<16xf32>,
    %add3A_642 = arith.constant 2048 : i32
    %add3A_643 = vector.broadcast %add3A_642 : i32 to vector<16xi32>
    %add3A_644 = arith.addi %get3A_629, %add3A_643 : vector<16xi32>
    %gather3A_645 = tpu.vector_load_idx %arg5[%add3A_644] : memref<4096xf32, #tpu.memory_space<vmem>>[vector<16xi32>], vector<16xf32>,
    %swap3A_646 = arith.constant 2416 : index
    %swap3A_647 = tpu.vector_load %arg7[%swap3A_646] {strides = array<i32>} : memref<4096xf32, #tpu.memory_space<vmem>>, vector<16xf32>,
    tpu.vector_store %arg7[%swap3A_646], %gather3A_645 {strides = array<i32>} : memref<4096xf32, #tpu.memory_space<vmem>>, vector<16xf32>,
    %add3A_648 = arith.constant 3072 : i32
    %add3A_649 = vector.broadcast %add3A_648 : i32 to vector<16xi32>
    %add3A_650 = arith.addi %get3A_629, %add3A_649 : vector<16xi32>
    %gather3A_651 = tpu.vector_load_idx %arg5[%add3A_650] : memref<4096xf32, #tpu.memory_space<vmem>>[vector<16xi32>], vector<16xf32>,
    %swap3A_652 = arith.constant 3440 : index
    %swap3A_653 = tpu.vector_load %arg7[%swap3A_652] {strides = array<i32>} : memref<4096xf32, #tpu.memory_space<vmem>>, vector<16xf32>,
    tpu.vector_store %arg7[%swap3A_652], %gather3A_651 {strides = array<i32>} : memref<4096xf32, #tpu.memory_space<vmem>>, vector<16xf32>,
    %get3A_654 = arith.constant 384 : index
    %get3A_655 = tpu.vector_load %arg6[%get3A_654] {strides = array<i32>} : memref<1024xi32, #tpu.memory_space<vmem>>, vector<16xi32>,
    %add3A_656 = arith.constant 0 : i32
    %add3A_657 = vector.broadcast %add3A_656 : i32 to vector<16xi32>
    %add3A_658 = arith.addi %get3A_655, %add3A_657 : vector<16xi32>
    %gather3A_659 = tpu.vector_load_idx %arg5[%add3A_658] : memref<4096xf32, #tpu.memory_space<vmem>>[vector<16xi32>], vector<16xf32>,
    %swap3A_660 = arith.constant 384 : index
    %swap3A_661 = tpu.vector_load %arg7[%swap3A_660] {strides = array<i32>} : memref<4096xf32, #tpu.memory_space<vmem>>, vector<16xf32>,
    tpu.vector_store %arg7[%swap3A_660], %gather3A_659 {strides = array<i32>} : memref<4096xf32, #tpu.memory_space<vmem>>, vector<16xf32>,
    %add3A_662 = arith.constant 1024 : i32
    %add3A_663 = vector.broadcast %add3A_662 : i32 to vector<16xi32>
    %add3A_664 = arith.addi %get3A_655, %add3A_663 : vector<16xi32>
    %gather3A_665 = tpu.vector_load_idx %arg5[%add3A_664] : memref<4096xf32, #tpu.memory_space<vmem>>[vector<16xi32>], vector<16xf32>,
    %swap3A_666 = arith.constant 1408 : index
    %swap3A_667 = tpu.vector_load %arg7[%swap3A_666] {strides = array<i32>} : memref<4096xf32, #tpu.memory_space<vmem>>, vector<16xf32>,
    tpu.vector_store %arg7[%swap3A_666], %gather3A_665 {strides = array<i32>} : memref<4096xf32, #tpu.memory_space<vmem>>, vector<16xf32>,
    %add3A_668 = arith.constant 2048 : i32
    %add3A_669 = vector.broadcast %add3A_668 : i32 to vector<16xi32>
    %add3A_670 = arith.addi %get3A_655, %add3A_669 : vector<16xi32>
    %gather3A_671 = tpu.vector_load_idx %arg5[%add3A_670] : memref<4096xf32, #tpu.memory_space<vmem>>[vector<16xi32>], vector<16xf32>,
    %swap3A_672 = arith.constant 2432 : index
    %swap3A_673 = tpu.vector_load %arg7[%swap3A_672] {strides = array<i32>} : memref<4096xf32, #tpu.memory_space<vmem>>, vector<16xf32>,
    tpu.vector_store %arg7[%swap3A_672], %gather3A_671 {strides = array<i32>} : memref<4096xf32, #tpu.memory_space<vmem>>, vector<16xf32>,
    %add3A_674 = arith.constant 3072 : i32
    %add3A_675 = vector.broadcast %add3A_674 : i32 to vector<16xi32>
    %add3A_676 = arith.addi %get3A_655, %add3A_675 : vector<16xi32>
    %gather3A_677 = tpu.vector_load_idx %arg5[%add3A_676] : memref<4096xf32, #tpu.memory_space<vmem>>[vector<16xi32>], vector<16xf32>,
    %swap3A_678 = arith.constant 3456 : index
    %swap3A_679 = tpu.vector_load %arg7[%swap3A_678] {strides = array<i32>} : memref<4096xf32, #tpu.memory_space<vmem>>, vector<16xf32>,
    tpu.vector_store %arg7[%swap3A_678], %gather3A_677 {strides = array<i32>} : memref<4096xf32, #tpu.memory_space<vmem>>, vector<16xf32>,
    %get3A_680 = arith.constant 400 : index
    %get3A_681 = tpu.vector_load %arg6[%get3A_680] {strides = array<i32>} : memref<1024xi32, #tpu.memory_space<vmem>>, vector<16xi32>,
    %add3A_682 = arith.constant 0 : i32
    %add3A_683 = vector.broadcast %add3A_682 : i32 to vector<16xi32>
    %add3A_684 = arith.addi %get3A_681, %add3A_683 : vector<16xi32>
    %gather3A_685 = tpu.vector_load_idx %arg5[%add3A_684] : memref<4096xf32, #tpu.memory_space<vmem>>[vector<16xi32>], vector<16xf32>,
    %swap3A_686 = arith.constant 400 : index
    %swap3A_687 = tpu.vector_load %arg7[%swap3A_686] {strides = array<i32>} : memref<4096xf32, #tpu.memory_space<vmem>>, vector<16xf32>,
    tpu.vector_store %arg7[%swap3A_686], %gather3A_685 {strides = array<i32>} : memref<4096xf32, #tpu.memory_space<vmem>>, vector<16xf32>,
    %add3A_688 = arith.constant 1024 : i32
    %add3A_689 = vector.broadcast %add3A_688 : i32 to vector<16xi32>
    %add3A_690 = arith.addi %get3A_681, %add3A_689 : vector<16xi32>
    %gather3A_691 = tpu.vector_load_idx %arg5[%add3A_690] : memref<4096xf32, #tpu.memory_space<vmem>>[vector<16xi32>], vector<16xf32>,
    %swap3A_692 = arith.constant 1424 : index
    %swap3A_693 = tpu.vector_load %arg7[%swap3A_692] {strides = array<i32>} : memref<4096xf32, #tpu.memory_space<vmem>>, vector<16xf32>,
    tpu.vector_store %arg7[%swap3A_692], %gather3A_691 {strides = array<i32>} : memref<4096xf32, #tpu.memory_space<vmem>>, vector<16xf32>,
    %add3A_694 = arith.constant 2048 : i32
    %add3A_695 = vector.broadcast %add3A_694 : i32 to vector<16xi32>
    %add3A_696 = arith.addi %get3A_681, %add3A_695 : vector<16xi32>
    %gather3A_697 = tpu.vector_load_idx %arg5[%add3A_696] : memref<4096xf32, #tpu.memory_space<vmem>>[vector<16xi32>], vector<16xf32>,
    %swap3A_698 = arith.constant 2448 : index
    %swap3A_699 = tpu.vector_load %arg7[%swap3A_698] {strides = array<i32>} : memref<4096xf32, #tpu.memory_space<vmem>>, vector<16xf32>,
    tpu.vector_store %arg7[%swap3A_698], %gather3A_697 {strides = array<i32>} : memref<4096xf32, #tpu.memory_space<vmem>>, vector<16xf32>,
    %add3A_700 = arith.constant 3072 : i32
    %add3A_701 = vector.broadcast %add3A_700 : i32 to vector<16xi32>
    %add3A_702 = arith.addi %get3A_681, %add3A_701 : vector<16xi32>
    %gather3A_703 = tpu.vector_load_idx %arg5[%add3A_702] : memref<4096xf32, #tpu.memory_space<vmem>>[vector<16xi32>], vector<16xf32>,
    %swap3A_704 = arith.constant 3472 : index
    %swap3A_705 = tpu.vector_load %arg7[%swap3A_704] {strides = array<i32>} : memref<4096xf32, #tpu.memory_space<vmem>>, vector<16xf32>,
    tpu.vector_store %arg7[%swap3A_704], %gather3A_703 {strides = array<i32>} : memref<4096xf32, #tpu.memory_space<vmem>>, vector<16xf32>,
    %get3A_706 = arith.constant 416 : index
    %get3A_707 = tpu.vector_load %arg6[%get3A_706] {strides = array<i32>} : memref<1024xi32, #tpu.memory_space<vmem>>, vector<16xi32>,
    %add3A_708 = arith.constant 0 : i32
    %add3A_709 = vector.broadcast %add3A_708 : i32 to vector<16xi32>
    %add3A_710 = arith.addi %get3A_707, %add3A_709 : vector<16xi32>
    %gather3A_711 = tpu.vector_load_idx %arg5[%add3A_710] : memref<4096xf32, #tpu.memory_space<vmem>>[vector<16xi32>], vector<16xf32>,
    %swap3A_712 = arith.constant 416 : index
    %swap3A_713 = tpu.vector_load %arg7[%swap3A_712] {strides = array<i32>} : memref<4096xf32, #tpu.memory_space<vmem>>, vector<16xf32>,
    tpu.vector_store %arg7[%swap3A_712], %gather3A_711 {strides = array<i32>} : memref<4096xf32, #tpu.memory_space<vmem>>, vector<16xf32>,
    %add3A_714 = arith.constant 1024 : i32
    %add3A_715 = vector.broadcast %add3A_714 : i32 to vector<16xi32>
    %add3A_716 = arith.addi %get3A_707, %add3A_715 : vector<16xi32>
    %gather3A_717 = tpu.vector_load_idx %arg5[%add3A_716] : memref<4096xf32, #tpu.memory_space<vmem>>[vector<16xi32>], vector<16xf32>,
    %swap3A_718 = arith.constant 1440 : index
    %swap3A_719 = tpu.vector_load %arg7[%swap3A_718] {strides = array<i32>} : memref<4096xf32, #tpu.memory_space<vmem>>, vector<16xf32>,
    tpu.vector_store %arg7[%swap3A_718], %gather3A_717 {strides = array<i32>} : memref<4096xf32, #tpu.memory_space<vmem>>, vector<16xf32>,
    %add3A_720 = arith.constant 2048 : i32
    %add3A_721 = vector.broadcast %add3A_720 : i32 to vector<16xi32>
    %add3A_722 = arith.addi %get3A_707, %add3A_721 : vector<16xi32>
    %gather3A_723 = tpu.vector_load_idx %arg5[%add3A_722] : memref<4096xf32, #tpu.memory_space<vmem>>[vector<16xi32>], vector<16xf32>,
    %swap3A_724 = arith.constant 2464 : index
    %swap3A_725 = tpu.vector_load %arg7[%swap3A_724] {strides = array<i32>} : memref<4096xf32, #tpu.memory_space<vmem>>, vector<16xf32>,
    tpu.vector_store %arg7[%swap3A_724], %gather3A_723 {strides = array<i32>} : memref<4096xf32, #tpu.memory_space<vmem>>, vector<16xf32>,
    %add3A_726 = arith.constant 3072 : i32
    %add3A_727 = vector.broadcast %add3A_726 : i32 to vector<16xi32>
    %add3A_728 = arith.addi %get3A_707, %add3A_727 : vector<16xi32>
    %gather3A_729 = tpu.vector_load_idx %arg5[%add3A_728] : memref<4096xf32, #tpu.memory_space<vmem>>[vector<16xi32>], vector<16xf32>,
    %swap3A_730 = arith.constant 3488 : index
    %swap3A_731 = tpu.vector_load %arg7[%swap3A_730] {strides = array<i32>} : memref<4096xf32, #tpu.memory_space<vmem>>, vector<16xf32>,
    tpu.vector_store %arg7[%swap3A_730], %gather3A_729 {strides = array<i32>} : memref<4096xf32, #tpu.memory_space<vmem>>, vector<16xf32>,
    %get3A_732 = arith.constant 432 : index
    %get3A_733 = tpu.vector_load %arg6[%get3A_732] {strides = array<i32>} : memref<1024xi32, #tpu.memory_space<vmem>>, vector<16xi32>,
    %add3A_734 = arith.constant 0 : i32
    %add3A_735 = vector.broadcast %add3A_734 : i32 to vector<16xi32>
    %add3A_736 = arith.addi %get3A_733, %add3A_735 : vector<16xi32>
    %gather3A_737 = tpu.vector_load_idx %arg5[%add3A_736] : memref<4096xf32, #tpu.memory_space<vmem>>[vector<16xi32>], vector<16xf32>,
    %swap3A_738 = arith.constant 432 : index
    %swap3A_739 = tpu.vector_load %arg7[%swap3A_738] {strides = array<i32>} : memref<4096xf32, #tpu.memory_space<vmem>>, vector<16xf32>,
    tpu.vector_store %arg7[%swap3A_738], %gather3A_737 {strides = array<i32>} : memref<4096xf32, #tpu.memory_space<vmem>>, vector<16xf32>,
    %add3A_740 = arith.constant 1024 : i32
    %add3A_741 = vector.broadcast %add3A_740 : i32 to vector<16xi32>
    %add3A_742 = arith.addi %get3A_733, %add3A_741 : vector<16xi32>
    %gather3A_743 = tpu.vector_load_idx %arg5[%add3A_742] : memref<4096xf32, #tpu.memory_space<vmem>>[vector<16xi32>], vector<16xf32>,
    %swap3A_744 = arith.constant 1456 : index
    %swap3A_745 = tpu.vector_load %arg7[%swap3A_744] {strides = array<i32>} : memref<4096xf32, #tpu.memory_space<vmem>>, vector<16xf32>,
    tpu.vector_store %arg7[%swap3A_744], %gather3A_743 {strides = array<i32>} : memref<4096xf32, #tpu.memory_space<vmem>>, vector<16xf32>,
    %add3A_746 = arith.constant 2048 : i32
    %add3A_747 = vector.broadcast %add3A_746 : i32 to vector<16xi32>
    %add3A_748 = arith.addi %get3A_733, %add3A_747 : vector<16xi32>
    %gather3A_749 = tpu.vector_load_idx %arg5[%add3A_748] : memref<4096xf32, #tpu.memory_space<vmem>>[vector<16xi32>], vector<16xf32>,
    %swap3A_750 = arith.constant 2480 : index
    %swap3A_751 = tpu.vector_load %arg7[%swap3A_750] {strides = array<i32>} : memref<4096xf32, #tpu.memory_space<vmem>>, vector<16xf32>,
    tpu.vector_store %arg7[%swap3A_750], %gather3A_749 {strides = array<i32>} : memref<4096xf32, #tpu.memory_space<vmem>>, vector<16xf32>,
    %add3A_752 = arith.constant 3072 : i32
    %add3A_753 = vector.broadcast %add3A_752 : i32 to vector<16xi32>
    %add3A_754 = arith.addi %get3A_733, %add3A_753 : vector<16xi32>
    %gather3A_755 = tpu.vector_load_idx %arg5[%add3A_754] : memref<4096xf32, #tpu.memory_space<vmem>>[vector<16xi32>], vector<16xf32>,
    %swap3A_756 = arith.constant 3504 : index
    %swap3A_757 = tpu.vector_load %arg7[%swap3A_756] {strides = array<i32>} : memref<4096xf32, #tpu.memory_space<vmem>>, vector<16xf32>,
    tpu.vector_store %arg7[%swap3A_756], %gather3A_755 {strides = array<i32>} : memref<4096xf32, #tpu.memory_space<vmem>>, vector<16xf32>,
    %get3A_758 = arith.constant 448 : index
    %get3A_759 = tpu.vector_load %arg6[%get3A_758] {strides = array<i32>} : memref<1024xi32, #tpu.memory_space<vmem>>, vector<16xi32>,
    %add3A_760 = arith.constant 0 : i32
    %add3A_761 = vector.broadcast %add3A_760 : i32 to vector<16xi32>
    %add3A_762 = arith.addi %get3A_759, %add3A_761 : vector<16xi32>
    %gather3A_763 = tpu.vector_load_idx %arg5[%add3A_762] : memref<4096xf32, #tpu.memory_space<vmem>>[vector<16xi32>], vector<16xf32>,
    %swap3A_764 = arith.constant 448 : index
    %swap3A_765 = tpu.vector_load %arg7[%swap3A_764] {strides = array<i32>} : memref<4096xf32, #tpu.memory_space<vmem>>, vector<16xf32>,
    tpu.vector_store %arg7[%swap3A_764], %gather3A_763 {strides = array<i32>} : memref<4096xf32, #tpu.memory_space<vmem>>, vector<16xf32>,
    %add3A_766 = arith.constant 1024 : i32
    %add3A_767 = vector.broadcast %add3A_766 : i32 to vector<16xi32>
    %add3A_768 = arith.addi %get3A_759, %add3A_767 : vector<16xi32>
    %gather3A_769 = tpu.vector_load_idx %arg5[%add3A_768] : memref<4096xf32, #tpu.memory_space<vmem>>[vector<16xi32>], vector<16xf32>,
    %swap3A_770 = arith.constant 1472 : index
    %swap3A_771 = tpu.vector_load %arg7[%swap3A_770] {strides = array<i32>} : memref<4096xf32, #tpu.memory_space<vmem>>, vector<16xf32>,
    tpu.vector_store %arg7[%swap3A_770], %gather3A_769 {strides = array<i32>} : memref<4096xf32, #tpu.memory_space<vmem>>, vector<16xf32>,
    %add3A_772 = arith.constant 2048 : i32
    %add3A_773 = vector.broadcast %add3A_772 : i32 to vector<16xi32>
    %add3A_774 = arith.addi %get3A_759, %add3A_773 : vector<16xi32>
    %gather3A_775 = tpu.vector_load_idx %arg5[%add3A_774] : memref<4096xf32, #tpu.memory_space<vmem>>[vector<16xi32>], vector<16xf32>,
    %swap3A_776 = arith.constant 2496 : index
    %swap3A_777 = tpu.vector_load %arg7[%swap3A_776] {strides = array<i32>} : memref<4096xf32, #tpu.memory_space<vmem>>, vector<16xf32>,
    tpu.vector_store %arg7[%swap3A_776], %gather3A_775 {strides = array<i32>} : memref<4096xf32, #tpu.memory_space<vmem>>, vector<16xf32>,
    %add3A_778 = arith.constant 3072 : i32
    %add3A_779 = vector.broadcast %add3A_778 : i32 to vector<16xi32>
    %add3A_780 = arith.addi %get3A_759, %add3A_779 : vector<16xi32>
    %gather3A_781 = tpu.vector_load_idx %arg5[%add3A_780] : memref<4096xf32, #tpu.memory_space<vmem>>[vector<16xi32>], vector<16xf32>,
    %swap3A_782 = arith.constant 3520 : index
    %swap3A_783 = tpu.vector_load %arg7[%swap3A_782] {strides = array<i32>} : memref<4096xf32, #tpu.memory_space<vmem>>, vector<16xf32>,
    tpu.vector_store %arg7[%swap3A_782], %gather3A_781 {strides = array<i32>} : memref<4096xf32, #tpu.memory_space<vmem>>, vector<16xf32>,
    %get3A_784 = arith.constant 464 : index
    %get3A_785 = tpu.vector_load %arg6[%get3A_784] {strides = array<i32>} : memref<1024xi32, #tpu.memory_space<vmem>>, vector<16xi32>,
    %add3A_786 = arith.constant 0 : i32
    %add3A_787 = vector.broadcast %add3A_786 : i32 to vector<16xi32>
    %add3A_788 = arith.addi %get3A_785, %add3A_787 : vector<16xi32>
    %gather3A_789 = tpu.vector_load_idx %arg5[%add3A_788] : memref<4096xf32, #tpu.memory_space<vmem>>[vector<16xi32>], vector<16xf32>,
    %swap3A_790 = arith.constant 464 : index
    %swap3A_791 = tpu.vector_load %arg7[%swap3A_790] {strides = array<i32>} : memref<4096xf32, #tpu.memory_space<vmem>>, vector<16xf32>,
    tpu.vector_store %arg7[%swap3A_790], %gather3A_789 {strides = array<i32>} : memref<4096xf32, #tpu.memory_space<vmem>>, vector<16xf32>,
    %add3A_792 = arith.constant 1024 : i32
    %add3A_793 = vector.broadcast %add3A_792 : i32 to vector<16xi32>
    %add3A_794 = arith.addi %get3A_785, %add3A_793 : vector<16xi32>
    %gather3A_795 = tpu.vector_load_idx %arg5[%add3A_794] : memref<4096xf32, #tpu.memory_space<vmem>>[vector<16xi32>], vector<16xf32>,
    %swap3A_796 = arith.constant 1488 : index
    %swap3A_797 = tpu.vector_load %arg7[%swap3A_796] {strides = array<i32>} : memref<4096xf32, #tpu.memory_space<vmem>>, vector<16xf32>,
    tpu.vector_store %arg7[%swap3A_796], %gather3A_795 {strides = array<i32>} : memref<4096xf32, #tpu.memory_space<vmem>>, vector<16xf32>,
    %add3A_798 = arith.constant 2048 : i32
    %add3A_799 = vector.broadcast %add3A_798 : i32 to vector<16xi32>
    %add3A_800 = arith.addi %get3A_785, %add3A_799 : vector<16xi32>
    %gather3A_801 = tpu.vector_load_idx %arg5[%add3A_800] : memref<4096xf32, #tpu.memory_space<vmem>>[vector<16xi32>], vector<16xf32>,
    %swap3A_802 = arith.constant 2512 : index
    %swap3A_803 = tpu.vector_load %arg7[%swap3A_802] {strides = array<i32>} : memref<4096xf32, #tpu.memory_space<vmem>>, vector<16xf32>,
    tpu.vector_store %arg7[%swap3A_802], %gather3A_801 {strides = array<i32>} : memref<4096xf32, #tpu.memory_space<vmem>>, vector<16xf32>,
    %add3A_804 = arith.constant 3072 : i32
    %add3A_805 = vector.broadcast %add3A_804 : i32 to vector<16xi32>
    %add3A_806 = arith.addi %get3A_785, %add3A_805 : vector<16xi32>
    %gather3A_807 = tpu.vector_load_idx %arg5[%add3A_806] : memref<4096xf32, #tpu.memory_space<vmem>>[vector<16xi32>], vector<16xf32>,
    %swap3A_808 = arith.constant 3536 : index
    %swap3A_809 = tpu.vector_load %arg7[%swap3A_808] {strides = array<i32>} : memref<4096xf32, #tpu.memory_space<vmem>>, vector<16xf32>,
    tpu.vector_store %arg7[%swap3A_808], %gather3A_807 {strides = array<i32>} : memref<4096xf32, #tpu.memory_space<vmem>>, vector<16xf32>,
    %get3A_810 = arith.constant 480 : index
    %get3A_811 = tpu.vector_load %arg6[%get3A_810] {strides = array<i32>} : memref<1024xi32, #tpu.memory_space<vmem>>, vector<16xi32>,
    %add3A_812 = arith.constant 0 : i32
    %add3A_813 = vector.broadcast %add3A_812 : i32 to vector<16xi32>
    %add3A_814 = arith.addi %get3A_811, %add3A_813 : vector<16xi32>
    %gather3A_815 = tpu.vector_load_idx %arg5[%add3A_814] : memref<4096xf32, #tpu.memory_space<vmem>>[vector<16xi32>], vector<16xf32>,
    %swap3A_816 = arith.constant 480 : index
    %swap3A_817 = tpu.vector_load %arg7[%swap3A_816] {strides = array<i32>} : memref<4096xf32, #tpu.memory_space<vmem>>, vector<16xf32>,
    tpu.vector_store %arg7[%swap3A_816], %gather3A_815 {strides = array<i32>} : memref<4096xf32, #tpu.memory_space<vmem>>, vector<16xf32>,
    %add3A_818 = arith.constant 1024 : i32
    %add3A_819 = vector.broadcast %add3A_818 : i32 to vector<16xi32>
    %add3A_820 = arith.addi %get3A_811, %add3A_819 : vector<16xi32>
    %gather3A_821 = tpu.vector_load_idx %arg5[%add3A_820] : memref<4096xf32, #tpu.memory_space<vmem>>[vector<16xi32>], vector<16xf32>,
    %swap3A_822 = arith.constant 1504 : index
    %swap3A_823 = tpu.vector_load %arg7[%swap3A_822] {strides = array<i32>} : memref<4096xf32, #tpu.memory_space<vmem>>, vector<16xf32>,
    tpu.vector_store %arg7[%swap3A_822], %gather3A_821 {strides = array<i32>} : memref<4096xf32, #tpu.memory_space<vmem>>, vector<16xf32>,
    %add3A_824 = arith.constant 2048 : i32
    %add3A_825 = vector.broadcast %add3A_824 : i32 to vector<16xi32>
    %add3A_826 = arith.addi %get3A_811, %add3A_825 : vector<16xi32>
    %gather3A_827 = tpu.vector_load_idx %arg5[%add3A_826] : memref<4096xf32, #tpu.memory_space<vmem>>[vector<16xi32>], vector<16xf32>,
    %swap3A_828 = arith.constant 2528 : index
    %swap3A_829 = tpu.vector_load %arg7[%swap3A_828] {strides = array<i32>} : memref<4096xf32, #tpu.memory_space<vmem>>, vector<16xf32>,
    tpu.vector_store %arg7[%swap3A_828], %gather3A_827 {strides = array<i32>} : memref<4096xf32, #tpu.memory_space<vmem>>, vector<16xf32>,
    %add3A_830 = arith.constant 3072 : i32
    %add3A_831 = vector.broadcast %add3A_830 : i32 to vector<16xi32>
    %add3A_832 = arith.addi %get3A_811, %add3A_831 : vector<16xi32>
    %gather3A_833 = tpu.vector_load_idx %arg5[%add3A_832] : memref<4096xf32, #tpu.memory_space<vmem>>[vector<16xi32>], vector<16xf32>,
    %swap3A_834 = arith.constant 3552 : index
    %swap3A_835 = tpu.vector_load %arg7[%swap3A_834] {strides = array<i32>} : memref<4096xf32, #tpu.memory_space<vmem>>, vector<16xf32>,
    tpu.vector_store %arg7[%swap3A_834], %gather3A_833 {strides = array<i32>} : memref<4096xf32, #tpu.memory_space<vmem>>, vector<16xf32>,
    %get3A_836 = arith.constant 496 : index
    %get3A_837 = tpu.vector_load %arg6[%get3A_836] {strides = array<i32>} : memref<1024xi32, #tpu.memory_space<vmem>>, vector<16xi32>,
    %add3A_838 = arith.constant 0 : i32
    %add3A_839 = vector.broadcast %add3A_838 : i32 to vector<16xi32>
    %add3A_840 = arith.addi %get3A_837, %add3A_839 : vector<16xi32>
    %gather3A_841 = tpu.vector_load_idx %arg5[%add3A_840] : memref<4096xf32, #tpu.memory_space<vmem>>[vector<16xi32>], vector<16xf32>,
    %swap3A_842 = arith.constant 496 : index
    %swap3A_843 = tpu.vector_load %arg7[%swap3A_842] {strides = array<i32>} : memref<4096xf32, #tpu.memory_space<vmem>>, vector<16xf32>,
    tpu.vector_store %arg7[%swap3A_842], %gather3A_841 {strides = array<i32>} : memref<4096xf32, #tpu.memory_space<vmem>>, vector<16xf32>,
    %add3A_844 = arith.constant 1024 : i32
    %add3A_845 = vector.broadcast %add3A_844 : i32 to vector<16xi32>
    %add3A_846 = arith.addi %get3A_837, %add3A_845 : vector<16xi32>
    %gather3A_847 = tpu.vector_load_idx %arg5[%add3A_846] : memref<4096xf32, #tpu.memory_space<vmem>>[vector<16xi32>], vector<16xf32>,
    %swap3A_848 = arith.constant 1520 : index
    %swap3A_849 = tpu.vector_load %arg7[%swap3A_848] {strides = array<i32>} : memref<4096xf32, #tpu.memory_space<vmem>>, vector<16xf32>,
    tpu.vector_store %arg7[%swap3A_848], %gather3A_847 {strides = array<i32>} : memref<4096xf32, #tpu.memory_space<vmem>>, vector<16xf32>,
    %add3A_850 = arith.constant 2048 : i32
    %add3A_851 = vector.broadcast %add3A_850 : i32 to vector<16xi32>
    %add3A_852 = arith.addi %get3A_837, %add3A_851 : vector<16xi32>
    %gather3A_853 = tpu.vector_load_idx %arg5[%add3A_852] : memref<4096xf32, #tpu.memory_space<vmem>>[vector<16xi32>], vector<16xf32>,
    %swap3A_854 = arith.constant 2544 : index
    %swap3A_855 = tpu.vector_load %arg7[%swap3A_854] {strides = array<i32>} : memref<4096xf32, #tpu.memory_space<vmem>>, vector<16xf32>,
    tpu.vector_store %arg7[%swap3A_854], %gather3A_853 {strides = array<i32>} : memref<4096xf32, #tpu.memory_space<vmem>>, vector<16xf32>,
    %add3A_856 = arith.constant 3072 : i32
    %add3A_857 = vector.broadcast %add3A_856 : i32 to vector<16xi32>
    %add3A_858 = arith.addi %get3A_837, %add3A_857 : vector<16xi32>
    %gather3A_859 = tpu.vector_load_idx %arg5[%add3A_858] : memref<4096xf32, #tpu.memory_space<vmem>>[vector<16xi32>], vector<16xf32>,
    %swap3A_860 = arith.constant 3568 : index
    %swap3A_861 = tpu.vector_load %arg7[%swap3A_860] {strides = array<i32>} : memref<4096xf32, #tpu.memory_space<vmem>>, vector<16xf32>,
    tpu.vector_store %arg7[%swap3A_860], %gather3A_859 {strides = array<i32>} : memref<4096xf32, #tpu.memory_space<vmem>>, vector<16xf32>,
    %get3A_862 = arith.constant 512 : index
    %get3A_863 = tpu.vector_load %arg6[%get3A_862] {strides = array<i32>} : memref<1024xi32, #tpu.memory_space<vmem>>, vector<16xi32>,
    %add3A_864 = arith.constant 0 : i32
    %add3A_865 = vector.broadcast %add3A_864 : i32 to vector<16xi32>
    %add3A_866 = arith.addi %get3A_863, %add3A_865 : vector<16xi32>
    %gather3A_867 = tpu.vector_load_idx %arg5[%add3A_866] : memref<4096xf32, #tpu.memory_space<vmem>>[vector<16xi32>], vector<16xf32>,
    %swap3A_868 = arith.constant 512 : index
    %swap3A_869 = tpu.vector_load %arg7[%swap3A_868] {strides = array<i32>} : memref<4096xf32, #tpu.memory_space<vmem>>, vector<16xf32>,
    tpu.vector_store %arg7[%swap3A_868], %gather3A_867 {strides = array<i32>} : memref<4096xf32, #tpu.memory_space<vmem>>, vector<16xf32>,
    %add3A_870 = arith.constant 1024 : i32
    %add3A_871 = vector.broadcast %add3A_870 : i32 to vector<16xi32>
    %add3A_872 = arith.addi %get3A_863, %add3A_871 : vector<16xi32>
    %gather3A_873 = tpu.vector_load_idx %arg5[%add3A_872] : memref<4096xf32, #tpu.memory_space<vmem>>[vector<16xi32>], vector<16xf32>,
    %swap3A_874 = arith.constant 1536 : index
    %swap3A_875 = tpu.vector_load %arg7[%swap3A_874] {strides = array<i32>} : memref<4096xf32, #tpu.memory_space<vmem>>, vector<16xf32>,
    tpu.vector_store %arg7[%swap3A_874], %gather3A_873 {strides = array<i32>} : memref<4096xf32, #tpu.memory_space<vmem>>, vector<16xf32>,
    %add3A_876 = arith.constant 2048 : i32
    %add3A_877 = vector.broadcast %add3A_876 : i32 to vector<16xi32>
    %add3A_878 = arith.addi %get3A_863, %add3A_877 : vector<16xi32>
    %gather3A_879 = tpu.vector_load_idx %arg5[%add3A_878] : memref<4096xf32, #tpu.memory_space<vmem>>[vector<16xi32>], vector<16xf32>,
    %swap3A_880 = arith.constant 2560 : index
    %swap3A_881 = tpu.vector_load %arg7[%swap3A_880] {strides = array<i32>} : memref<4096xf32, #tpu.memory_space<vmem>>, vector<16xf32>,
    tpu.vector_store %arg7[%swap3A_880], %gather3A_879 {strides = array<i32>} : memref<4096xf32, #tpu.memory_space<vmem>>, vector<16xf32>,
    %add3A_882 = arith.constant 3072 : i32
    %add3A_883 = vector.broadcast %add3A_882 : i32 to vector<16xi32>
    %add3A_884 = arith.addi %get3A_863, %add3A_883 : vector<16xi32>
    %gather3A_885 = tpu.vector_load_idx %arg5[%add3A_884] : memref<4096xf32, #tpu.memory_space<vmem>>[vector<16xi32>], vector<16xf32>,
    %swap3A_886 = arith.constant 3584 : index
    %swap3A_887 = tpu.vector_load %arg7[%swap3A_886] {strides = array<i32>} : memref<4096xf32, #tpu.memory_space<vmem>>, vector<16xf32>,
    tpu.vector_store %arg7[%swap3A_886], %gather3A_885 {strides = array<i32>} : memref<4096xf32, #tpu.memory_space<vmem>>, vector<16xf32>,
    %get3A_888 = arith.constant 528 : index
    %get3A_889 = tpu.vector_load %arg6[%get3A_888] {strides = array<i32>} : memref<1024xi32, #tpu.memory_space<vmem>>, vector<16xi32>,
    %add3A_890 = arith.constant 0 : i32
    %add3A_891 = vector.broadcast %add3A_890 : i32 to vector<16xi32>
    %add3A_892 = arith.addi %get3A_889, %add3A_891 : vector<16xi32>
    %gather3A_893 = tpu.vector_load_idx %arg5[%add3A_892] : memref<4096xf32, #tpu.memory_space<vmem>>[vector<16xi32>], vector<16xf32>,
    %swap3A_894 = arith.constant 528 : index
    %swap3A_895 = tpu.vector_load %arg7[%swap3A_894] {strides = array<i32>} : memref<4096xf32, #tpu.memory_space<vmem>>, vector<16xf32>,
    tpu.vector_store %arg7[%swap3A_894], %gather3A_893 {strides = array<i32>} : memref<4096xf32, #tpu.memory_space<vmem>>, vector<16xf32>,
    %add3A_896 = arith.constant 1024 : i32
    %add3A_897 = vector.broadcast %add3A_896 : i32 to vector<16xi32>
    %add3A_898 = arith.addi %get3A_889, %add3A_897 : vector<16xi32>
    %gather3A_899 = tpu.vector_load_idx %arg5[%add3A_898] : memref<4096xf32, #tpu.memory_space<vmem>>[vector<16xi32>], vector<16xf32>,
    %swap3A_900 = arith.constant 1552 : index
    %swap3A_901 = tpu.vector_load %arg7[%swap3A_900] {strides = array<i32>} : memref<4096xf32, #tpu.memory_space<vmem>>, vector<16xf32>,
    tpu.vector_store %arg7[%swap3A_900], %gather3A_899 {strides = array<i32>} : memref<4096xf32, #tpu.memory_space<vmem>>, vector<16xf32>,
    %add3A_902 = arith.constant 2048 : i32
    %add3A_903 = vector.broadcast %add3A_902 : i32 to vector<16xi32>
    %add3A_904 = arith.addi %get3A_889, %add3A_903 : vector<16xi32>
    %gather3A_905 = tpu.vector_load_idx %arg5[%add3A_904] : memref<4096xf32, #tpu.memory_space<vmem>>[vector<16xi32>], vector<16xf32>,
    %swap3A_906 = arith.constant 2576 : index
    %swap3A_907 = tpu.vector_load %arg7[%swap3A_906] {strides = array<i32>} : memref<4096xf32, #tpu.memory_space<vmem>>, vector<16xf32>,
    tpu.vector_store %arg7[%swap3A_906], %gather3A_905 {strides = array<i32>} : memref<4096xf32, #tpu.memory_space<vmem>>, vector<16xf32>,
    %add3A_908 = arith.constant 3072 : i32
    %add3A_909 = vector.broadcast %add3A_908 : i32 to vector<16xi32>
    %add3A_910 = arith.addi %get3A_889, %add3A_909 : vector<16xi32>
    %gather3A_911 = tpu.vector_load_idx %arg5[%add3A_910] : memref<4096xf32, #tpu.memory_space<vmem>>[vector<16xi32>], vector<16xf32>,
    %swap3A_912 = arith.constant 3600 : index
    %swap3A_913 = tpu.vector_load %arg7[%swap3A_912] {strides = array<i32>} : memref<4096xf32, #tpu.memory_space<vmem>>, vector<16xf32>,
    tpu.vector_store %arg7[%swap3A_912], %gather3A_911 {strides = array<i32>} : memref<4096xf32, #tpu.memory_space<vmem>>, vector<16xf32>,
    %get3A_914 = arith.constant 544 : index
    %get3A_915 = tpu.vector_load %arg6[%get3A_914] {strides = array<i32>} : memref<1024xi32, #tpu.memory_space<vmem>>, vector<16xi32>,
    %add3A_916 = arith.constant 0 : i32
    %add3A_917 = vector.broadcast %add3A_916 : i32 to vector<16xi32>
    %add3A_918 = arith.addi %get3A_915, %add3A_917 : vector<16xi32>
    %gather3A_919 = tpu.vector_load_idx %arg5[%add3A_918] : memref<4096xf32, #tpu.memory_space<vmem>>[vector<16xi32>], vector<16xf32>,
    %swap3A_920 = arith.constant 544 : index
    %swap3A_921 = tpu.vector_load %arg7[%swap3A_920] {strides = array<i32>} : memref<4096xf32, #tpu.memory_space<vmem>>, vector<16xf32>,
    tpu.vector_store %arg7[%swap3A_920], %gather3A_919 {strides = array<i32>} : memref<4096xf32, #tpu.memory_space<vmem>>, vector<16xf32>,
    %add3A_922 = arith.constant 1024 : i32
    %add3A_923 = vector.broadcast %add3A_922 : i32 to vector<16xi32>
    %add3A_924 = arith.addi %get3A_915, %add3A_923 : vector<16xi32>
    %gather3A_925 = tpu.vector_load_idx %arg5[%add3A_924] : memref<4096xf32, #tpu.memory_space<vmem>>[vector<16xi32>], vector<16xf32>,
    %swap3A_926 = arith.constant 1568 : index
    %swap3A_927 = tpu.vector_load %arg7[%swap3A_926] {strides = array<i32>} : memref<4096xf32, #tpu.memory_space<vmem>>, vector<16xf32>,
    tpu.vector_store %arg7[%swap3A_926], %gather3A_925 {strides = array<i32>} : memref<4096xf32, #tpu.memory_space<vmem>>, vector<16xf32>,
    %add3A_928 = arith.constant 2048 : i32
    %add3A_929 = vector.broadcast %add3A_928 : i32 to vector<16xi32>
    %add3A_930 = arith.addi %get3A_915, %add3A_929 : vector<16xi32>
    %gather3A_931 = tpu.vector_load_idx %arg5[%add3A_930] : memref<4096xf32, #tpu.memory_space<vmem>>[vector<16xi32>], vector<16xf32>,
    %swap3A_932 = arith.constant 2592 : index
    %swap3A_933 = tpu.vector_load %arg7[%swap3A_932] {strides = array<i32>} : memref<4096xf32, #tpu.memory_space<vmem>>, vector<16xf32>,
    tpu.vector_store %arg7[%swap3A_932], %gather3A_931 {strides = array<i32>} : memref<4096xf32, #tpu.memory_space<vmem>>, vector<16xf32>,
    %add3A_934 = arith.constant 3072 : i32
    %add3A_935 = vector.broadcast %add3A_934 : i32 to vector<16xi32>
    %add3A_936 = arith.addi %get3A_915, %add3A_935 : vector<16xi32>
    %gather3A_937 = tpu.vector_load_idx %arg5[%add3A_936] : memref<4096xf32, #tpu.memory_space<vmem>>[vector<16xi32>], vector<16xf32>,
    %swap3A_938 = arith.constant 3616 : index
    %swap3A_939 = tpu.vector_load %arg7[%swap3A_938] {strides = array<i32>} : memref<4096xf32, #tpu.memory_space<vmem>>, vector<16xf32>,
    tpu.vector_store %arg7[%swap3A_938], %gather3A_937 {strides = array<i32>} : memref<4096xf32, #tpu.memory_space<vmem>>, vector<16xf32>,
    %get3A_940 = arith.constant 560 : index
    %get3A_941 = tpu.vector_load %arg6[%get3A_940] {strides = array<i32>} : memref<1024xi32, #tpu.memory_space<vmem>>, vector<16xi32>,
    %add3A_942 = arith.constant 0 : i32
    %add3A_943 = vector.broadcast %add3A_942 : i32 to vector<16xi32>
    %add3A_944 = arith.addi %get3A_941, %add3A_943 : vector<16xi32>
    %gather3A_945 = tpu.vector_load_idx %arg5[%add3A_944] : memref<4096xf32, #tpu.memory_space<vmem>>[vector<16xi32>], vector<16xf32>,
    %swap3A_946 = arith.constant 560 : index
    %swap3A_947 = tpu.vector_load %arg7[%swap3A_946] {strides = array<i32>} : memref<4096xf32, #tpu.memory_space<vmem>>, vector<16xf32>,
    tpu.vector_store %arg7[%swap3A_946], %gather3A_945 {strides = array<i32>} : memref<4096xf32, #tpu.memory_space<vmem>>, vector<16xf32>,
    %add3A_948 = arith.constant 1024 : i32
    %add3A_949 = vector.broadcast %add3A_948 : i32 to vector<16xi32>
    %add3A_950 = arith.addi %get3A_941, %add3A_949 : vector<16xi32>
    %gather3A_951 = tpu.vector_load_idx %arg5[%add3A_950] : memref<4096xf32, #tpu.memory_space<vmem>>[vector<16xi32>], vector<16xf32>,
    %swap3A_952 = arith.constant 1584 : index
    %swap3A_953 = tpu.vector_load %arg7[%swap3A_952] {strides = array<i32>} : memref<4096xf32, #tpu.memory_space<vmem>>, vector<16xf32>,
    tpu.vector_store %arg7[%swap3A_952], %gather3A_951 {strides = array<i32>} : memref<4096xf32, #tpu.memory_space<vmem>>, vector<16xf32>,
    %add3A_954 = arith.constant 2048 : i32
    %add3A_955 = vector.broadcast %add3A_954 : i32 to vector<16xi32>
    %add3A_956 = arith.addi %get3A_941, %add3A_955 : vector<16xi32>
    %gather3A_957 = tpu.vector_load_idx %arg5[%add3A_956] : memref<4096xf32, #tpu.memory_space<vmem>>[vector<16xi32>], vector<16xf32>,
    %swap3A_958 = arith.constant 2608 : index
    %swap3A_959 = tpu.vector_load %arg7[%swap3A_958] {strides = array<i32>} : memref<4096xf32, #tpu.memory_space<vmem>>, vector<16xf32>,
    tpu.vector_store %arg7[%swap3A_958], %gather3A_957 {strides = array<i32>} : memref<4096xf32, #tpu.memory_space<vmem>>, vector<16xf32>,
    %add3A_960 = arith.constant 3072 : i32
    %add3A_961 = vector.broadcast %add3A_960 : i32 to vector<16xi32>
    %add3A_962 = arith.addi %get3A_941, %add3A_961 : vector<16xi32>
    %gather3A_963 = tpu.vector_load_idx %arg5[%add3A_962] : memref<4096xf32, #tpu.memory_space<vmem>>[vector<16xi32>], vector<16xf32>,
    %swap3A_964 = arith.constant 3632 : index
    %swap3A_965 = tpu.vector_load %arg7[%swap3A_964] {strides = array<i32>} : memref<4096xf32, #tpu.memory_space<vmem>>, vector<16xf32>,
    tpu.vector_store %arg7[%swap3A_964], %gather3A_963 {strides = array<i32>} : memref<4096xf32, #tpu.memory_space<vmem>>, vector<16xf32>,
    %get3A_966 = arith.constant 576 : index
    %get3A_967 = tpu.vector_load %arg6[%get3A_966] {strides = array<i32>} : memref<1024xi32, #tpu.memory_space<vmem>>, vector<16xi32>,
    %add3A_968 = arith.constant 0 : i32
    %add3A_969 = vector.broadcast %add3A_968 : i32 to vector<16xi32>
    %add3A_970 = arith.addi %get3A_967, %add3A_969 : vector<16xi32>
    %gather3A_971 = tpu.vector_load_idx %arg5[%add3A_970] : memref<4096xf32, #tpu.memory_space<vmem>>[vector<16xi32>], vector<16xf32>,
    %swap3A_972 = arith.constant 576 : index
    %swap3A_973 = tpu.vector_load %arg7[%swap3A_972] {strides = array<i32>} : memref<4096xf32, #tpu.memory_space<vmem>>, vector<16xf32>,
    tpu.vector_store %arg7[%swap3A_972], %gather3A_971 {strides = array<i32>} : memref<4096xf32, #tpu.memory_space<vmem>>, vector<16xf32>,
    %add3A_974 = arith.constant 1024 : i32
    %add3A_975 = vector.broadcast %add3A_974 : i32 to vector<16xi32>
    %add3A_976 = arith.addi %get3A_967, %add3A_975 : vector<16xi32>
    %gather3A_977 = tpu.vector_load_idx %arg5[%add3A_976] : memref<4096xf32, #tpu.memory_space<vmem>>[vector<16xi32>], vector<16xf32>,
    %swap3A_978 = arith.constant 1600 : index
    %swap3A_979 = tpu.vector_load %arg7[%swap3A_978] {strides = array<i32>} : memref<4096xf32, #tpu.memory_space<vmem>>, vector<16xf32>,
    tpu.vector_store %arg7[%swap3A_978], %gather3A_977 {strides = array<i32>} : memref<4096xf32, #tpu.memory_space<vmem>>, vector<16xf32>,
    %add3A_980 = arith.constant 2048 : i32
    %add3A_981 = vector.broadcast %add3A_980 : i32 to vector<16xi32>
    %add3A_982 = arith.addi %get3A_967, %add3A_981 : vector<16xi32>
    %gather3A_983 = tpu.vector_load_idx %arg5[%add3A_982] : memref<4096xf32, #tpu.memory_space<vmem>>[vector<16xi32>], vector<16xf32>,
    %swap3A_984 = arith.constant 2624 : index
    %swap3A_985 = tpu.vector_load %arg7[%swap3A_984] {strides = array<i32>} : memref<4096xf32, #tpu.memory_space<vmem>>, vector<16xf32>,
    tpu.vector_store %arg7[%swap3A_984], %gather3A_983 {strides = array<i32>} : memref<4096xf32, #tpu.memory_space<vmem>>, vector<16xf32>,
    %add3A_986 = arith.constant 3072 : i32
    %add3A_987 = vector.broadcast %add3A_986 : i32 to vector<16xi32>
    %add3A_988 = arith.addi %get3A_967, %add3A_987 : vector<16xi32>
    %gather3A_989 = tpu.vector_load_idx %arg5[%add3A_988] : memref<4096xf32, #tpu.memory_space<vmem>>[vector<16xi32>], vector<16xf32>,
    %swap3A_990 = arith.constant 3648 : index
    %swap3A_991 = tpu.vector_load %arg7[%swap3A_990] {strides = array<i32>} : memref<4096xf32, #tpu.memory_space<vmem>>, vector<16xf32>,
    tpu.vector_store %arg7[%swap3A_990], %gather3A_989 {strides = array<i32>} : memref<4096xf32, #tpu.memory_space<vmem>>, vector<16xf32>,
    %get3A_992 = arith.constant 592 : index
    %get3A_993 = tpu.vector_load %arg6[%get3A_992] {strides = array<i32>} : memref<1024xi32, #tpu.memory_space<vmem>>, vector<16xi32>,
    %add3A_994 = arith.constant 0 : i32
    %add3A_995 = vector.broadcast %add3A_994 : i32 to vector<16xi32>
    %add3A_996 = arith.addi %get3A_993, %add3A_995 : vector<16xi32>
    %gather3A_997 = tpu.vector_load_idx %arg5[%add3A_996] : memref<4096xf32, #tpu.memory_space<vmem>>[vector<16xi32>], vector<16xf32>,
    %swap3A_998 = arith.constant 592 : index
    %swap3A_999 = tpu.vector_load %arg7[%swap3A_998] {strides = array<i32>} : memref<4096xf32, #tpu.memory_space<vmem>>, vector<16xf32>,
    tpu.vector_store %arg7[%swap3A_998], %gather3A_997 {strides = array<i32>} : memref<4096xf32, #tpu.memory_space<vmem>>, vector<16xf32>,
    %add3A_1000 = arith.constant 1024 : i32
    %add3A_1001 = vector.broadcast %add3A_1000 : i32 to vector<16xi32>
    %add3A_1002 = arith.addi %get3A_993, %add3A_1001 : vector<16xi32>
    %gather3A_1003 = tpu.vector_load_idx %arg5[%add3A_1002] : memref<4096xf32, #tpu.memory_space<vmem>>[vector<16xi32>], vector<16xf32>,
    %swap3A_1004 = arith.constant 1616 : index
    %swap3A_1005 = tpu.vector_load %arg7[%swap3A_1004] {strides = array<i32>} : memref<4096xf32, #tpu.memory_space<vmem>>, vector<16xf32>,
    tpu.vector_store %arg7[%swap3A_1004], %gather3A_1003 {strides = array<i32>} : memref<4096xf32, #tpu.memory_space<vmem>>, vector<16xf32>,
    %add3A_1006 = arith.constant 2048 : i32
    %add3A_1007 = vector.broadcast %add3A_1006 : i32 to vector<16xi32>
    %add3A_1008 = arith.addi %get3A_993, %add3A_1007 : vector<16xi32>
    %gather3A_1009 = tpu.vector_load_idx %arg5[%add3A_1008] : memref<4096xf32, #tpu.memory_space<vmem>>[vector<16xi32>], vector<16xf32>,
    %swap3A_1010 = arith.constant 2640 : index
    %swap3A_1011 = tpu.vector_load %arg7[%swap3A_1010] {strides = array<i32>} : memref<4096xf32, #tpu.memory_space<vmem>>, vector<16xf32>,
    tpu.vector_store %arg7[%swap3A_1010], %gather3A_1009 {strides = array<i32>} : memref<4096xf32, #tpu.memory_space<vmem>>, vector<16xf32>,
    %add3A_1012 = arith.constant 3072 : i32
    %add3A_1013 = vector.broadcast %add3A_1012 : i32 to vector<16xi32>
    %add3A_1014 = arith.addi %get3A_993, %add3A_1013 : vector<16xi32>
    %gather3A_1015 = tpu.vector_load_idx %arg5[%add3A_1014] : memref<4096xf32, #tpu.memory_space<vmem>>[vector<16xi32>], vector<16xf32>,
    %swap3A_1016 = arith.constant 3664 : index
    %swap3A_1017 = tpu.vector_load %arg7[%swap3A_1016] {strides = array<i32>} : memref<4096xf32, #tpu.memory_space<vmem>>, vector<16xf32>,
    tpu.vector_store %arg7[%swap3A_1016], %gather3A_1015 {strides = array<i32>} : memref<4096xf32, #tpu.memory_space<vmem>>, vector<16xf32>,
    %get3A_1018 = arith.constant 608 : index
    %get3A_1019 = tpu.vector_load %arg6[%get3A_1018] {strides = array<i32>} : memref<1024xi32, #tpu.memory_space<vmem>>, vector<16xi32>,
    %add3A_1020 = arith.constant 0 : i32
    %add3A_1021 = vector.broadcast %add3A_1020 : i32 to vector<16xi32>
    %add3A_1022 = arith.addi %get3A_1019, %add3A_1021 : vector<16xi32>
    %gather3A_1023 = tpu.vector_load_idx %arg5[%add3A_1022] : memref<4096xf32, #tpu.memory_space<vmem>>[vector<16xi32>], vector<16xf32>,
    %swap3A_1024 = arith.constant 608 : index
    %swap3A_1025 = tpu.vector_load %arg7[%swap3A_1024] {strides = array<i32>} : memref<4096xf32, #tpu.memory_space<vmem>>, vector<16xf32>,
    tpu.vector_store %arg7[%swap3A_1024], %gather3A_1023 {strides = array<i32>} : memref<4096xf32, #tpu.memory_space<vmem>>, vector<16xf32>,
    %add3A_1026 = arith.constant 1024 : i32
    %add3A_1027 = vector.broadcast %add3A_1026 : i32 to vector<16xi32>
    %add3A_1028 = arith.addi %get3A_1019, %add3A_1027 : vector<16xi32>
    %gather3A_1029 = tpu.vector_load_idx %arg5[%add3A_1028] : memref<4096xf32, #tpu.memory_space<vmem>>[vector<16xi32>], vector<16xf32>,
    %swap3A_1030 = arith.constant 1632 : index
    %swap3A_1031 = tpu.vector_load %arg7[%swap3A_1030] {strides = array<i32>} : memref<4096xf32, #tpu.memory_space<vmem>>, vector<16xf32>,
    tpu.vector_store %arg7[%swap3A_1030], %gather3A_1029 {strides = array<i32>} : memref<4096xf32, #tpu.memory_space<vmem>>, vector<16xf32>,
    %add3A_1032 = arith.constant 2048 : i32
    %add3A_1033 = vector.broadcast %add3A_1032 : i32 to vector<16xi32>
    %add3A_1034 = arith.addi %get3A_1019, %add3A_1033 : vector<16xi32>
    %gather3A_1035 = tpu.vector_load_idx %arg5[%add3A_1034] : memref<4096xf32, #tpu.memory_space<vmem>>[vector<16xi32>], vector<16xf32>,
    %swap3A_1036 = arith.constant 2656 : index
    %swap3A_1037 = tpu.vector_load %arg7[%swap3A_1036] {strides = array<i32>} : memref<4096xf32, #tpu.memory_space<vmem>>, vector<16xf32>,
    tpu.vector_store %arg7[%swap3A_1036], %gather3A_1035 {strides = array<i32>} : memref<4096xf32, #tpu.memory_space<vmem>>, vector<16xf32>,
    %add3A_1038 = arith.constant 3072 : i32
    %add3A_1039 = vector.broadcast %add3A_1038 : i32 to vector<16xi32>
    %add3A_1040 = arith.addi %get3A_1019, %add3A_1039 : vector<16xi32>
    %gather3A_1041 = tpu.vector_load_idx %arg5[%add3A_1040] : memref<4096xf32, #tpu.memory_space<vmem>>[vector<16xi32>], vector<16xf32>,
    %swap3A_1042 = arith.constant 3680 : index
    %swap3A_1043 = tpu.vector_load %arg7[%swap3A_1042] {strides = array<i32>} : memref<4096xf32, #tpu.memory_space<vmem>>, vector<16xf32>,
    tpu.vector_store %arg7[%swap3A_1042], %gather3A_1041 {strides = array<i32>} : memref<4096xf32, #tpu.memory_space<vmem>>, vector<16xf32>,
    %get3A_1044 = arith.constant 624 : index
    %get3A_1045 = tpu.vector_load %arg6[%get3A_1044] {strides = array<i32>} : memref<1024xi32, #tpu.memory_space<vmem>>, vector<16xi32>,
    %add3A_1046 = arith.constant 0 : i32
    %add3A_1047 = vector.broadcast %add3A_1046 : i32 to vector<16xi32>
    %add3A_1048 = arith.addi %get3A_1045, %add3A_1047 : vector<16xi32>
    %gather3A_1049 = tpu.vector_load_idx %arg5[%add3A_1048] : memref<4096xf32, #tpu.memory_space<vmem>>[vector<16xi32>], vector<16xf32>,
    %swap3A_1050 = arith.constant 624 : index
    %swap3A_1051 = tpu.vector_load %arg7[%swap3A_1050] {strides = array<i32>} : memref<4096xf32, #tpu.memory_space<vmem>>, vector<16xf32>,
    tpu.vector_store %arg7[%swap3A_1050], %gather3A_1049 {strides = array<i32>} : memref<4096xf32, #tpu.memory_space<vmem>>, vector<16xf32>,
    %add3A_1052 = arith.constant 1024 : i32
    %add3A_1053 = vector.broadcast %add3A_1052 : i32 to vector<16xi32>
    %add3A_1054 = arith.addi %get3A_1045, %add3A_1053 : vector<16xi32>
    %gather3A_1055 = tpu.vector_load_idx %arg5[%add3A_1054] : memref<4096xf32, #tpu.memory_space<vmem>>[vector<16xi32>], vector<16xf32>,
    %swap3A_1056 = arith.constant 1648 : index
    %swap3A_1057 = tpu.vector_load %arg7[%swap3A_1056] {strides = array<i32>} : memref<4096xf32, #tpu.memory_space<vmem>>, vector<16xf32>,
    tpu.vector_store %arg7[%swap3A_1056], %gather3A_1055 {strides = array<i32>} : memref<4096xf32, #tpu.memory_space<vmem>>, vector<16xf32>,
    %add3A_1058 = arith.constant 2048 : i32
    %add3A_1059 = vector.broadcast %add3A_1058 : i32 to vector<16xi32>
    %add3A_1060 = arith.addi %get3A_1045, %add3A_1059 : vector<16xi32>
    %gather3A_1061 = tpu.vector_load_idx %arg5[%add3A_1060] : memref<4096xf32, #tpu.memory_space<vmem>>[vector<16xi32>], vector<16xf32>,
    %swap3A_1062 = arith.constant 2672 : index
    %swap3A_1063 = tpu.vector_load %arg7[%swap3A_1062] {strides = array<i32>} : memref<4096xf32, #tpu.memory_space<vmem>>, vector<16xf32>,
    tpu.vector_store %arg7[%swap3A_1062], %gather3A_1061 {strides = array<i32>} : memref<4096xf32, #tpu.memory_space<vmem>>, vector<16xf32>,
    %add3A_1064 = arith.constant 3072 : i32
    %add3A_1065 = vector.broadcast %add3A_1064 : i32 to vector<16xi32>
    %add3A_1066 = arith.addi %get3A_1045, %add3A_1065 : vector<16xi32>
    %gather3A_1067 = tpu.vector_load_idx %arg5[%add3A_1066] : memref<4096xf32, #tpu.memory_space<vmem>>[vector<16xi32>], vector<16xf32>,
    %swap3A_1068 = arith.constant 3696 : index
    %swap3A_1069 = tpu.vector_load %arg7[%swap3A_1068] {strides = array<i32>} : memref<4096xf32, #tpu.memory_space<vmem>>, vector<16xf32>,
    tpu.vector_store %arg7[%swap3A_1068], %gather3A_1067 {strides = array<i32>} : memref<4096xf32, #tpu.memory_space<vmem>>, vector<16xf32>,
    %get3A_1070 = arith.constant 640 : index
    %get3A_1071 = tpu.vector_load %arg6[%get3A_1070] {strides = array<i32>} : memref<1024xi32, #tpu.memory_space<vmem>>, vector<16xi32>,
    %add3A_1072 = arith.constant 0 : i32
    %add3A_1073 = vector.broadcast %add3A_1072 : i32 to vector<16xi32>
    %add3A_1074 = arith.addi %get3A_1071, %add3A_1073 : vector<16xi32>
    %gather3A_1075 = tpu.vector_load_idx %arg5[%add3A_1074] : memref<4096xf32, #tpu.memory_space<vmem>>[vector<16xi32>], vector<16xf32>,
    %swap3A_1076 = arith.constant 640 : index
    %swap3A_1077 = tpu.vector_load %arg7[%swap3A_1076] {strides = array<i32>} : memref<4096xf32, #tpu.memory_space<vmem>>, vector<16xf32>,
    tpu.vector_store %arg7[%swap3A_1076], %gather3A_1075 {strides = array<i32>} : memref<4096xf32, #tpu.memory_space<vmem>>, vector<16xf32>,
    %add3A_1078 = arith.constant 1024 : i32
    %add3A_1079 = vector.broadcast %add3A_1078 : i32 to vector<16xi32>
    %add3A_1080 = arith.addi %get3A_1071, %add3A_1079 : vector<16xi32>
    %gather3A_1081 = tpu.vector_load_idx %arg5[%add3A_1080] : memref<4096xf32, #tpu.memory_space<vmem>>[vector<16xi32>], vector<16xf32>,
    %swap3A_1082 = arith.constant 1664 : index
    %swap3A_1083 = tpu.vector_load %arg7[%swap3A_1082] {strides = array<i32>} : memref<4096xf32, #tpu.memory_space<vmem>>, vector<16xf32>,
    tpu.vector_store %arg7[%swap3A_1082], %gather3A_1081 {strides = array<i32>} : memref<4096xf32, #tpu.memory_space<vmem>>, vector<16xf32>,
    %add3A_1084 = arith.constant 2048 : i32
    %add3A_1085 = vector.broadcast %add3A_1084 : i32 to vector<16xi32>
    %add3A_1086 = arith.addi %get3A_1071, %add3A_1085 : vector<16xi32>
    %gather3A_1087 = tpu.vector_load_idx %arg5[%add3A_1086] : memref<4096xf32, #tpu.memory_space<vmem>>[vector<16xi32>], vector<16xf32>,
    %swap3A_1088 = arith.constant 2688 : index
    %swap3A_1089 = tpu.vector_load %arg7[%swap3A_1088] {strides = array<i32>} : memref<4096xf32, #tpu.memory_space<vmem>>, vector<16xf32>,
    tpu.vector_store %arg7[%swap3A_1088], %gather3A_1087 {strides = array<i32>} : memref<4096xf32, #tpu.memory_space<vmem>>, vector<16xf32>,
    %add3A_1090 = arith.constant 3072 : i32
    %add3A_1091 = vector.broadcast %add3A_1090 : i32 to vector<16xi32>
    %add3A_1092 = arith.addi %get3A_1071, %add3A_1091 : vector<16xi32>
    %gather3A_1093 = tpu.vector_load_idx %arg5[%add3A_1092] : memref<4096xf32, #tpu.memory_space<vmem>>[vector<16xi32>], vector<16xf32>,
    %swap3A_1094 = arith.constant 3712 : index
    %swap3A_1095 = tpu.vector_load %arg7[%swap3A_1094] {strides = array<i32>} : memref<4096xf32, #tpu.memory_space<vmem>>, vector<16xf32>,
    tpu.vector_store %arg7[%swap3A_1094], %gather3A_1093 {strides = array<i32>} : memref<4096xf32, #tpu.memory_space<vmem>>, vector<16xf32>,
    %get3A_1096 = arith.constant 656 : index
    %get3A_1097 = tpu.vector_load %arg6[%get3A_1096] {strides = array<i32>} : memref<1024xi32, #tpu.memory_space<vmem>>, vector<16xi32>,
    %add3A_1098 = arith.constant 0 : i32
    %add3A_1099 = vector.broadcast %add3A_1098 : i32 to vector<16xi32>
    %add3A_1100 = arith.addi %get3A_1097, %add3A_1099 : vector<16xi32>
    %gather3A_1101 = tpu.vector_load_idx %arg5[%add3A_1100] : memref<4096xf32, #tpu.memory_space<vmem>>[vector<16xi32>], vector<16xf32>,
    %swap3A_1102 = arith.constant 656 : index
    %swap3A_1103 = tpu.vector_load %arg7[%swap3A_1102] {strides = array<i32>} : memref<4096xf32, #tpu.memory_space<vmem>>, vector<16xf32>,
    tpu.vector_store %arg7[%swap3A_1102], %gather3A_1101 {strides = array<i32>} : memref<4096xf32, #tpu.memory_space<vmem>>, vector<16xf32>,
    %add3A_1104 = arith.constant 1024 : i32
    %add3A_1105 = vector.broadcast %add3A_1104 : i32 to vector<16xi32>
    %add3A_1106 = arith.addi %get3A_1097, %add3A_1105 : vector<16xi32>
    %gather3A_1107 = tpu.vector_load_idx %arg5[%add3A_1106] : memref<4096xf32, #tpu.memory_space<vmem>>[vector<16xi32>], vector<16xf32>,
    %swap3A_1108 = arith.constant 1680 : index
    %swap3A_1109 = tpu.vector_load %arg7[%swap3A_1108] {strides = array<i32>} : memref<4096xf32, #tpu.memory_space<vmem>>, vector<16xf32>,
    tpu.vector_store %arg7[%swap3A_1108], %gather3A_1107 {strides = array<i32>} : memref<4096xf32, #tpu.memory_space<vmem>>, vector<16xf32>,
    %add3A_1110 = arith.constant 2048 : i32
    %add3A_1111 = vector.broadcast %add3A_1110 : i32 to vector<16xi32>
    %add3A_1112 = arith.addi %get3A_1097, %add3A_1111 : vector<16xi32>
    %gather3A_1113 = tpu.vector_load_idx %arg5[%add3A_1112] : memref<4096xf32, #tpu.memory_space<vmem>>[vector<16xi32>], vector<16xf32>,
    %swap3A_1114 = arith.constant 2704 : index
    %swap3A_1115 = tpu.vector_load %arg7[%swap3A_1114] {strides = array<i32>} : memref<4096xf32, #tpu.memory_space<vmem>>, vector<16xf32>,
    tpu.vector_store %arg7[%swap3A_1114], %gather3A_1113 {strides = array<i32>} : memref<4096xf32, #tpu.memory_space<vmem>>, vector<16xf32>,
    %add3A_1116 = arith.constant 3072 : i32
    %add3A_1117 = vector.broadcast %add3A_1116 : i32 to vector<16xi32>
    %add3A_1118 = arith.addi %get3A_1097, %add3A_1117 : vector<16xi32>
    %gather3A_1119 = tpu.vector_load_idx %arg5[%add3A_1118] : memref<4096xf32, #tpu.memory_space<vmem>>[vector<16xi32>], vector<16xf32>,
    %swap3A_1120 = arith.constant 3728 : index
    %swap3A_1121 = tpu.vector_load %arg7[%swap3A_1120] {strides = array<i32>} : memref<4096xf32, #tpu.memory_space<vmem>>, vector<16xf32>,
    tpu.vector_store %arg7[%swap3A_1120], %gather3A_1119 {strides = array<i32>} : memref<4096xf32, #tpu.memory_space<vmem>>, vector<16xf32>,
    %get3A_1122 = arith.constant 672 : index
    %get3A_1123 = tpu.vector_load %arg6[%get3A_1122] {strides = array<i32>} : memref<1024xi32, #tpu.memory_space<vmem>>, vector<16xi32>,
    %add3A_1124 = arith.constant 0 : i32
    %add3A_1125 = vector.broadcast %add3A_1124 : i32 to vector<16xi32>
    %add3A_1126 = arith.addi %get3A_1123, %add3A_1125 : vector<16xi32>
    %gather3A_1127 = tpu.vector_load_idx %arg5[%add3A_1126] : memref<4096xf32, #tpu.memory_space<vmem>>[vector<16xi32>], vector<16xf32>,
    %swap3A_1128 = arith.constant 672 : index
    %swap3A_1129 = tpu.vector_load %arg7[%swap3A_1128] {strides = array<i32>} : memref<4096xf32, #tpu.memory_space<vmem>>, vector<16xf32>,
    tpu.vector_store %arg7[%swap3A_1128], %gather3A_1127 {strides = array<i32>} : memref<4096xf32, #tpu.memory_space<vmem>>, vector<16xf32>,
    %add3A_1130 = arith.constant 1024 : i32
    %add3A_1131 = vector.broadcast %add3A_1130 : i32 to vector<16xi32>
    %add3A_1132 = arith.addi %get3A_1123, %add3A_1131 : vector<16xi32>
    %gather3A_1133 = tpu.vector_load_idx %arg5[%add3A_1132] : memref<4096xf32, #tpu.memory_space<vmem>>[vector<16xi32>], vector<16xf32>,
    %swap3A_1134 = arith.constant 1696 : index
    %swap3A_1135 = tpu.vector_load %arg7[%swap3A_1134] {strides = array<i32>} : memref<4096xf32, #tpu.memory_space<vmem>>, vector<16xf32>,
    tpu.vector_store %arg7[%swap3A_1134], %gather3A_1133 {strides = array<i32>} : memref<4096xf32, #tpu.memory_space<vmem>>, vector<16xf32>,
    %add3A_1136 = arith.constant 2048 : i32
    %add3A_1137 = vector.broadcast %add3A_1136 : i32 to vector<16xi32>
    %add3A_1138 = arith.addi %get3A_1123, %add3A_1137 : vector<16xi32>
    %gather3A_1139 = tpu.vector_load_idx %arg5[%add3A_1138] : memref<4096xf32, #tpu.memory_space<vmem>>[vector<16xi32>], vector<16xf32>,
    %swap3A_1140 = arith.constant 2720 : index
    %swap3A_1141 = tpu.vector_load %arg7[%swap3A_1140] {strides = array<i32>} : memref<4096xf32, #tpu.memory_space<vmem>>, vector<16xf32>,
    tpu.vector_store %arg7[%swap3A_1140], %gather3A_1139 {strides = array<i32>} : memref<4096xf32, #tpu.memory_space<vmem>>, vector<16xf32>,
    %add3A_1142 = arith.constant 3072 : i32
    %add3A_1143 = vector.broadcast %add3A_1142 : i32 to vector<16xi32>
    %add3A_1144 = arith.addi %get3A_1123, %add3A_1143 : vector<16xi32>
    %gather3A_1145 = tpu.vector_load_idx %arg5[%add3A_1144] : memref<4096xf32, #tpu.memory_space<vmem>>[vector<16xi32>], vector<16xf32>,
    %swap3A_1146 = arith.constant 3744 : index
    %swap3A_1147 = tpu.vector_load %arg7[%swap3A_1146] {strides = array<i32>} : memref<4096xf32, #tpu.memory_space<vmem>>, vector<16xf32>,
    tpu.vector_store %arg7[%swap3A_1146], %gather3A_1145 {strides = array<i32>} : memref<4096xf32, #tpu.memory_space<vmem>>, vector<16xf32>,
    %get3A_1148 = arith.constant 688 : index
    %get3A_1149 = tpu.vector_load %arg6[%get3A_1148] {strides = array<i32>} : memref<1024xi32, #tpu.memory_space<vmem>>, vector<16xi32>,
    %add3A_1150 = arith.constant 0 : i32
    %add3A_1151 = vector.broadcast %add3A_1150 : i32 to vector<16xi32>
    %add3A_1152 = arith.addi %get3A_1149, %add3A_1151 : vector<16xi32>
    %gather3A_1153 = tpu.vector_load_idx %arg5[%add3A_1152] : memref<4096xf32, #tpu.memory_space<vmem>>[vector<16xi32>], vector<16xf32>,
    %swap3A_1154 = arith.constant 688 : index
    %swap3A_1155 = tpu.vector_load %arg7[%swap3A_1154] {strides = array<i32>} : memref<4096xf32, #tpu.memory_space<vmem>>, vector<16xf32>,
    tpu.vector_store %arg7[%swap3A_1154], %gather3A_1153 {strides = array<i32>} : memref<4096xf32, #tpu.memory_space<vmem>>, vector<16xf32>,
    %add3A_1156 = arith.constant 1024 : i32
    %add3A_1157 = vector.broadcast %add3A_1156 : i32 to vector<16xi32>
    %add3A_1158 = arith.addi %get3A_1149, %add3A_1157 : vector<16xi32>
    %gather3A_1159 = tpu.vector_load_idx %arg5[%add3A_1158] : memref<4096xf32, #tpu.memory_space<vmem>>[vector<16xi32>], vector<16xf32>,
    %swap3A_1160 = arith.constant 1712 : index
    %swap3A_1161 = tpu.vector_load %arg7[%swap3A_1160] {strides = array<i32>} : memref<4096xf32, #tpu.memory_space<vmem>>, vector<16xf32>,
    tpu.vector_store %arg7[%swap3A_1160], %gather3A_1159 {strides = array<i32>} : memref<4096xf32, #tpu.memory_space<vmem>>, vector<16xf32>,
    %add3A_1162 = arith.constant 2048 : i32
    %add3A_1163 = vector.broadcast %add3A_1162 : i32 to vector<16xi32>
    %add3A_1164 = arith.addi %get3A_1149, %add3A_1163 : vector<16xi32>
    %gather3A_1165 = tpu.vector_load_idx %arg5[%add3A_1164] : memref<4096xf32, #tpu.memory_space<vmem>>[vector<16xi32>], vector<16xf32>,
    %swap3A_1166 = arith.constant 2736 : index
    %swap3A_1167 = tpu.vector_load %arg7[%swap3A_1166] {strides = array<i32>} : memref<4096xf32, #tpu.memory_space<vmem>>, vector<16xf32>,
    tpu.vector_store %arg7[%swap3A_1166], %gather3A_1165 {strides = array<i32>} : memref<4096xf32, #tpu.memory_space<vmem>>, vector<16xf32>,
    %add3A_1168 = arith.constant 3072 : i32
    %add3A_1169 = vector.broadcast %add3A_1168 : i32 to vector<16xi32>
    %add3A_1170 = arith.addi %get3A_1149, %add3A_1169 : vector<16xi32>
    %gather3A_1171 = tpu.vector_load_idx %arg5[%add3A_1170] : memref<4096xf32, #tpu.memory_space<vmem>>[vector<16xi32>], vector<16xf32>,
    %swap3A_1172 = arith.constant 3760 : index
    %swap3A_1173 = tpu.vector_load %arg7[%swap3A_1172] {strides = array<i32>} : memref<4096xf32, #tpu.memory_space<vmem>>, vector<16xf32>,
    tpu.vector_store %arg7[%swap3A_1172], %gather3A_1171 {strides = array<i32>} : memref<4096xf32, #tpu.memory_space<vmem>>, vector<16xf32>,
    %get3A_1174 = arith.constant 704 : index
    %get3A_1175 = tpu.vector_load %arg6[%get3A_1174] {strides = array<i32>} : memref<1024xi32, #tpu.memory_space<vmem>>, vector<16xi32>,
    %add3A_1176 = arith.constant 0 : i32
    %add3A_1177 = vector.broadcast %add3A_1176 : i32 to vector<16xi32>
    %add3A_1178 = arith.addi %get3A_1175, %add3A_1177 : vector<16xi32>
    %gather3A_1179 = tpu.vector_load_idx %arg5[%add3A_1178] : memref<4096xf32, #tpu.memory_space<vmem>>[vector<16xi32>], vector<16xf32>,
    %swap3A_1180 = arith.constant 704 : index
    %swap3A_1181 = tpu.vector_load %arg7[%swap3A_1180] {strides = array<i32>} : memref<4096xf32, #tpu.memory_space<vmem>>, vector<16xf32>,
    tpu.vector_store %arg7[%swap3A_1180], %gather3A_1179 {strides = array<i32>} : memref<4096xf32, #tpu.memory_space<vmem>>, vector<16xf32>,
    %add3A_1182 = arith.constant 1024 : i32
    %add3A_1183 = vector.broadcast %add3A_1182 : i32 to vector<16xi32>
    %add3A_1184 = arith.addi %get3A_1175, %add3A_1183 : vector<16xi32>
    %gather3A_1185 = tpu.vector_load_idx %arg5[%add3A_1184] : memref<4096xf32, #tpu.memory_space<vmem>>[vector<16xi32>], vector<16xf32>,
    %swap3A_1186 = arith.constant 1728 : index
    %swap3A_1187 = tpu.vector_load %arg7[%swap3A_1186] {strides = array<i32>} : memref<4096xf32, #tpu.memory_space<vmem>>, vector<16xf32>,
    tpu.vector_store %arg7[%swap3A_1186], %gather3A_1185 {strides = array<i32>} : memref<4096xf32, #tpu.memory_space<vmem>>, vector<16xf32>,
    %add3A_1188 = arith.constant 2048 : i32
    %add3A_1189 = vector.broadcast %add3A_1188 : i32 to vector<16xi32>
    %add3A_1190 = arith.addi %get3A_1175, %add3A_1189 : vector<16xi32>
    %gather3A_1191 = tpu.vector_load_idx %arg5[%add3A_1190] : memref<4096xf32, #tpu.memory_space<vmem>>[vector<16xi32>], vector<16xf32>,
    %swap3A_1192 = arith.constant 2752 : index
    %swap3A_1193 = tpu.vector_load %arg7[%swap3A_1192] {strides = array<i32>} : memref<4096xf32, #tpu.memory_space<vmem>>, vector<16xf32>,
    tpu.vector_store %arg7[%swap3A_1192], %gather3A_1191 {strides = array<i32>} : memref<4096xf32, #tpu.memory_space<vmem>>, vector<16xf32>,
    %add3A_1194 = arith.constant 3072 : i32
    %add3A_1195 = vector.broadcast %add3A_1194 : i32 to vector<16xi32>
    %add3A_1196 = arith.addi %get3A_1175, %add3A_1195 : vector<16xi32>
    %gather3A_1197 = tpu.vector_load_idx %arg5[%add3A_1196] : memref<4096xf32, #tpu.memory_space<vmem>>[vector<16xi32>], vector<16xf32>,
    %swap3A_1198 = arith.constant 3776 : index
    %swap3A_1199 = tpu.vector_load %arg7[%swap3A_1198] {strides = array<i32>} : memref<4096xf32, #tpu.memory_space<vmem>>, vector<16xf32>,
    tpu.vector_store %arg7[%swap3A_1198], %gather3A_1197 {strides = array<i32>} : memref<4096xf32, #tpu.memory_space<vmem>>, vector<16xf32>,
    %get3A_1200 = arith.constant 720 : index
    %get3A_1201 = tpu.vector_load %arg6[%get3A_1200] {strides = array<i32>} : memref<1024xi32, #tpu.memory_space<vmem>>, vector<16xi32>,
    %add3A_1202 = arith.constant 0 : i32
    %add3A_1203 = vector.broadcast %add3A_1202 : i32 to vector<16xi32>
    %add3A_1204 = arith.addi %get3A_1201, %add3A_1203 : vector<16xi32>
    %gather3A_1205 = tpu.vector_load_idx %arg5[%add3A_1204] : memref<4096xf32, #tpu.memory_space<vmem>>[vector<16xi32>], vector<16xf32>,
    %swap3A_1206 = arith.constant 720 : index
    %swap3A_1207 = tpu.vector_load %arg7[%swap3A_1206] {strides = array<i32>} : memref<4096xf32, #tpu.memory_space<vmem>>, vector<16xf32>,
    tpu.vector_store %arg7[%swap3A_1206], %gather3A_1205 {strides = array<i32>} : memref<4096xf32, #tpu.memory_space<vmem>>, vector<16xf32>,
    %add3A_1208 = arith.constant 1024 : i32
    %add3A_1209 = vector.broadcast %add3A_1208 : i32 to vector<16xi32>
    %add3A_1210 = arith.addi %get3A_1201, %add3A_1209 : vector<16xi32>
    %gather3A_1211 = tpu.vector_load_idx %arg5[%add3A_1210] : memref<4096xf32, #tpu.memory_space<vmem>>[vector<16xi32>], vector<16xf32>,
    %swap3A_1212 = arith.constant 1744 : index
    %swap3A_1213 = tpu.vector_load %arg7[%swap3A_1212] {strides = array<i32>} : memref<4096xf32, #tpu.memory_space<vmem>>, vector<16xf32>,
    tpu.vector_store %arg7[%swap3A_1212], %gather3A_1211 {strides = array<i32>} : memref<4096xf32, #tpu.memory_space<vmem>>, vector<16xf32>,
    %add3A_1214 = arith.constant 2048 : i32
    %add3A_1215 = vector.broadcast %add3A_1214 : i32 to vector<16xi32>
    %add3A_1216 = arith.addi %get3A_1201, %add3A_1215 : vector<16xi32>
    %gather3A_1217 = tpu.vector_load_idx %arg5[%add3A_1216] : memref<4096xf32, #tpu.memory_space<vmem>>[vector<16xi32>], vector<16xf32>,
    %swap3A_1218 = arith.constant 2768 : index
    %swap3A_1219 = tpu.vector_load %arg7[%swap3A_1218] {strides = array<i32>} : memref<4096xf32, #tpu.memory_space<vmem>>, vector<16xf32>,
    tpu.vector_store %arg7[%swap3A_1218], %gather3A_1217 {strides = array<i32>} : memref<4096xf32, #tpu.memory_space<vmem>>, vector<16xf32>,
    %add3A_1220 = arith.constant 3072 : i32
    %add3A_1221 = vector.broadcast %add3A_1220 : i32 to vector<16xi32>
    %add3A_1222 = arith.addi %get3A_1201, %add3A_1221 : vector<16xi32>
    %gather3A_1223 = tpu.vector_load_idx %arg5[%add3A_1222] : memref<4096xf32, #tpu.memory_space<vmem>>[vector<16xi32>], vector<16xf32>,
    %swap3A_1224 = arith.constant 3792 : index
    %swap3A_1225 = tpu.vector_load %arg7[%swap3A_1224] {strides = array<i32>} : memref<4096xf32, #tpu.memory_space<vmem>>, vector<16xf32>,
    tpu.vector_store %arg7[%swap3A_1224], %gather3A_1223 {strides = array<i32>} : memref<4096xf32, #tpu.memory_space<vmem>>, vector<16xf32>,
    %get3A_1226 = arith.constant 736 : index
    %get3A_1227 = tpu.vector_load %arg6[%get3A_1226] {strides = array<i32>} : memref<1024xi32, #tpu.memory_space<vmem>>, vector<16xi32>,
    %add3A_1228 = arith.constant 0 : i32
    %add3A_1229 = vector.broadcast %add3A_1228 : i32 to vector<16xi32>
    %add3A_1230 = arith.addi %get3A_1227, %add3A_1229 : vector<16xi32>
    %gather3A_1231 = tpu.vector_load_idx %arg5[%add3A_1230] : memref<4096xf32, #tpu.memory_space<vmem>>[vector<16xi32>], vector<16xf32>,
    %swap3A_1232 = arith.constant 736 : index
    %swap3A_1233 = tpu.vector_load %arg7[%swap3A_1232] {strides = array<i32>} : memref<4096xf32, #tpu.memory_space<vmem>>, vector<16xf32>,
    tpu.vector_store %arg7[%swap3A_1232], %gather3A_1231 {strides = array<i32>} : memref<4096xf32, #tpu.memory_space<vmem>>, vector<16xf32>,
    %add3A_1234 = arith.constant 1024 : i32
    %add3A_1235 = vector.broadcast %add3A_1234 : i32 to vector<16xi32>
    %add3A_1236 = arith.addi %get3A_1227, %add3A_1235 : vector<16xi32>
    %gather3A_1237 = tpu.vector_load_idx %arg5[%add3A_1236] : memref<4096xf32, #tpu.memory_space<vmem>>[vector<16xi32>], vector<16xf32>,
    %swap3A_1238 = arith.constant 1760 : index
    %swap3A_1239 = tpu.vector_load %arg7[%swap3A_1238] {strides = array<i32>} : memref<4096xf32, #tpu.memory_space<vmem>>, vector<16xf32>,
    tpu.vector_store %arg7[%swap3A_1238], %gather3A_1237 {strides = array<i32>} : memref<4096xf32, #tpu.memory_space<vmem>>, vector<16xf32>,
    %add3A_1240 = arith.constant 2048 : i32
    %add3A_1241 = vector.broadcast %add3A_1240 : i32 to vector<16xi32>
    %add3A_1242 = arith.addi %get3A_1227, %add3A_1241 : vector<16xi32>
    %gather3A_1243 = tpu.vector_load_idx %arg5[%add3A_1242] : memref<4096xf32, #tpu.memory_space<vmem>>[vector<16xi32>], vector<16xf32>,
    %swap3A_1244 = arith.constant 2784 : index
    %swap3A_1245 = tpu.vector_load %arg7[%swap3A_1244] {strides = array<i32>} : memref<4096xf32, #tpu.memory_space<vmem>>, vector<16xf32>,
    tpu.vector_store %arg7[%swap3A_1244], %gather3A_1243 {strides = array<i32>} : memref<4096xf32, #tpu.memory_space<vmem>>, vector<16xf32>,
    %add3A_1246 = arith.constant 3072 : i32
    %add3A_1247 = vector.broadcast %add3A_1246 : i32 to vector<16xi32>
    %add3A_1248 = arith.addi %get3A_1227, %add3A_1247 : vector<16xi32>
    %gather3A_1249 = tpu.vector_load_idx %arg5[%add3A_1248] : memref<4096xf32, #tpu.memory_space<vmem>>[vector<16xi32>], vector<16xf32>,
    %swap3A_1250 = arith.constant 3808 : index
    %swap3A_1251 = tpu.vector_load %arg7[%swap3A_1250] {strides = array<i32>} : memref<4096xf32, #tpu.memory_space<vmem>>, vector<16xf32>,
    tpu.vector_store %arg7[%swap3A_1250], %gather3A_1249 {strides = array<i32>} : memref<4096xf32, #tpu.memory_space<vmem>>, vector<16xf32>,
    %get3A_1252 = arith.constant 752 : index
    %get3A_1253 = tpu.vector_load %arg6[%get3A_1252] {strides = array<i32>} : memref<1024xi32, #tpu.memory_space<vmem>>, vector<16xi32>,
    %add3A_1254 = arith.constant 0 : i32
    %add3A_1255 = vector.broadcast %add3A_1254 : i32 to vector<16xi32>
    %add3A_1256 = arith.addi %get3A_1253, %add3A_1255 : vector<16xi32>
    %gather3A_1257 = tpu.vector_load_idx %arg5[%add3A_1256] : memref<4096xf32, #tpu.memory_space<vmem>>[vector<16xi32>], vector<16xf32>,
    %swap3A_1258 = arith.constant 752 : index
    %swap3A_1259 = tpu.vector_load %arg7[%swap3A_1258] {strides = array<i32>} : memref<4096xf32, #tpu.memory_space<vmem>>, vector<16xf32>,
    tpu.vector_store %arg7[%swap3A_1258], %gather3A_1257 {strides = array<i32>} : memref<4096xf32, #tpu.memory_space<vmem>>, vector<16xf32>,
    %add3A_1260 = arith.constant 1024 : i32
    %add3A_1261 = vector.broadcast %add3A_1260 : i32 to vector<16xi32>
    %add3A_1262 = arith.addi %get3A_1253, %add3A_1261 : vector<16xi32>
    %gather3A_1263 = tpu.vector_load_idx %arg5[%add3A_1262] : memref<4096xf32, #tpu.memory_space<vmem>>[vector<16xi32>], vector<16xf32>,
    %swap3A_1264 = arith.constant 1776 : index
    %swap3A_1265 = tpu.vector_load %arg7[%swap3A_1264] {strides = array<i32>} : memref<4096xf32, #tpu.memory_space<vmem>>, vector<16xf32>,
    tpu.vector_store %arg7[%swap3A_1264], %gather3A_1263 {strides = array<i32>} : memref<4096xf32, #tpu.memory_space<vmem>>, vector<16xf32>,
    %add3A_1266 = arith.constant 2048 : i32
    %add3A_1267 = vector.broadcast %add3A_1266 : i32 to vector<16xi32>
    %add3A_1268 = arith.addi %get3A_1253, %add3A_1267 : vector<16xi32>
    %gather3A_1269 = tpu.vector_load_idx %arg5[%add3A_1268] : memref<4096xf32, #tpu.memory_space<vmem>>[vector<16xi32>], vector<16xf32>,
    %swap3A_1270 = arith.constant 2800 : index
    %swap3A_1271 = tpu.vector_load %arg7[%swap3A_1270] {strides = array<i32>} : memref<4096xf32, #tpu.memory_space<vmem>>, vector<16xf32>,
    tpu.vector_store %arg7[%swap3A_1270], %gather3A_1269 {strides = array<i32>} : memref<4096xf32, #tpu.memory_space<vmem>>, vector<16xf32>,
    %add3A_1272 = arith.constant 3072 : i32
    %add3A_1273 = vector.broadcast %add3A_1272 : i32 to vector<16xi32>
    %add3A_1274 = arith.addi %get3A_1253, %add3A_1273 : vector<16xi32>
    %gather3A_1275 = tpu.vector_load_idx %arg5[%add3A_1274] : memref<4096xf32, #tpu.memory_space<vmem>>[vector<16xi32>], vector<16xf32>,
    %swap3A_1276 = arith.constant 3824 : index
    %swap3A_1277 = tpu.vector_load %arg7[%swap3A_1276] {strides = array<i32>} : memref<4096xf32, #tpu.memory_space<vmem>>, vector<16xf32>,
    tpu.vector_store %arg7[%swap3A_1276], %gather3A_1275 {strides = array<i32>} : memref<4096xf32, #tpu.memory_space<vmem>>, vector<16xf32>,
    %get3A_1278 = arith.constant 768 : index
    %get3A_1279 = tpu.vector_load %arg6[%get3A_1278] {strides = array<i32>} : memref<1024xi32, #tpu.memory_space<vmem>>, vector<16xi32>,
    %add3A_1280 = arith.constant 0 : i32
    %add3A_1281 = vector.broadcast %add3A_1280 : i32 to vector<16xi32>
    %add3A_1282 = arith.addi %get3A_1279, %add3A_1281 : vector<16xi32>
    %gather3A_1283 = tpu.vector_load_idx %arg5[%add3A_1282] : memref<4096xf32, #tpu.memory_space<vmem>>[vector<16xi32>], vector<16xf32>,
    %swap3A_1284 = arith.constant 768 : index
    %swap3A_1285 = tpu.vector_load %arg7[%swap3A_1284] {strides = array<i32>} : memref<4096xf32, #tpu.memory_space<vmem>>, vector<16xf32>,
    tpu.vector_store %arg7[%swap3A_1284], %gather3A_1283 {strides = array<i32>} : memref<4096xf32, #tpu.memory_space<vmem>>, vector<16xf32>,
    %add3A_1286 = arith.constant 1024 : i32
    %add3A_1287 = vector.broadcast %add3A_1286 : i32 to vector<16xi32>
    %add3A_1288 = arith.addi %get3A_1279, %add3A_1287 : vector<16xi32>
    %gather3A_1289 = tpu.vector_load_idx %arg5[%add3A_1288] : memref<4096xf32, #tpu.memory_space<vmem>>[vector<16xi32>], vector<16xf32>,
    %swap3A_1290 = arith.constant 1792 : index
    %swap3A_1291 = tpu.vector_load %arg7[%swap3A_1290] {strides = array<i32>} : memref<4096xf32, #tpu.memory_space<vmem>>, vector<16xf32>,
    tpu.vector_store %arg7[%swap3A_1290], %gather3A_1289 {strides = array<i32>} : memref<4096xf32, #tpu.memory_space<vmem>>, vector<16xf32>,
    %add3A_1292 = arith.constant 2048 : i32
    %add3A_1293 = vector.broadcast %add3A_1292 : i32 to vector<16xi32>
    %add3A_1294 = arith.addi %get3A_1279, %add3A_1293 : vector<16xi32>
    %gather3A_1295 = tpu.vector_load_idx %arg5[%add3A_1294] : memref<4096xf32, #tpu.memory_space<vmem>>[vector<16xi32>], vector<16xf32>,
    %swap3A_1296 = arith.constant 2816 : index
    %swap3A_1297 = tpu.vector_load %arg7[%swap3A_1296] {strides = array<i32>} : memref<4096xf32, #tpu.memory_space<vmem>>, vector<16xf32>,
    tpu.vector_store %arg7[%swap3A_1296], %gather3A_1295 {strides = array<i32>} : memref<4096xf32, #tpu.memory_space<vmem>>, vector<16xf32>,
    %add3A_1298 = arith.constant 3072 : i32
    %add3A_1299 = vector.broadcast %add3A_1298 : i32 to vector<16xi32>
    %add3A_1300 = arith.addi %get3A_1279, %add3A_1299 : vector<16xi32>
    %gather3A_1301 = tpu.vector_load_idx %arg5[%add3A_1300] : memref<4096xf32, #tpu.memory_space<vmem>>[vector<16xi32>], vector<16xf32>,
    %swap3A_1302 = arith.constant 3840 : index
    %swap3A_1303 = tpu.vector_load %arg7[%swap3A_1302] {strides = array<i32>} : memref<4096xf32, #tpu.memory_space<vmem>>, vector<16xf32>,
    tpu.vector_store %arg7[%swap3A_1302], %gather3A_1301 {strides = array<i32>} : memref<4096xf32, #tpu.memory_space<vmem>>, vector<16xf32>,
    %get3A_1304 = arith.constant 784 : index
    %get3A_1305 = tpu.vector_load %arg6[%get3A_1304] {strides = array<i32>} : memref<1024xi32, #tpu.memory_space<vmem>>, vector<16xi32>,
    %add3A_1306 = arith.constant 0 : i32
    %add3A_1307 = vector.broadcast %add3A_1306 : i32 to vector<16xi32>
    %add3A_1308 = arith.addi %get3A_1305, %add3A_1307 : vector<16xi32>
    %gather3A_1309 = tpu.vector_load_idx %arg5[%add3A_1308] : memref<4096xf32, #tpu.memory_space<vmem>>[vector<16xi32>], vector<16xf32>,
    %swap3A_1310 = arith.constant 784 : index
    %swap3A_1311 = tpu.vector_load %arg7[%swap3A_1310] {strides = array<i32>} : memref<4096xf32, #tpu.memory_space<vmem>>, vector<16xf32>,
    tpu.vector_store %arg7[%swap3A_1310], %gather3A_1309 {strides = array<i32>} : memref<4096xf32, #tpu.memory_space<vmem>>, vector<16xf32>,
    %add3A_1312 = arith.constant 1024 : i32
    %add3A_1313 = vector.broadcast %add3A_1312 : i32 to vector<16xi32>
    %add3A_1314 = arith.addi %get3A_1305, %add3A_1313 : vector<16xi32>
    %gather3A_1315 = tpu.vector_load_idx %arg5[%add3A_1314] : memref<4096xf32, #tpu.memory_space<vmem>>[vector<16xi32>], vector<16xf32>,
    %swap3A_1316 = arith.constant 1808 : index
    %swap3A_1317 = tpu.vector_load %arg7[%swap3A_1316] {strides = array<i32>} : memref<4096xf32, #tpu.memory_space<vmem>>, vector<16xf32>,
    tpu.vector_store %arg7[%swap3A_1316], %gather3A_1315 {strides = array<i32>} : memref<4096xf32, #tpu.memory_space<vmem>>, vector<16xf32>,
    %add3A_1318 = arith.constant 2048 : i32
    %add3A_1319 = vector.broadcast %add3A_1318 : i32 to vector<16xi32>
    %add3A_1320 = arith.addi %get3A_1305, %add3A_1319 : vector<16xi32>
    %gather3A_1321 = tpu.vector_load_idx %arg5[%add3A_1320] : memref<4096xf32, #tpu.memory_space<vmem>>[vector<16xi32>], vector<16xf32>,
    %swap3A_1322 = arith.constant 2832 : index
    %swap3A_1323 = tpu.vector_load %arg7[%swap3A_1322] {strides = array<i32>} : memref<4096xf32, #tpu.memory_space<vmem>>, vector<16xf32>,
    tpu.vector_store %arg7[%swap3A_1322], %gather3A_1321 {strides = array<i32>} : memref<4096xf32, #tpu.memory_space<vmem>>, vector<16xf32>,
    %add3A_1324 = arith.constant 3072 : i32
    %add3A_1325 = vector.broadcast %add3A_1324 : i32 to vector<16xi32>
    %add3A_1326 = arith.addi %get3A_1305, %add3A_1325 : vector<16xi32>
    %gather3A_1327 = tpu.vector_load_idx %arg5[%add3A_1326] : memref<4096xf32, #tpu.memory_space<vmem>>[vector<16xi32>], vector<16xf32>,
    %swap3A_1328 = arith.constant 3856 : index
    %swap3A_1329 = tpu.vector_load %arg7[%swap3A_1328] {strides = array<i32>} : memref<4096xf32, #tpu.memory_space<vmem>>, vector<16xf32>,
    tpu.vector_store %arg7[%swap3A_1328], %gather3A_1327 {strides = array<i32>} : memref<4096xf32, #tpu.memory_space<vmem>>, vector<16xf32>,
    %get3A_1330 = arith.constant 800 : index
    %get3A_1331 = tpu.vector_load %arg6[%get3A_1330] {strides = array<i32>} : memref<1024xi32, #tpu.memory_space<vmem>>, vector<16xi32>,
    %add3A_1332 = arith.constant 0 : i32
    %add3A_1333 = vector.broadcast %add3A_1332 : i32 to vector<16xi32>
    %add3A_1334 = arith.addi %get3A_1331, %add3A_1333 : vector<16xi32>
    %gather3A_1335 = tpu.vector_load_idx %arg5[%add3A_1334] : memref<4096xf32, #tpu.memory_space<vmem>>[vector<16xi32>], vector<16xf32>,
    %swap3A_1336 = arith.constant 800 : index
    %swap3A_1337 = tpu.vector_load %arg7[%swap3A_1336] {strides = array<i32>} : memref<4096xf32, #tpu.memory_space<vmem>>, vector<16xf32>,
    tpu.vector_store %arg7[%swap3A_1336], %gather3A_1335 {strides = array<i32>} : memref<4096xf32, #tpu.memory_space<vmem>>, vector<16xf32>,
    %add3A_1338 = arith.constant 1024 : i32
    %add3A_1339 = vector.broadcast %add3A_1338 : i32 to vector<16xi32>
    %add3A_1340 = arith.addi %get3A_1331, %add3A_1339 : vector<16xi32>
    %gather3A_1341 = tpu.vector_load_idx %arg5[%add3A_1340] : memref<4096xf32, #tpu.memory_space<vmem>>[vector<16xi32>], vector<16xf32>,
    %swap3A_1342 = arith.constant 1824 : index
    %swap3A_1343 = tpu.vector_load %arg7[%swap3A_1342] {strides = array<i32>} : memref<4096xf32, #tpu.memory_space<vmem>>, vector<16xf32>,
    tpu.vector_store %arg7[%swap3A_1342], %gather3A_1341 {strides = array<i32>} : memref<4096xf32, #tpu.memory_space<vmem>>, vector<16xf32>,
    %add3A_1344 = arith.constant 2048 : i32
    %add3A_1345 = vector.broadcast %add3A_1344 : i32 to vector<16xi32>
    %add3A_1346 = arith.addi %get3A_1331, %add3A_1345 : vector<16xi32>
    %gather3A_1347 = tpu.vector_load_idx %arg5[%add3A_1346] : memref<4096xf32, #tpu.memory_space<vmem>>[vector<16xi32>], vector<16xf32>,
    %swap3A_1348 = arith.constant 2848 : index
    %swap3A_1349 = tpu.vector_load %arg7[%swap3A_1348] {strides = array<i32>} : memref<4096xf32, #tpu.memory_space<vmem>>, vector<16xf32>,
    tpu.vector_store %arg7[%swap3A_1348], %gather3A_1347 {strides = array<i32>} : memref<4096xf32, #tpu.memory_space<vmem>>, vector<16xf32>,
    %add3A_1350 = arith.constant 3072 : i32
    %add3A_1351 = vector.broadcast %add3A_1350 : i32 to vector<16xi32>
    %add3A_1352 = arith.addi %get3A_1331, %add3A_1351 : vector<16xi32>
    %gather3A_1353 = tpu.vector_load_idx %arg5[%add3A_1352] : memref<4096xf32, #tpu.memory_space<vmem>>[vector<16xi32>], vector<16xf32>,
    %swap3A_1354 = arith.constant 3872 : index
    %swap3A_1355 = tpu.vector_load %arg7[%swap3A_1354] {strides = array<i32>} : memref<4096xf32, #tpu.memory_space<vmem>>, vector<16xf32>,
    tpu.vector_store %arg7[%swap3A_1354], %gather3A_1353 {strides = array<i32>} : memref<4096xf32, #tpu.memory_space<vmem>>, vector<16xf32>,
    %get3A_1356 = arith.constant 816 : index
    %get3A_1357 = tpu.vector_load %arg6[%get3A_1356] {strides = array<i32>} : memref<1024xi32, #tpu.memory_space<vmem>>, vector<16xi32>,
    %add3A_1358 = arith.constant 0 : i32
    %add3A_1359 = vector.broadcast %add3A_1358 : i32 to vector<16xi32>
    %add3A_1360 = arith.addi %get3A_1357, %add3A_1359 : vector<16xi32>
    %gather3A_1361 = tpu.vector_load_idx %arg5[%add3A_1360] : memref<4096xf32, #tpu.memory_space<vmem>>[vector<16xi32>], vector<16xf32>,
    %swap3A_1362 = arith.constant 816 : index
    %swap3A_1363 = tpu.vector_load %arg7[%swap3A_1362] {strides = array<i32>} : memref<4096xf32, #tpu.memory_space<vmem>>, vector<16xf32>,
    tpu.vector_store %arg7[%swap3A_1362], %gather3A_1361 {strides = array<i32>} : memref<4096xf32, #tpu.memory_space<vmem>>, vector<16xf32>,
    %add3A_1364 = arith.constant 1024 : i32
    %add3A_1365 = vector.broadcast %add3A_1364 : i32 to vector<16xi32>
    %add3A_1366 = arith.addi %get3A_1357, %add3A_1365 : vector<16xi32>
    %gather3A_1367 = tpu.vector_load_idx %arg5[%add3A_1366] : memref<4096xf32, #tpu.memory_space<vmem>>[vector<16xi32>], vector<16xf32>,
    %swap3A_1368 = arith.constant 1840 : index
    %swap3A_1369 = tpu.vector_load %arg7[%swap3A_1368] {strides = array<i32>} : memref<4096xf32, #tpu.memory_space<vmem>>, vector<16xf32>,
    tpu.vector_store %arg7[%swap3A_1368], %gather3A_1367 {strides = array<i32>} : memref<4096xf32, #tpu.memory_space<vmem>>, vector<16xf32>,
    %add3A_1370 = arith.constant 2048 : i32
    %add3A_1371 = vector.broadcast %add3A_1370 : i32 to vector<16xi32>
    %add3A_1372 = arith.addi %get3A_1357, %add3A_1371 : vector<16xi32>
    %gather3A_1373 = tpu.vector_load_idx %arg5[%add3A_1372] : memref<4096xf32, #tpu.memory_space<vmem>>[vector<16xi32>], vector<16xf32>,
    %swap3A_1374 = arith.constant 2864 : index
    %swap3A_1375 = tpu.vector_load %arg7[%swap3A_1374] {strides = array<i32>} : memref<4096xf32, #tpu.memory_space<vmem>>, vector<16xf32>,
    tpu.vector_store %arg7[%swap3A_1374], %gather3A_1373 {strides = array<i32>} : memref<4096xf32, #tpu.memory_space<vmem>>, vector<16xf32>,
    %add3A_1376 = arith.constant 3072 : i32
    %add3A_1377 = vector.broadcast %add3A_1376 : i32 to vector<16xi32>
    %add3A_1378 = arith.addi %get3A_1357, %add3A_1377 : vector<16xi32>
    %gather3A_1379 = tpu.vector_load_idx %arg5[%add3A_1378] : memref<4096xf32, #tpu.memory_space<vmem>>[vector<16xi32>], vector<16xf32>,
    %swap3A_1380 = arith.constant 3888 : index
    %swap3A_1381 = tpu.vector_load %arg7[%swap3A_1380] {strides = array<i32>} : memref<4096xf32, #tpu.memory_space<vmem>>, vector<16xf32>,
    tpu.vector_store %arg7[%swap3A_1380], %gather3A_1379 {strides = array<i32>} : memref<4096xf32, #tpu.memory_space<vmem>>, vector<16xf32>,
    %get3A_1382 = arith.constant 832 : index
    %get3A_1383 = tpu.vector_load %arg6[%get3A_1382] {strides = array<i32>} : memref<1024xi32, #tpu.memory_space<vmem>>, vector<16xi32>,
    %add3A_1384 = arith.constant 0 : i32
    %add3A_1385 = vector.broadcast %add3A_1384 : i32 to vector<16xi32>
    %add3A_1386 = arith.addi %get3A_1383, %add3A_1385 : vector<16xi32>
    %gather3A_1387 = tpu.vector_load_idx %arg5[%add3A_1386] : memref<4096xf32, #tpu.memory_space<vmem>>[vector<16xi32>], vector<16xf32>,
    %swap3A_1388 = arith.constant 832 : index
    %swap3A_1389 = tpu.vector_load %arg7[%swap3A_1388] {strides = array<i32>} : memref<4096xf32, #tpu.memory_space<vmem>>, vector<16xf32>,
    tpu.vector_store %arg7[%swap3A_1388], %gather3A_1387 {strides = array<i32>} : memref<4096xf32, #tpu.memory_space<vmem>>, vector<16xf32>,
    %add3A_1390 = arith.constant 1024 : i32
    %add3A_1391 = vector.broadcast %add3A_1390 : i32 to vector<16xi32>
    %add3A_1392 = arith.addi %get3A_1383, %add3A_1391 : vector<16xi32>
    %gather3A_1393 = tpu.vector_load_idx %arg5[%add3A_1392] : memref<4096xf32, #tpu.memory_space<vmem>>[vector<16xi32>], vector<16xf32>,
    %swap3A_1394 = arith.constant 1856 : index
    %swap3A_1395 = tpu.vector_load %arg7[%swap3A_1394] {strides = array<i32>} : memref<4096xf32, #tpu.memory_space<vmem>>, vector<16xf32>,
    tpu.vector_store %arg7[%swap3A_1394], %gather3A_1393 {strides = array<i32>} : memref<4096xf32, #tpu.memory_space<vmem>>, vector<16xf32>,
    %add3A_1396 = arith.constant 2048 : i32
    %add3A_1397 = vector.broadcast %add3A_1396 : i32 to vector<16xi32>
    %add3A_1398 = arith.addi %get3A_1383, %add3A_1397 : vector<16xi32>
    %gather3A_1399 = tpu.vector_load_idx %arg5[%add3A_1398] : memref<4096xf32, #tpu.memory_space<vmem>>[vector<16xi32>], vector<16xf32>,
    %swap3A_1400 = arith.constant 2880 : index
    %swap3A_1401 = tpu.vector_load %arg7[%swap3A_1400] {strides = array<i32>} : memref<4096xf32, #tpu.memory_space<vmem>>, vector<16xf32>,
    tpu.vector_store %arg7[%swap3A_1400], %gather3A_1399 {strides = array<i32>} : memref<4096xf32, #tpu.memory_space<vmem>>, vector<16xf32>,
    %add3A_1402 = arith.constant 3072 : i32
    %add3A_1403 = vector.broadcast %add3A_1402 : i32 to vector<16xi32>
    %add3A_1404 = arith.addi %get3A_1383, %add3A_1403 : vector<16xi32>
    %gather3A_1405 = tpu.vector_load_idx %arg5[%add3A_1404] : memref<4096xf32, #tpu.memory_space<vmem>>[vector<16xi32>], vector<16xf32>,
    %swap3A_1406 = arith.constant 3904 : index
    %swap3A_1407 = tpu.vector_load %arg7[%swap3A_1406] {strides = array<i32>} : memref<4096xf32, #tpu.memory_space<vmem>>, vector<16xf32>,
    tpu.vector_store %arg7[%swap3A_1406], %gather3A_1405 {strides = array<i32>} : memref<4096xf32, #tpu.memory_space<vmem>>, vector<16xf32>,
    %get3A_1408 = arith.constant 848 : index
    %get3A_1409 = tpu.vector_load %arg6[%get3A_1408] {strides = array<i32>} : memref<1024xi32, #tpu.memory_space<vmem>>, vector<16xi32>,
    %add3A_1410 = arith.constant 0 : i32
    %add3A_1411 = vector.broadcast %add3A_1410 : i32 to vector<16xi32>
    %add3A_1412 = arith.addi %get3A_1409, %add3A_1411 : vector<16xi32>
    %gather3A_1413 = tpu.vector_load_idx %arg5[%add3A_1412] : memref<4096xf32, #tpu.memory_space<vmem>>[vector<16xi32>], vector<16xf32>,
    %swap3A_1414 = arith.constant 848 : index
    %swap3A_1415 = tpu.vector_load %arg7[%swap3A_1414] {strides = array<i32>} : memref<4096xf32, #tpu.memory_space<vmem>>, vector<16xf32>,
    tpu.vector_store %arg7[%swap3A_1414], %gather3A_1413 {strides = array<i32>} : memref<4096xf32, #tpu.memory_space<vmem>>, vector<16xf32>,
    %add3A_1416 = arith.constant 1024 : i32
    %add3A_1417 = vector.broadcast %add3A_1416 : i32 to vector<16xi32>
    %add3A_1418 = arith.addi %get3A_1409, %add3A_1417 : vector<16xi32>
    %gather3A_1419 = tpu.vector_load_idx %arg5[%add3A_1418] : memref<4096xf32, #tpu.memory_space<vmem>>[vector<16xi32>], vector<16xf32>,
    %swap3A_1420 = arith.constant 1872 : index
    %swap3A_1421 = tpu.vector_load %arg7[%swap3A_1420] {strides = array<i32>} : memref<4096xf32, #tpu.memory_space<vmem>>, vector<16xf32>,
    tpu.vector_store %arg7[%swap3A_1420], %gather3A_1419 {strides = array<i32>} : memref<4096xf32, #tpu.memory_space<vmem>>, vector<16xf32>,
    %add3A_1422 = arith.constant 2048 : i32
    %add3A_1423 = vector.broadcast %add3A_1422 : i32 to vector<16xi32>
    %add3A_1424 = arith.addi %get3A_1409, %add3A_1423 : vector<16xi32>
    %gather3A_1425 = tpu.vector_load_idx %arg5[%add3A_1424] : memref<4096xf32, #tpu.memory_space<vmem>>[vector<16xi32>], vector<16xf32>,
    %swap3A_1426 = arith.constant 2896 : index
    %swap3A_1427 = tpu.vector_load %arg7[%swap3A_1426] {strides = array<i32>} : memref<4096xf32, #tpu.memory_space<vmem>>, vector<16xf32>,
    tpu.vector_store %arg7[%swap3A_1426], %gather3A_1425 {strides = array<i32>} : memref<4096xf32, #tpu.memory_space<vmem>>, vector<16xf32>,
    %add3A_1428 = arith.constant 3072 : i32
    %add3A_1429 = vector.broadcast %add3A_1428 : i32 to vector<16xi32>
    %add3A_1430 = arith.addi %get3A_1409, %add3A_1429 : vector<16xi32>
    %gather3A_1431 = tpu.vector_load_idx %arg5[%add3A_1430] : memref<4096xf32, #tpu.memory_space<vmem>>[vector<16xi32>], vector<16xf32>,
    %swap3A_1432 = arith.constant 3920 : index
    %swap3A_1433 = tpu.vector_load %arg7[%swap3A_1432] {strides = array<i32>} : memref<4096xf32, #tpu.memory_space<vmem>>, vector<16xf32>,
    tpu.vector_store %arg7[%swap3A_1432], %gather3A_1431 {strides = array<i32>} : memref<4096xf32, #tpu.memory_space<vmem>>, vector<16xf32>,
    %get3A_1434 = arith.constant 864 : index
    %get3A_1435 = tpu.vector_load %arg6[%get3A_1434] {strides = array<i32>} : memref<1024xi32, #tpu.memory_space<vmem>>, vector<16xi32>,
    %add3A_1436 = arith.constant 0 : i32
    %add3A_1437 = vector.broadcast %add3A_1436 : i32 to vector<16xi32>
    %add3A_1438 = arith.addi %get3A_1435, %add3A_1437 : vector<16xi32>
    %gather3A_1439 = tpu.vector_load_idx %arg5[%add3A_1438] : memref<4096xf32, #tpu.memory_space<vmem>>[vector<16xi32>], vector<16xf32>,
    %swap3A_1440 = arith.constant 864 : index
    %swap3A_1441 = tpu.vector_load %arg7[%swap3A_1440] {strides = array<i32>} : memref<4096xf32, #tpu.memory_space<vmem>>, vector<16xf32>,
    tpu.vector_store %arg7[%swap3A_1440], %gather3A_1439 {strides = array<i32>} : memref<4096xf32, #tpu.memory_space<vmem>>, vector<16xf32>,
    %add3A_1442 = arith.constant 1024 : i32
    %add3A_1443 = vector.broadcast %add3A_1442 : i32 to vector<16xi32>
    %add3A_1444 = arith.addi %get3A_1435, %add3A_1443 : vector<16xi32>
    %gather3A_1445 = tpu.vector_load_idx %arg5[%add3A_1444] : memref<4096xf32, #tpu.memory_space<vmem>>[vector<16xi32>], vector<16xf32>,
    %swap3A_1446 = arith.constant 1888 : index
    %swap3A_1447 = tpu.vector_load %arg7[%swap3A_1446] {strides = array<i32>} : memref<4096xf32, #tpu.memory_space<vmem>>, vector<16xf32>,
    tpu.vector_store %arg7[%swap3A_1446], %gather3A_1445 {strides = array<i32>} : memref<4096xf32, #tpu.memory_space<vmem>>, vector<16xf32>,
    %add3A_1448 = arith.constant 2048 : i32
    %add3A_1449 = vector.broadcast %add3A_1448 : i32 to vector<16xi32>
    %add3A_1450 = arith.addi %get3A_1435, %add3A_1449 : vector<16xi32>
    %gather3A_1451 = tpu.vector_load_idx %arg5[%add3A_1450] : memref<4096xf32, #tpu.memory_space<vmem>>[vector<16xi32>], vector<16xf32>,
    %swap3A_1452 = arith.constant 2912 : index
    %swap3A_1453 = tpu.vector_load %arg7[%swap3A_1452] {strides = array<i32>} : memref<4096xf32, #tpu.memory_space<vmem>>, vector<16xf32>,
    tpu.vector_store %arg7[%swap3A_1452], %gather3A_1451 {strides = array<i32>} : memref<4096xf32, #tpu.memory_space<vmem>>, vector<16xf32>,
    %add3A_1454 = arith.constant 3072 : i32
    %add3A_1455 = vector.broadcast %add3A_1454 : i32 to vector<16xi32>
    %add3A_1456 = arith.addi %get3A_1435, %add3A_1455 : vector<16xi32>
    %gather3A_1457 = tpu.vector_load_idx %arg5[%add3A_1456] : memref<4096xf32, #tpu.memory_space<vmem>>[vector<16xi32>], vector<16xf32>,
    %swap3A_1458 = arith.constant 3936 : index
    %swap3A_1459 = tpu.vector_load %arg7[%swap3A_1458] {strides = array<i32>} : memref<4096xf32, #tpu.memory_space<vmem>>, vector<16xf32>,
    tpu.vector_store %arg7[%swap3A_1458], %gather3A_1457 {strides = array<i32>} : memref<4096xf32, #tpu.memory_space<vmem>>, vector<16xf32>,
    %get3A_1460 = arith.constant 880 : index
    %get3A_1461 = tpu.vector_load %arg6[%get3A_1460] {strides = array<i32>} : memref<1024xi32, #tpu.memory_space<vmem>>, vector<16xi32>,
    %add3A_1462 = arith.constant 0 : i32
    %add3A_1463 = vector.broadcast %add3A_1462 : i32 to vector<16xi32>
    %add3A_1464 = arith.addi %get3A_1461, %add3A_1463 : vector<16xi32>
    %gather3A_1465 = tpu.vector_load_idx %arg5[%add3A_1464] : memref<4096xf32, #tpu.memory_space<vmem>>[vector<16xi32>], vector<16xf32>,
    %swap3A_1466 = arith.constant 880 : index
    %swap3A_1467 = tpu.vector_load %arg7[%swap3A_1466] {strides = array<i32>} : memref<4096xf32, #tpu.memory_space<vmem>>, vector<16xf32>,
    tpu.vector_store %arg7[%swap3A_1466], %gather3A_1465 {strides = array<i32>} : memref<4096xf32, #tpu.memory_space<vmem>>, vector<16xf32>,
    %add3A_1468 = arith.constant 1024 : i32
    %add3A_1469 = vector.broadcast %add3A_1468 : i32 to vector<16xi32>
    %add3A_1470 = arith.addi %get3A_1461, %add3A_1469 : vector<16xi32>
    %gather3A_1471 = tpu.vector_load_idx %arg5[%add3A_1470] : memref<4096xf32, #tpu.memory_space<vmem>>[vector<16xi32>], vector<16xf32>,
    %swap3A_1472 = arith.constant 1904 : index
    %swap3A_1473 = tpu.vector_load %arg7[%swap3A_1472] {strides = array<i32>} : memref<4096xf32, #tpu.memory_space<vmem>>, vector<16xf32>,
    tpu.vector_store %arg7[%swap3A_1472], %gather3A_1471 {strides = array<i32>} : memref<4096xf32, #tpu.memory_space<vmem>>, vector<16xf32>,
    %add3A_1474 = arith.constant 2048 : i32
    %add3A_1475 = vector.broadcast %add3A_1474 : i32 to vector<16xi32>
    %add3A_1476 = arith.addi %get3A_1461, %add3A_1475 : vector<16xi32>
    %gather3A_1477 = tpu.vector_load_idx %arg5[%add3A_1476] : memref<4096xf32, #tpu.memory_space<vmem>>[vector<16xi32>], vector<16xf32>,
    %swap3A_1478 = arith.constant 2928 : index
    %swap3A_1479 = tpu.vector_load %arg7[%swap3A_1478] {strides = array<i32>} : memref<4096xf32, #tpu.memory_space<vmem>>, vector<16xf32>,
    tpu.vector_store %arg7[%swap3A_1478], %gather3A_1477 {strides = array<i32>} : memref<4096xf32, #tpu.memory_space<vmem>>, vector<16xf32>,
    %add3A_1480 = arith.constant 3072 : i32
    %add3A_1481 = vector.broadcast %add3A_1480 : i32 to vector<16xi32>
    %add3A_1482 = arith.addi %get3A_1461, %add3A_1481 : vector<16xi32>
    %gather3A_1483 = tpu.vector_load_idx %arg5[%add3A_1482] : memref<4096xf32, #tpu.memory_space<vmem>>[vector<16xi32>], vector<16xf32>,
    %swap3A_1484 = arith.constant 3952 : index
    %swap3A_1485 = tpu.vector_load %arg7[%swap3A_1484] {strides = array<i32>} : memref<4096xf32, #tpu.memory_space<vmem>>, vector<16xf32>,
    tpu.vector_store %arg7[%swap3A_1484], %gather3A_1483 {strides = array<i32>} : memref<4096xf32, #tpu.memory_space<vmem>>, vector<16xf32>,
    %get3A_1486 = arith.constant 896 : index
    %get3A_1487 = tpu.vector_load %arg6[%get3A_1486] {strides = array<i32>} : memref<1024xi32, #tpu.memory_space<vmem>>, vector<16xi32>,
    %add3A_1488 = arith.constant 0 : i32
    %add3A_1489 = vector.broadcast %add3A_1488 : i32 to vector<16xi32>
    %add3A_1490 = arith.addi %get3A_1487, %add3A_1489 : vector<16xi32>
    %gather3A_1491 = tpu.vector_load_idx %arg5[%add3A_1490] : memref<4096xf32, #tpu.memory_space<vmem>>[vector<16xi32>], vector<16xf32>,
    %swap3A_1492 = arith.constant 896 : index
    %swap3A_1493 = tpu.vector_load %arg7[%swap3A_1492] {strides = array<i32>} : memref<4096xf32, #tpu.memory_space<vmem>>, vector<16xf32>,
    tpu.vector_store %arg7[%swap3A_1492], %gather3A_1491 {strides = array<i32>} : memref<4096xf32, #tpu.memory_space<vmem>>, vector<16xf32>,
    %add3A_1494 = arith.constant 1024 : i32
    %add3A_1495 = vector.broadcast %add3A_1494 : i32 to vector<16xi32>
    %add3A_1496 = arith.addi %get3A_1487, %add3A_1495 : vector<16xi32>
    %gather3A_1497 = tpu.vector_load_idx %arg5[%add3A_1496] : memref<4096xf32, #tpu.memory_space<vmem>>[vector<16xi32>], vector<16xf32>,
    %swap3A_1498 = arith.constant 1920 : index
    %swap3A_1499 = tpu.vector_load %arg7[%swap3A_1498] {strides = array<i32>} : memref<4096xf32, #tpu.memory_space<vmem>>, vector<16xf32>,
    tpu.vector_store %arg7[%swap3A_1498], %gather3A_1497 {strides = array<i32>} : memref<4096xf32, #tpu.memory_space<vmem>>, vector<16xf32>,
    %add3A_1500 = arith.constant 2048 : i32
    %add3A_1501 = vector.broadcast %add3A_1500 : i32 to vector<16xi32>
    %add3A_1502 = arith.addi %get3A_1487, %add3A_1501 : vector<16xi32>
    %gather3A_1503 = tpu.vector_load_idx %arg5[%add3A_1502] : memref<4096xf32, #tpu.memory_space<vmem>>[vector<16xi32>], vector<16xf32>,
    %swap3A_1504 = arith.constant 2944 : index
    %swap3A_1505 = tpu.vector_load %arg7[%swap3A_1504] {strides = array<i32>} : memref<4096xf32, #tpu.memory_space<vmem>>, vector<16xf32>,
    tpu.vector_store %arg7[%swap3A_1504], %gather3A_1503 {strides = array<i32>} : memref<4096xf32, #tpu.memory_space<vmem>>, vector<16xf32>,
    %add3A_1506 = arith.constant 3072 : i32
    %add3A_1507 = vector.broadcast %add3A_1506 : i32 to vector<16xi32>
    %add3A_1508 = arith.addi %get3A_1487, %add3A_1507 : vector<16xi32>
    %gather3A_1509 = tpu.vector_load_idx %arg5[%add3A_1508] : memref<4096xf32, #tpu.memory_space<vmem>>[vector<16xi32>], vector<16xf32>,
    %swap3A_1510 = arith.constant 3968 : index
    %swap3A_1511 = tpu.vector_load %arg7[%swap3A_1510] {strides = array<i32>} : memref<4096xf32, #tpu.memory_space<vmem>>, vector<16xf32>,
    tpu.vector_store %arg7[%swap3A_1510], %gather3A_1509 {strides = array<i32>} : memref<4096xf32, #tpu.memory_space<vmem>>, vector<16xf32>,
    %get3A_1512 = arith.constant 912 : index
    %get3A_1513 = tpu.vector_load %arg6[%get3A_1512] {strides = array<i32>} : memref<1024xi32, #tpu.memory_space<vmem>>, vector<16xi32>,
    %add3A_1514 = arith.constant 0 : i32
    %add3A_1515 = vector.broadcast %add3A_1514 : i32 to vector<16xi32>
    %add3A_1516 = arith.addi %get3A_1513, %add3A_1515 : vector<16xi32>
    %gather3A_1517 = tpu.vector_load_idx %arg5[%add3A_1516] : memref<4096xf32, #tpu.memory_space<vmem>>[vector<16xi32>], vector<16xf32>,
    %swap3A_1518 = arith.constant 912 : index
    %swap3A_1519 = tpu.vector_load %arg7[%swap3A_1518] {strides = array<i32>} : memref<4096xf32, #tpu.memory_space<vmem>>, vector<16xf32>,
    tpu.vector_store %arg7[%swap3A_1518], %gather3A_1517 {strides = array<i32>} : memref<4096xf32, #tpu.memory_space<vmem>>, vector<16xf32>,
    %add3A_1520 = arith.constant 1024 : i32
    %add3A_1521 = vector.broadcast %add3A_1520 : i32 to vector<16xi32>
    %add3A_1522 = arith.addi %get3A_1513, %add3A_1521 : vector<16xi32>
    %gather3A_1523 = tpu.vector_load_idx %arg5[%add3A_1522] : memref<4096xf32, #tpu.memory_space<vmem>>[vector<16xi32>], vector<16xf32>,
    %swap3A_1524 = arith.constant 1936 : index
    %swap3A_1525 = tpu.vector_load %arg7[%swap3A_1524] {strides = array<i32>} : memref<4096xf32, #tpu.memory_space<vmem>>, vector<16xf32>,
    tpu.vector_store %arg7[%swap3A_1524], %gather3A_1523 {strides = array<i32>} : memref<4096xf32, #tpu.memory_space<vmem>>, vector<16xf32>,
    %add3A_1526 = arith.constant 2048 : i32
    %add3A_1527 = vector.broadcast %add3A_1526 : i32 to vector<16xi32>
    %add3A_1528 = arith.addi %get3A_1513, %add3A_1527 : vector<16xi32>
    %gather3A_1529 = tpu.vector_load_idx %arg5[%add3A_1528] : memref<4096xf32, #tpu.memory_space<vmem>>[vector<16xi32>], vector<16xf32>,
    %swap3A_1530 = arith.constant 2960 : index
    %swap3A_1531 = tpu.vector_load %arg7[%swap3A_1530] {strides = array<i32>} : memref<4096xf32, #tpu.memory_space<vmem>>, vector<16xf32>,
    tpu.vector_store %arg7[%swap3A_1530], %gather3A_1529 {strides = array<i32>} : memref<4096xf32, #tpu.memory_space<vmem>>, vector<16xf32>,
    %add3A_1532 = arith.constant 3072 : i32
    %add3A_1533 = vector.broadcast %add3A_1532 : i32 to vector<16xi32>
    %add3A_1534 = arith.addi %get3A_1513, %add3A_1533 : vector<16xi32>
    %gather3A_1535 = tpu.vector_load_idx %arg5[%add3A_1534] : memref<4096xf32, #tpu.memory_space<vmem>>[vector<16xi32>], vector<16xf32>,
    %swap3A_1536 = arith.constant 3984 : index
    %swap3A_1537 = tpu.vector_load %arg7[%swap3A_1536] {strides = array<i32>} : memref<4096xf32, #tpu.memory_space<vmem>>, vector<16xf32>,
    tpu.vector_store %arg7[%swap3A_1536], %gather3A_1535 {strides = array<i32>} : memref<4096xf32, #tpu.memory_space<vmem>>, vector<16xf32>,
    %get3A_1538 = arith.constant 928 : index
    %get3A_1539 = tpu.vector_load %arg6[%get3A_1538] {strides = array<i32>} : memref<1024xi32, #tpu.memory_space<vmem>>, vector<16xi32>,
    %add3A_1540 = arith.constant 0 : i32
    %add3A_1541 = vector.broadcast %add3A_1540 : i32 to vector<16xi32>
    %add3A_1542 = arith.addi %get3A_1539, %add3A_1541 : vector<16xi32>
    %gather3A_1543 = tpu.vector_load_idx %arg5[%add3A_1542] : memref<4096xf32, #tpu.memory_space<vmem>>[vector<16xi32>], vector<16xf32>,
    %swap3A_1544 = arith.constant 928 : index
    %swap3A_1545 = tpu.vector_load %arg7[%swap3A_1544] {strides = array<i32>} : memref<4096xf32, #tpu.memory_space<vmem>>, vector<16xf32>,
    tpu.vector_store %arg7[%swap3A_1544], %gather3A_1543 {strides = array<i32>} : memref<4096xf32, #tpu.memory_space<vmem>>, vector<16xf32>,
    %add3A_1546 = arith.constant 1024 : i32
    %add3A_1547 = vector.broadcast %add3A_1546 : i32 to vector<16xi32>
    %add3A_1548 = arith.addi %get3A_1539, %add3A_1547 : vector<16xi32>
    %gather3A_1549 = tpu.vector_load_idx %arg5[%add3A_1548] : memref<4096xf32, #tpu.memory_space<vmem>>[vector<16xi32>], vector<16xf32>,
    %swap3A_1550 = arith.constant 1952 : index
    %swap3A_1551 = tpu.vector_load %arg7[%swap3A_1550] {strides = array<i32>} : memref<4096xf32, #tpu.memory_space<vmem>>, vector<16xf32>,
    tpu.vector_store %arg7[%swap3A_1550], %gather3A_1549 {strides = array<i32>} : memref<4096xf32, #tpu.memory_space<vmem>>, vector<16xf32>,
    %add3A_1552 = arith.constant 2048 : i32
    %add3A_1553 = vector.broadcast %add3A_1552 : i32 to vector<16xi32>
    %add3A_1554 = arith.addi %get3A_1539, %add3A_1553 : vector<16xi32>
    %gather3A_1555 = tpu.vector_load_idx %arg5[%add3A_1554] : memref<4096xf32, #tpu.memory_space<vmem>>[vector<16xi32>], vector<16xf32>,
    %swap3A_1556 = arith.constant 2976 : index
    %swap3A_1557 = tpu.vector_load %arg7[%swap3A_1556] {strides = array<i32>} : memref<4096xf32, #tpu.memory_space<vmem>>, vector<16xf32>,
    tpu.vector_store %arg7[%swap3A_1556], %gather3A_1555 {strides = array<i32>} : memref<4096xf32, #tpu.memory_space<vmem>>, vector<16xf32>,
    %add3A_1558 = arith.constant 3072 : i32
    %add3A_1559 = vector.broadcast %add3A_1558 : i32 to vector<16xi32>
    %add3A_1560 = arith.addi %get3A_1539, %add3A_1559 : vector<16xi32>
    %gather3A_1561 = tpu.vector_load_idx %arg5[%add3A_1560] : memref<4096xf32, #tpu.memory_space<vmem>>[vector<16xi32>], vector<16xf32>,
    %swap3A_1562 = arith.constant 4000 : index
    %swap3A_1563 = tpu.vector_load %arg7[%swap3A_1562] {strides = array<i32>} : memref<4096xf32, #tpu.memory_space<vmem>>, vector<16xf32>,
    tpu.vector_store %arg7[%swap3A_1562], %gather3A_1561 {strides = array<i32>} : memref<4096xf32, #tpu.memory_space<vmem>>, vector<16xf32>,
    %get3A_1564 = arith.constant 944 : index
    %get3A_1565 = tpu.vector_load %arg6[%get3A_1564] {strides = array<i32>} : memref<1024xi32, #tpu.memory_space<vmem>>, vector<16xi32>,
    %add3A_1566 = arith.constant 0 : i32
    %add3A_1567 = vector.broadcast %add3A_1566 : i32 to vector<16xi32>
    %add3A_1568 = arith.addi %get3A_1565, %add3A_1567 : vector<16xi32>
    %gather3A_1569 = tpu.vector_load_idx %arg5[%add3A_1568] : memref<4096xf32, #tpu.memory_space<vmem>>[vector<16xi32>], vector<16xf32>,
    %swap3A_1570 = arith.constant 944 : index
    %swap3A_1571 = tpu.vector_load %arg7[%swap3A_1570] {strides = array<i32>} : memref<4096xf32, #tpu.memory_space<vmem>>, vector<16xf32>,
    tpu.vector_store %arg7[%swap3A_1570], %gather3A_1569 {strides = array<i32>} : memref<4096xf32, #tpu.memory_space<vmem>>, vector<16xf32>,
    %add3A_1572 = arith.constant 1024 : i32
    %add3A_1573 = vector.broadcast %add3A_1572 : i32 to vector<16xi32>
    %add3A_1574 = arith.addi %get3A_1565, %add3A_1573 : vector<16xi32>
    %gather3A_1575 = tpu.vector_load_idx %arg5[%add3A_1574] : memref<4096xf32, #tpu.memory_space<vmem>>[vector<16xi32>], vector<16xf32>,
    %swap3A_1576 = arith.constant 1968 : index
    %swap3A_1577 = tpu.vector_load %arg7[%swap3A_1576] {strides = array<i32>} : memref<4096xf32, #tpu.memory_space<vmem>>, vector<16xf32>,
    tpu.vector_store %arg7[%swap3A_1576], %gather3A_1575 {strides = array<i32>} : memref<4096xf32, #tpu.memory_space<vmem>>, vector<16xf32>,
    %add3A_1578 = arith.constant 2048 : i32
    %add3A_1579 = vector.broadcast %add3A_1578 : i32 to vector<16xi32>
    %add3A_1580 = arith.addi %get3A_1565, %add3A_1579 : vector<16xi32>
    %gather3A_1581 = tpu.vector_load_idx %arg5[%add3A_1580] : memref<4096xf32, #tpu.memory_space<vmem>>[vector<16xi32>], vector<16xf32>,
    %swap3A_1582 = arith.constant 2992 : index
    %swap3A_1583 = tpu.vector_load %arg7[%swap3A_1582] {strides = array<i32>} : memref<4096xf32, #tpu.memory_space<vmem>>, vector<16xf32>,
    tpu.vector_store %arg7[%swap3A_1582], %gather3A_1581 {strides = array<i32>} : memref<4096xf32, #tpu.memory_space<vmem>>, vector<16xf32>,
    %add3A_1584 = arith.constant 3072 : i32
    %add3A_1585 = vector.broadcast %add3A_1584 : i32 to vector<16xi32>
    %add3A_1586 = arith.addi %get3A_1565, %add3A_1585 : vector<16xi32>
    %gather3A_1587 = tpu.vector_load_idx %arg5[%add3A_1586] : memref<4096xf32, #tpu.memory_space<vmem>>[vector<16xi32>], vector<16xf32>,
    %swap3A_1588 = arith.constant 4016 : index
    %swap3A_1589 = tpu.vector_load %arg7[%swap3A_1588] {strides = array<i32>} : memref<4096xf32, #tpu.memory_space<vmem>>, vector<16xf32>,
    tpu.vector_store %arg7[%swap3A_1588], %gather3A_1587 {strides = array<i32>} : memref<4096xf32, #tpu.memory_space<vmem>>, vector<16xf32>,
    %get3A_1590 = arith.constant 960 : index
    %get3A_1591 = tpu.vector_load %arg6[%get3A_1590] {strides = array<i32>} : memref<1024xi32, #tpu.memory_space<vmem>>, vector<16xi32>,
    %add3A_1592 = arith.constant 0 : i32
    %add3A_1593 = vector.broadcast %add3A_1592 : i32 to vector<16xi32>
    %add3A_1594 = arith.addi %get3A_1591, %add3A_1593 : vector<16xi32>
    %gather3A_1595 = tpu.vector_load_idx %arg5[%add3A_1594] : memref<4096xf32, #tpu.memory_space<vmem>>[vector<16xi32>], vector<16xf32>,
    %swap3A_1596 = arith.constant 960 : index
    %swap3A_1597 = tpu.vector_load %arg7[%swap3A_1596] {strides = array<i32>} : memref<4096xf32, #tpu.memory_space<vmem>>, vector<16xf32>,
    tpu.vector_store %arg7[%swap3A_1596], %gather3A_1595 {strides = array<i32>} : memref<4096xf32, #tpu.memory_space<vmem>>, vector<16xf32>,
    %add3A_1598 = arith.constant 1024 : i32
    %add3A_1599 = vector.broadcast %add3A_1598 : i32 to vector<16xi32>
    %add3A_1600 = arith.addi %get3A_1591, %add3A_1599 : vector<16xi32>
    %gather3A_1601 = tpu.vector_load_idx %arg5[%add3A_1600] : memref<4096xf32, #tpu.memory_space<vmem>>[vector<16xi32>], vector<16xf32>,
    %swap3A_1602 = arith.constant 1984 : index
    %swap3A_1603 = tpu.vector_load %arg7[%swap3A_1602] {strides = array<i32>} : memref<4096xf32, #tpu.memory_space<vmem>>, vector<16xf32>,
    tpu.vector_store %arg7[%swap3A_1602], %gather3A_1601 {strides = array<i32>} : memref<4096xf32, #tpu.memory_space<vmem>>, vector<16xf32>,
    %add3A_1604 = arith.constant 2048 : i32
    %add3A_1605 = vector.broadcast %add3A_1604 : i32 to vector<16xi32>
    %add3A_1606 = arith.addi %get3A_1591, %add3A_1605 : vector<16xi32>
    %gather3A_1607 = tpu.vector_load_idx %arg5[%add3A_1606] : memref<4096xf32, #tpu.memory_space<vmem>>[vector<16xi32>], vector<16xf32>,
    %swap3A_1608 = arith.constant 3008 : index
    %swap3A_1609 = tpu.vector_load %arg7[%swap3A_1608] {strides = array<i32>} : memref<4096xf32, #tpu.memory_space<vmem>>, vector<16xf32>,
    tpu.vector_store %arg7[%swap3A_1608], %gather3A_1607 {strides = array<i32>} : memref<4096xf32, #tpu.memory_space<vmem>>, vector<16xf32>,
    %add3A_1610 = arith.constant 3072 : i32
    %add3A_1611 = vector.broadcast %add3A_1610 : i32 to vector<16xi32>
    %add3A_1612 = arith.addi %get3A_1591, %add3A_1611 : vector<16xi32>
    %gather3A_1613 = tpu.vector_load_idx %arg5[%add3A_1612] : memref<4096xf32, #tpu.memory_space<vmem>>[vector<16xi32>], vector<16xf32>,
    %swap3A_1614 = arith.constant 4032 : index
    %swap3A_1615 = tpu.vector_load %arg7[%swap3A_1614] {strides = array<i32>} : memref<4096xf32, #tpu.memory_space<vmem>>, vector<16xf32>,
    tpu.vector_store %arg7[%swap3A_1614], %gather3A_1613 {strides = array<i32>} : memref<4096xf32, #tpu.memory_space<vmem>>, vector<16xf32>,
    %get3A_1616 = arith.constant 976 : index
    %get3A_1617 = tpu.vector_load %arg6[%get3A_1616] {strides = array<i32>} : memref<1024xi32, #tpu.memory_space<vmem>>, vector<16xi32>,
    %add3A_1618 = arith.constant 0 : i32
    %add3A_1619 = vector.broadcast %add3A_1618 : i32 to vector<16xi32>
    %add3A_1620 = arith.addi %get3A_1617, %add3A_1619 : vector<16xi32>
    %gather3A_1621 = tpu.vector_load_idx %arg5[%add3A_1620] : memref<4096xf32, #tpu.memory_space<vmem>>[vector<16xi32>], vector<16xf32>,
    %swap3A_1622 = arith.constant 976 : index
    %swap3A_1623 = tpu.vector_load %arg7[%swap3A_1622] {strides = array<i32>} : memref<4096xf32, #tpu.memory_space<vmem>>, vector<16xf32>,
    tpu.vector_store %arg7[%swap3A_1622], %gather3A_1621 {strides = array<i32>} : memref<4096xf32, #tpu.memory_space<vmem>>, vector<16xf32>,
    %add3A_1624 = arith.constant 1024 : i32
    %add3A_1625 = vector.broadcast %add3A_1624 : i32 to vector<16xi32>
    %add3A_1626 = arith.addi %get3A_1617, %add3A_1625 : vector<16xi32>
    %gather3A_1627 = tpu.vector_load_idx %arg5[%add3A_1626] : memref<4096xf32, #tpu.memory_space<vmem>>[vector<16xi32>], vector<16xf32>,
    %swap3A_1628 = arith.constant 2000 : index
    %swap3A_1629 = tpu.vector_load %arg7[%swap3A_1628] {strides = array<i32>} : memref<4096xf32, #tpu.memory_space<vmem>>, vector<16xf32>,
    tpu.vector_store %arg7[%swap3A_1628], %gather3A_1627 {strides = array<i32>} : memref<4096xf32, #tpu.memory_space<vmem>>, vector<16xf32>,
    %add3A_1630 = arith.constant 2048 : i32
    %add3A_1631 = vector.broadcast %add3A_1630 : i32 to vector<16xi32>
    %add3A_1632 = arith.addi %get3A_1617, %add3A_1631 : vector<16xi32>
    %gather3A_1633 = tpu.vector_load_idx %arg5[%add3A_1632] : memref<4096xf32, #tpu.memory_space<vmem>>[vector<16xi32>], vector<16xf32>,
    %swap3A_1634 = arith.constant 3024 : index
    %swap3A_1635 = tpu.vector_load %arg7[%swap3A_1634] {strides = array<i32>} : memref<4096xf32, #tpu.memory_space<vmem>>, vector<16xf32>,
    tpu.vector_store %arg7[%swap3A_1634], %gather3A_1633 {strides = array<i32>} : memref<4096xf32, #tpu.memory_space<vmem>>, vector<16xf32>,
    %add3A_1636 = arith.constant 3072 : i32
    %add3A_1637 = vector.broadcast %add3A_1636 : i32 to vector<16xi32>
    %add3A_1638 = arith.addi %get3A_1617, %add3A_1637 : vector<16xi32>
    %gather3A_1639 = tpu.vector_load_idx %arg5[%add3A_1638] : memref<4096xf32, #tpu.memory_space<vmem>>[vector<16xi32>], vector<16xf32>,
    %swap3A_1640 = arith.constant 4048 : index
    %swap3A_1641 = tpu.vector_load %arg7[%swap3A_1640] {strides = array<i32>} : memref<4096xf32, #tpu.memory_space<vmem>>, vector<16xf32>,
    tpu.vector_store %arg7[%swap3A_1640], %gather3A_1639 {strides = array<i32>} : memref<4096xf32, #tpu.memory_space<vmem>>, vector<16xf32>,
    %get3A_1642 = arith.constant 992 : index
    %get3A_1643 = tpu.vector_load %arg6[%get3A_1642] {strides = array<i32>} : memref<1024xi32, #tpu.memory_space<vmem>>, vector<16xi32>,
    %add3A_1644 = arith.constant 0 : i32
    %add3A_1645 = vector.broadcast %add3A_1644 : i32 to vector<16xi32>
    %add3A_1646 = arith.addi %get3A_1643, %add3A_1645 : vector<16xi32>
    %gather3A_1647 = tpu.vector_load_idx %arg5[%add3A_1646] : memref<4096xf32, #tpu.memory_space<vmem>>[vector<16xi32>], vector<16xf32>,
    %swap3A_1648 = arith.constant 992 : index
    %swap3A_1649 = tpu.vector_load %arg7[%swap3A_1648] {strides = array<i32>} : memref<4096xf32, #tpu.memory_space<vmem>>, vector<16xf32>,
    tpu.vector_store %arg7[%swap3A_1648], %gather3A_1647 {strides = array<i32>} : memref<4096xf32, #tpu.memory_space<vmem>>, vector<16xf32>,
    %add3A_1650 = arith.constant 1024 : i32
    %add3A_1651 = vector.broadcast %add3A_1650 : i32 to vector<16xi32>
    %add3A_1652 = arith.addi %get3A_1643, %add3A_1651 : vector<16xi32>
    %gather3A_1653 = tpu.vector_load_idx %arg5[%add3A_1652] : memref<4096xf32, #tpu.memory_space<vmem>>[vector<16xi32>], vector<16xf32>,
    %swap3A_1654 = arith.constant 2016 : index
    %swap3A_1655 = tpu.vector_load %arg7[%swap3A_1654] {strides = array<i32>} : memref<4096xf32, #tpu.memory_space<vmem>>, vector<16xf32>,
    tpu.vector_store %arg7[%swap3A_1654], %gather3A_1653 {strides = array<i32>} : memref<4096xf32, #tpu.memory_space<vmem>>, vector<16xf32>,
    %add3A_1656 = arith.constant 2048 : i32
    %add3A_1657 = vector.broadcast %add3A_1656 : i32 to vector<16xi32>
    %add3A_1658 = arith.addi %get3A_1643, %add3A_1657 : vector<16xi32>
    %gather3A_1659 = tpu.vector_load_idx %arg5[%add3A_1658] : memref<4096xf32, #tpu.memory_space<vmem>>[vector<16xi32>], vector<16xf32>,
    %swap3A_1660 = arith.constant 3040 : index
    %swap3A_1661 = tpu.vector_load %arg7[%swap3A_1660] {strides = array<i32>} : memref<4096xf32, #tpu.memory_space<vmem>>, vector<16xf32>,
    tpu.vector_store %arg7[%swap3A_1660], %gather3A_1659 {strides = array<i32>} : memref<4096xf32, #tpu.memory_space<vmem>>, vector<16xf32>,
    %add3A_1662 = arith.constant 3072 : i32
    %add3A_1663 = vector.broadcast %add3A_1662 : i32 to vector<16xi32>
    %add3A_1664 = arith.addi %get3A_1643, %add3A_1663 : vector<16xi32>
    %gather3A_1665 = tpu.vector_load_idx %arg5[%add3A_1664] : memref<4096xf32, #tpu.memory_space<vmem>>[vector<16xi32>], vector<16xf32>,
    %swap3A_1666 = arith.constant 4064 : index
    %swap3A_1667 = tpu.vector_load %arg7[%swap3A_1666] {strides = array<i32>} : memref<4096xf32, #tpu.memory_space<vmem>>, vector<16xf32>,
    tpu.vector_store %arg7[%swap3A_1666], %gather3A_1665 {strides = array<i32>} : memref<4096xf32, #tpu.memory_space<vmem>>, vector<16xf32>,
    %get3A_1668 = arith.constant 1008 : index
    %get3A_1669 = tpu.vector_load %arg6[%get3A_1668] {strides = array<i32>} : memref<1024xi32, #tpu.memory_space<vmem>>, vector<16xi32>,
    %add3A_1670 = arith.constant 0 : i32
    %add3A_1671 = vector.broadcast %add3A_1670 : i32 to vector<16xi32>
    %add3A_1672 = arith.addi %get3A_1669, %add3A_1671 : vector<16xi32>
    %gather3A_1673 = tpu.vector_load_idx %arg5[%add3A_1672] : memref<4096xf32, #tpu.memory_space<vmem>>[vector<16xi32>], vector<16xf32>,
    %swap3A_1674 = arith.constant 1008 : index
    %swap3A_1675 = tpu.vector_load %arg7[%swap3A_1674] {strides = array<i32>} : memref<4096xf32, #tpu.memory_space<vmem>>, vector<16xf32>,
    tpu.vector_store %arg7[%swap3A_1674], %gather3A_1673 {strides = array<i32>} : memref<4096xf32, #tpu.memory_space<vmem>>, vector<16xf32>,
    %add3A_1676 = arith.constant 1024 : i32
    %add3A_1677 = vector.broadcast %add3A_1676 : i32 to vector<16xi32>
    %add3A_1678 = arith.addi %get3A_1669, %add3A_1677 : vector<16xi32>
    %gather3A_1679 = tpu.vector_load_idx %arg5[%add3A_1678] : memref<4096xf32, #tpu.memory_space<vmem>>[vector<16xi32>], vector<16xf32>,
    %swap3A_1680 = arith.constant 2032 : index
    %swap3A_1681 = tpu.vector_load %arg7[%swap3A_1680] {strides = array<i32>} : memref<4096xf32, #tpu.memory_space<vmem>>, vector<16xf32>,
    tpu.vector_store %arg7[%swap3A_1680], %gather3A_1679 {strides = array<i32>} : memref<4096xf32, #tpu.memory_space<vmem>>, vector<16xf32>,
    %add3A_1682 = arith.constant 2048 : i32
    %add3A_1683 = vector.broadcast %add3A_1682 : i32 to vector<16xi32>
    %add3A_1684 = arith.addi %get3A_1669, %add3A_1683 : vector<16xi32>
    %gather3A_1685 = tpu.vector_load_idx %arg5[%add3A_1684] : memref<4096xf32, #tpu.memory_space<vmem>>[vector<16xi32>], vector<16xf32>,
    %swap3A_1686 = arith.constant 3056 : index
    %swap3A_1687 = tpu.vector_load %arg7[%swap3A_1686] {strides = array<i32>} : memref<4096xf32, #tpu.memory_space<vmem>>, vector<16xf32>,
    tpu.vector_store %arg7[%swap3A_1686], %gather3A_1685 {strides = array<i32>} : memref<4096xf32, #tpu.memory_space<vmem>>, vector<16xf32>,
    %add3A_1688 = arith.constant 3072 : i32
    %add3A_1689 = vector.broadcast %add3A_1688 : i32 to vector<16xi32>
    %add3A_1690 = arith.addi %get3A_1669, %add3A_1689 : vector<16xi32>
    %gather3A_1691 = tpu.vector_load_idx %arg5[%add3A_1690] : memref<4096xf32, #tpu.memory_space<vmem>>[vector<16xi32>], vector<16xf32>,
    %swap3A_1692 = arith.constant 4080 : index
    %swap3A_1693 = tpu.vector_load %arg7[%swap3A_1692] {strides = array<i32>} : memref<4096xf32, #tpu.memory_space<vmem>>, vector<16xf32>,
    tpu.vector_store %arg7[%swap3A_1692], %gather3A_1691 {strides = array<i32>} : memref<4096xf32, #tpu.memory_space<vmem>>, vector<16xf32>,
    %run_scoped3A = arith.constant 0 : i32
    "tpu.region"() ({
      %run_scoped3A_1697 = tpu.sem_alloc : memref<!tpu.dma_semaphore, #tpu.memory_space<semaphore_mem>>
      %dma_start3A = arith.constant 0 : i32
      %dma_start3A_1698 = tpu.memref_slice %arg7[%dma_start3A] : memref<4096xf32, #tpu.memory_space<vmem>> -> memref<1024xf32, #tpu.memory_space<vmem>>
      %dma_start3A_1699 = tpu.memref_slice %arg4[%select_n3A, %run_scoped3A, %mul3A_32] : memref<2x4x16384xf32, #tpu.memory_space<hbm>> -> memref<1x1x1024xf32, #tpu.memory_space<hbm>>
      %dma_start3A_1700 = tpu.memref_squeeze %dma_start3A_1699 : memref<1x1x1024xf32, #tpu.memory_space<hbm>> -> memref<1024xf32, #tpu.memory_space<hbm>>
      %dma_start3A_1701 = tpu.memref_slice %arg4[%select_n3A, %run_scoped3A, %mul3A_32] : memref<2x4x16384xf32, #tpu.memory_space<hbm>> -> memref<1x1x1024xf32, #tpu.memory_space<hbm>>
      %dma_start3A_1702 = tpu.memref_squeeze %dma_start3A_1701 : memref<1x1x1024xf32, #tpu.memory_space<hbm>> -> memref<1024xf32, #tpu.memory_space<hbm>>
      %dma_start3A_1703 = arith.constant 0 : i32
      %dma_start3A_1704 = tpu.memref_slice %arg7[%dma_start3A_1703] : memref<4096xf32, #tpu.memory_space<vmem>> -> memref<1024xf32, #tpu.memory_space<vmem>>
      tpu.enqueue_dma source(%dma_start3A_1704 : memref<1024xf32, #tpu.memory_space<vmem>>) target(%dma_start3A_1702 : memref<1024xf32, #tpu.memory_space<hbm>>) target_semaphore(%run_scoped3A_1697 : memref<!tpu.dma_semaphore, #tpu.memory_space<semaphore_mem>>)
      %dma_wait3A = arith.constant 0 : i32
      %dma_wait3A_1705 = tpu.memref_slice %arg7[%dma_wait3A] : memref<4096xf32, #tpu.memory_space<vmem>> -> memref<1024xf32, #tpu.memory_space<vmem>>
      %dma_wait3A_1706 = tpu.memref_slice %arg4[%select_n3A, %run_scoped3A, %mul3A_32] : memref<2x4x16384xf32, #tpu.memory_space<hbm>> -> memref<1x1x1024xf32, #tpu.memory_space<hbm>>
      %dma_wait3A_1707 = tpu.memref_squeeze %dma_wait3A_1706 : memref<1x1x1024xf32, #tpu.memory_space<hbm>> -> memref<1024xf32, #tpu.memory_space<hbm>>
      %dma_wait3A_1708 = tpu.memref_slice %arg4[%select_n3A, %run_scoped3A, %mul3A_32] : memref<2x4x16384xf32, #tpu.memory_space<hbm>> -> memref<1x1x1024xf32, #tpu.memory_space<hbm>>
      %dma_wait3A_1709 = tpu.memref_squeeze %dma_wait3A_1708 : memref<1x1x1024xf32, #tpu.memory_space<hbm>> -> memref<1024xf32, #tpu.memory_space<hbm>>
      %dma_wait3A_1710 = arith.constant 0 : i32
      %dma_wait3A_1711 = tpu.memref_slice %arg7[%dma_wait3A_1710] : memref<4096xf32, #tpu.memory_space<vmem>> -> memref<1024xf32, #tpu.memory_space<vmem>>
      tpu.wait_dma2 semaphore(%run_scoped3A_1697 : memref<!tpu.dma_semaphore, #tpu.memory_space<semaphore_mem>>) src(%dma_wait3A_1711 : memref<1024xf32, #tpu.memory_space<vmem>>) dst(%dma_wait3A_1709 : memref<1024xf32, #tpu.memory_space<hbm>>)
      tpu.yield
    }) : () -> ()
    %run_scoped3A_1694 = arith.constant 1 : i32
    "tpu.region"() ({
      %run_scoped3A_1697 = tpu.sem_alloc : memref<!tpu.dma_semaphore, #tpu.memory_space<semaphore_mem>>
      %dma_start3A = arith.constant 1024 : i32
      %dma_start3A_1698 = tpu.memref_slice %arg7[%dma_start3A] : memref<4096xf32, #tpu.memory_space<vmem>> -> memref<1024xf32, #tpu.memory_space<vmem>>
      %dma_start3A_1699 = tpu.memref_slice %arg4[%select_n3A, %run_scoped3A_1694, %mul3A_32] : memref<2x4x16384xf32, #tpu.memory_space<hbm>> -> memref<1x1x1024xf32, #tpu.memory_space<hbm>>
      %dma_start3A_1700 = tpu.memref_squeeze %dma_start3A_1699 : memref<1x1x1024xf32, #tpu.memory_space<hbm>> -> memref<1024xf32, #tpu.memory_space<hbm>>
      %dma_start3A_1701 = tpu.memref_slice %arg4[%select_n3A, %run_scoped3A_1694, %mul3A_32] : memref<2x4x16384xf32, #tpu.memory_space<hbm>> -> memref<1x1x1024xf32, #tpu.memory_space<hbm>>
      %dma_start3A_1702 = tpu.memref_squeeze %dma_start3A_1701 : memref<1x1x1024xf32, #tpu.memory_space<hbm>> -> memref<1024xf32, #tpu.memory_space<hbm>>
      %dma_start3A_1703 = arith.constant 1024 : i32
      %dma_start3A_1704 = tpu.memref_slice %arg7[%dma_start3A_1703] : memref<4096xf32, #tpu.memory_space<vmem>> -> memref<1024xf32, #tpu.memory_space<vmem>>
      tpu.enqueue_dma source(%dma_start3A_1704 : memref<1024xf32, #tpu.memory_space<vmem>>) target(%dma_start3A_1702 : memref<1024xf32, #tpu.memory_space<hbm>>) target_semaphore(%run_scoped3A_1697 : memref<!tpu.dma_semaphore, #tpu.memory_space<semaphore_mem>>)
      %dma_wait3A = arith.constant 1024 : i32
      %dma_wait3A_1705 = tpu.memref_slice %arg7[%dma_wait3A] : memref<4096xf32, #tpu.memory_space<vmem>> -> memref<1024xf32, #tpu.memory_space<vmem>>
      %dma_wait3A_1706 = tpu.memref_slice %arg4[%select_n3A, %run_scoped3A_1694, %mul3A_32] : memref<2x4x16384xf32, #tpu.memory_space<hbm>> -> memref<1x1x1024xf32, #tpu.memory_space<hbm>>
      %dma_wait3A_1707 = tpu.memref_squeeze %dma_wait3A_1706 : memref<1x1x1024xf32, #tpu.memory_space<hbm>> -> memref<1024xf32, #tpu.memory_space<hbm>>
      %dma_wait3A_1708 = tpu.memref_slice %arg4[%select_n3A, %run_scoped3A_1694, %mul3A_32] : memref<2x4x16384xf32, #tpu.memory_space<hbm>> -> memref<1x1x1024xf32, #tpu.memory_space<hbm>>
      %dma_wait3A_1709 = tpu.memref_squeeze %dma_wait3A_1708 : memref<1x1x1024xf32, #tpu.memory_space<hbm>> -> memref<1024xf32, #tpu.memory_space<hbm>>
      %dma_wait3A_1710 = arith.constant 1024 : i32
      %dma_wait3A_1711 = tpu.memref_slice %arg7[%dma_wait3A_1710] : memref<4096xf32, #tpu.memory_space<vmem>> -> memref<1024xf32, #tpu.memory_space<vmem>>
      tpu.wait_dma2 semaphore(%run_scoped3A_1697 : memref<!tpu.dma_semaphore, #tpu.memory_space<semaphore_mem>>) src(%dma_wait3A_1711 : memref<1024xf32, #tpu.memory_space<vmem>>) dst(%dma_wait3A_1709 : memref<1024xf32, #tpu.memory_space<hbm>>)
      tpu.yield
    }) : () -> ()
    %run_scoped3A_1695 = arith.constant 2 : i32
    "tpu.region"() ({
      %run_scoped3A_1697 = tpu.sem_alloc : memref<!tpu.dma_semaphore, #tpu.memory_space<semaphore_mem>>
      %dma_start3A = arith.constant 2048 : i32
      %dma_start3A_1698 = tpu.memref_slice %arg7[%dma_start3A] : memref<4096xf32, #tpu.memory_space<vmem>> -> memref<1024xf32, #tpu.memory_space<vmem>>
      %dma_start3A_1699 = tpu.memref_slice %arg4[%select_n3A, %run_scoped3A_1695, %mul3A_32] : memref<2x4x16384xf32, #tpu.memory_space<hbm>> -> memref<1x1x1024xf32, #tpu.memory_space<hbm>>
      %dma_start3A_1700 = tpu.memref_squeeze %dma_start3A_1699 : memref<1x1x1024xf32, #tpu.memory_space<hbm>> -> memref<1024xf32, #tpu.memory_space<hbm>>
      %dma_start3A_1701 = tpu.memref_slice %arg4[%select_n3A, %run_scoped3A_1695, %mul3A_32] : memref<2x4x16384xf32, #tpu.memory_space<hbm>> -> memref<1x1x1024xf32, #tpu.memory_space<hbm>>
      %dma_start3A_1702 = tpu.memref_squeeze %dma_start3A_1701 : memref<1x1x1024xf32, #tpu.memory_space<hbm>> -> memref<1024xf32, #tpu.memory_space<hbm>>
      %dma_start3A_1703 = arith.constant 2048 : i32
      %dma_start3A_1704 = tpu.memref_slice %arg7[%dma_start3A_1703] : memref<4096xf32, #tpu.memory_space<vmem>> -> memref<1024xf32, #tpu.memory_space<vmem>>
      tpu.enqueue_dma source(%dma_start3A_1704 : memref<1024xf32, #tpu.memory_space<vmem>>) target(%dma_start3A_1702 : memref<1024xf32, #tpu.memory_space<hbm>>) target_semaphore(%run_scoped3A_1697 : memref<!tpu.dma_semaphore, #tpu.memory_space<semaphore_mem>>)
      %dma_wait3A = arith.constant 2048 : i32
      %dma_wait3A_1705 = tpu.memref_slice %arg7[%dma_wait3A] : memref<4096xf32, #tpu.memory_space<vmem>> -> memref<1024xf32, #tpu.memory_space<vmem>>
      %dma_wait3A_1706 = tpu.memref_slice %arg4[%select_n3A, %run_scoped3A_1695, %mul3A_32] : memref<2x4x16384xf32, #tpu.memory_space<hbm>> -> memref<1x1x1024xf32, #tpu.memory_space<hbm>>
      %dma_wait3A_1707 = tpu.memref_squeeze %dma_wait3A_1706 : memref<1x1x1024xf32, #tpu.memory_space<hbm>> -> memref<1024xf32, #tpu.memory_space<hbm>>
      %dma_wait3A_1708 = tpu.memref_slice %arg4[%select_n3A, %run_scoped3A_1695, %mul3A_32] : memref<2x4x16384xf32, #tpu.memory_space<hbm>> -> memref<1x1x1024xf32, #tpu.memory_space<hbm>>
      %dma_wait3A_1709 = tpu.memref_squeeze %dma_wait3A_1708 : memref<1x1x1024xf32, #tpu.memory_space<hbm>> -> memref<1024xf32, #tpu.memory_space<hbm>>
      %dma_wait3A_1710 = arith.constant 2048 : i32
      %dma_wait3A_1711 = tpu.memref_slice %arg7[%dma_wait3A_1710] : memref<4096xf32, #tpu.memory_space<vmem>> -> memref<1024xf32, #tpu.memory_space<vmem>>
      tpu.wait_dma2 semaphore(%run_scoped3A_1697 : memref<!tpu.dma_semaphore, #tpu.memory_space<semaphore_mem>>) src(%dma_wait3A_1711 : memref<1024xf32, #tpu.memory_space<vmem>>) dst(%dma_wait3A_1709 : memref<1024xf32, #tpu.memory_space<hbm>>)
      tpu.yield
    }) : () -> ()
    %run_scoped3A_1696 = arith.constant 3 : i32
    "tpu.region"() ({
      %run_scoped3A_1697 = tpu.sem_alloc : memref<!tpu.dma_semaphore, #tpu.memory_space<semaphore_mem>>
      %dma_start3A = arith.constant 3072 : i32
      %dma_start3A_1698 = tpu.memref_slice %arg7[%dma_start3A] : memref<4096xf32, #tpu.memory_space<vmem>> -> memref<1024xf32, #tpu.memory_space<vmem>>
      %dma_start3A_1699 = tpu.memref_slice %arg4[%select_n3A, %run_scoped3A_1696, %mul3A_32] : memref<2x4x16384xf32, #tpu.memory_space<hbm>> -> memref<1x1x1024xf32, #tpu.memory_space<hbm>>
      %dma_start3A_1700 = tpu.memref_squeeze %dma_start3A_1699 : memref<1x1x1024xf32, #tpu.memory_space<hbm>> -> memref<1024xf32, #tpu.memory_space<hbm>>
      %dma_start3A_1701 = tpu.memref_slice %arg4[%select_n3A, %run_scoped3A_1696, %mul3A_32] : memref<2x4x16384xf32, #tpu.memory_space<hbm>> -> memref<1x1x1024xf32, #tpu.memory_space<hbm>>
      %dma_start3A_1702 = tpu.memref_squeeze %dma_start3A_1701 : memref<1x1x1024xf32, #tpu.memory_space<hbm>> -> memref<1024xf32, #tpu.memory_space<hbm>>
      %dma_start3A_1703 = arith.constant 3072 : i32
      %dma_start3A_1704 = tpu.memref_slice %arg7[%dma_start3A_1703] : memref<4096xf32, #tpu.memory_space<vmem>> -> memref<1024xf32, #tpu.memory_space<vmem>>
      tpu.enqueue_dma source(%dma_start3A_1704 : memref<1024xf32, #tpu.memory_space<vmem>>) target(%dma_start3A_1702 : memref<1024xf32, #tpu.memory_space<hbm>>) target_semaphore(%run_scoped3A_1697 : memref<!tpu.dma_semaphore, #tpu.memory_space<semaphore_mem>>)
      %dma_wait3A = arith.constant 3072 : i32
      %dma_wait3A_1705 = tpu.memref_slice %arg7[%dma_wait3A] : memref<4096xf32, #tpu.memory_space<vmem>> -> memref<1024xf32, #tpu.memory_space<vmem>>
      %dma_wait3A_1706 = tpu.memref_slice %arg4[%select_n3A, %run_scoped3A_1696, %mul3A_32] : memref<2x4x16384xf32, #tpu.memory_space<hbm>> -> memref<1x1x1024xf32, #tpu.memory_space<hbm>>
      %dma_wait3A_1707 = tpu.memref_squeeze %dma_wait3A_1706 : memref<1x1x1024xf32, #tpu.memory_space<hbm>> -> memref<1024xf32, #tpu.memory_space<hbm>>
      %dma_wait3A_1708 = tpu.memref_slice %arg4[%select_n3A, %run_scoped3A_1696, %mul3A_32] : memref<2x4x16384xf32, #tpu.memory_space<hbm>> -> memref<1x1x1024xf32, #tpu.memory_space<hbm>>
      %dma_wait3A_1709 = tpu.memref_squeeze %dma_wait3A_1708 : memref<1x1x1024xf32, #tpu.memory_space<hbm>> -> memref<1024xf32, #tpu.memory_space<hbm>>
      %dma_wait3A_1710 = arith.constant 3072 : i32
      %dma_wait3A_1711 = tpu.memref_slice %arg7[%dma_wait3A_1710] : memref<4096xf32, #tpu.memory_space<vmem>> -> memref<1024xf32, #tpu.memory_space<vmem>>
      tpu.wait_dma2 semaphore(%run_scoped3A_1697 : memref<!tpu.dma_semaphore, #tpu.memory_space<semaphore_mem>>) src(%dma_wait3A_1711 : memref<1024xf32, #tpu.memory_space<vmem>>) dst(%dma_wait3A_1709 : memref<1024xf32, #tpu.memory_space<hbm>>)
      tpu.yield
    }) : () -> ()
    return
  }
}

module attributes {stable_mosaic.version = 14 : i64} {
  func.func @_argmin_body(%arg0: i32, %arg1: memref<1024x2xf32, #tpu.memory_space<vmem>>, %arg2: memref<2x2048xf32, #tpu.memory_space<vmem>>, %arg3: memref<2x1024x1xi32, #tpu.memory_space<vmem>>) attributes {dimension_semantics = [#tpu.dimension_semantics<arbitrary>], iteration_bounds = array<i64: 16>, scalar_prefetch = 0 : i64, scratch_operands = 0 : i64, tpu.core_type = #tpu.core_type<tc>, window_params = [{transform_indices = @transform_0, window_bounds = array<i64: 1024, 2>}, {pipeline_mode = #tpu.pipeline_mode<synchronous>, transform_indices = @transform_1, window_bounds = array<i64: 2, 2048>}, {transform_indices = @transform_2, window_bounds = array<i64: 2, 1024, 1>}]} {
    %get3A = arith.constant 0 : index
    %get3A_0 = arith.constant 0 : index
    %get3A_1 = vector.load %arg1[%get3A, %get3A_0] : memref<1024x2xf32, #tpu.memory_space<vmem>>, vector<1024x2xf32>
    %get3A_2 = arith.constant 0 : index
    %get3A_3 = arith.constant 0 : index
    %get3A_4 = vector.load %arg2[%get3A_2, %get3A_3] : memref<2x2048xf32, #tpu.memory_space<vmem>>, vector<2x2048xf32>
    %slice3A = vector.extract_strided_slice %get3A_1 {offsets = [0, 0], sizes = [1024, 1], strides = [1, 1]} : vector<1024x2xf32> to vector<1024x1xf32>
    %slice3A_5 = vector.extract_strided_slice %get3A_1 {offsets = [0, 1], sizes = [1024, 1], strides = [1, 1]} : vector<1024x2xf32> to vector<1024x1xf32>
    %slice3A_6 = vector.extract_strided_slice %get3A_4 {offsets = [0, 0], sizes = [1, 2048], strides = [1, 1]} : vector<2x2048xf32> to vector<1x2048xf32>
    %slice3A_7 = vector.extract_strided_slice %get3A_4 {offsets = [1, 0], sizes = [1, 2048], strides = [1, 1]} : vector<2x2048xf32> to vector<1x2048xf32>
    %mul3A = arith.mulf %slice3A, %slice3A : vector<1024x1xf32>
    %mul3A_8 = arith.mulf %slice3A_5, %slice3A_5 : vector<1024x1xf32>
    %add3A = arith.addf %mul3A, %mul3A_8 : vector<1024x1xf32>
    %mul3A_9 = arith.mulf %slice3A_6, %slice3A_6 : vector<1x2048xf32>
    %mul3A_10 = arith.mulf %slice3A_7, %slice3A_7 : vector<1x2048xf32>
    %add3A_11 = arith.addf %mul3A_9, %mul3A_10 : vector<1x2048xf32>
    %add3A_12 = arith.addf %get3A_4, %get3A_4 : vector<2x2048xf32>
    %dot_general3A = arith.constant dense<0.000000e+00> : vector<1024x2048xf32>
    %dot_general3A_13 = tpu.matmul %get3A_1, %add3A_12, %dot_general3A {dimension_numbers = #tpu.dot_dimension_numbers<[1], [0], [0], [1], [0, 0, 1, 1], [], []>, transpose_lhs_hint = false} : vector<1024x2xf32>, vector<2x2048xf32>, vector<1024x2048xf32> -> vector<1024x2048xf32>
    %sub3A = vector.broadcast %add3A : vector<1024x1xf32> to vector<1024x2048xf32>
    %sub3A_14 = arith.subf %sub3A, %dot_general3A_13 : vector<1024x2048xf32>
    %add3A_15 = vector.broadcast %add3A_11 : vector<1x2048xf32> to vector<1024x2048xf32>
    %add3A_16 = arith.addf %sub3A_14, %add3A_15 : vector<1024x2048xf32>
    %iota3A = tpu.iota {dimensions = array<i32: 1>} : vector<1024x128xi32>
    %convert_element_type3A = arith.sitofp %iota3A : vector<1024x128xi32> to vector<1024x128xf32>
    %slice3A_17 = vector.extract_strided_slice %add3A_16 {offsets = [0, 0], sizes = [1024, 128], strides = [1, 1]} : vector<1024x2048xf32> to vector<1024x128xf32>
    %slice3A_18 = vector.extract_strided_slice %add3A_16 {offsets = [0, 128], sizes = [1024, 128], strides = [1, 1]} : vector<1024x2048xf32> to vector<1024x128xf32>
    %lt3A = arith.cmpf olt, %slice3A_18, %slice3A_17 : vector<1024x128xf32>
    %add3A_19 = arith.constant 1.280000e+02 : f32
    %add3A_20 = vector.broadcast %add3A_19 : f32 to vector<1024x128xf32>
    %add3A_21 = arith.addf %convert_element_type3A, %add3A_20 : vector<1024x128xf32>
    %select_n3A = arith.select %lt3A, %add3A_21, %convert_element_type3A : vector<1024x128xi1>, vector<1024x128xf32>
    %select_n3A_22 = arith.select %lt3A, %slice3A_18, %slice3A_17 : vector<1024x128xi1>, vector<1024x128xf32>
    %slice3A_23 = vector.extract_strided_slice %add3A_16 {offsets = [0, 256], sizes = [1024, 128], strides = [1, 1]} : vector<1024x2048xf32> to vector<1024x128xf32>
    %lt3A_24 = arith.cmpf olt, %slice3A_23, %select_n3A_22 : vector<1024x128xf32>
    %add3A_25 = arith.constant 2.560000e+02 : f32
    %add3A_26 = vector.broadcast %add3A_25 : f32 to vector<1024x128xf32>
    %add3A_27 = arith.addf %convert_element_type3A, %add3A_26 : vector<1024x128xf32>
    %select_n3A_28 = arith.select %lt3A_24, %add3A_27, %select_n3A : vector<1024x128xi1>, vector<1024x128xf32>
    %select_n3A_29 = arith.select %lt3A_24, %slice3A_23, %select_n3A_22 : vector<1024x128xi1>, vector<1024x128xf32>
    %slice3A_30 = vector.extract_strided_slice %add3A_16 {offsets = [0, 384], sizes = [1024, 128], strides = [1, 1]} : vector<1024x2048xf32> to vector<1024x128xf32>
    %lt3A_31 = arith.cmpf olt, %slice3A_30, %select_n3A_29 : vector<1024x128xf32>
    %add3A_32 = arith.constant 3.840000e+02 : f32
    %add3A_33 = vector.broadcast %add3A_32 : f32 to vector<1024x128xf32>
    %add3A_34 = arith.addf %convert_element_type3A, %add3A_33 : vector<1024x128xf32>
    %select_n3A_35 = arith.select %lt3A_31, %add3A_34, %select_n3A_28 : vector<1024x128xi1>, vector<1024x128xf32>
    %select_n3A_36 = arith.select %lt3A_31, %slice3A_30, %select_n3A_29 : vector<1024x128xi1>, vector<1024x128xf32>
    %slice3A_37 = vector.extract_strided_slice %add3A_16 {offsets = [0, 512], sizes = [1024, 128], strides = [1, 1]} : vector<1024x2048xf32> to vector<1024x128xf32>
    %lt3A_38 = arith.cmpf olt, %slice3A_37, %select_n3A_36 : vector<1024x128xf32>
    %add3A_39 = arith.constant 5.120000e+02 : f32
    %add3A_40 = vector.broadcast %add3A_39 : f32 to vector<1024x128xf32>
    %add3A_41 = arith.addf %convert_element_type3A, %add3A_40 : vector<1024x128xf32>
    %select_n3A_42 = arith.select %lt3A_38, %add3A_41, %select_n3A_35 : vector<1024x128xi1>, vector<1024x128xf32>
    %select_n3A_43 = arith.select %lt3A_38, %slice3A_37, %select_n3A_36 : vector<1024x128xi1>, vector<1024x128xf32>
    %slice3A_44 = vector.extract_strided_slice %add3A_16 {offsets = [0, 640], sizes = [1024, 128], strides = [1, 1]} : vector<1024x2048xf32> to vector<1024x128xf32>
    %lt3A_45 = arith.cmpf olt, %slice3A_44, %select_n3A_43 : vector<1024x128xf32>
    %add3A_46 = arith.constant 6.400000e+02 : f32
    %add3A_47 = vector.broadcast %add3A_46 : f32 to vector<1024x128xf32>
    %add3A_48 = arith.addf %convert_element_type3A, %add3A_47 : vector<1024x128xf32>
    %select_n3A_49 = arith.select %lt3A_45, %add3A_48, %select_n3A_42 : vector<1024x128xi1>, vector<1024x128xf32>
    %select_n3A_50 = arith.select %lt3A_45, %slice3A_44, %select_n3A_43 : vector<1024x128xi1>, vector<1024x128xf32>
    %slice3A_51 = vector.extract_strided_slice %add3A_16 {offsets = [0, 768], sizes = [1024, 128], strides = [1, 1]} : vector<1024x2048xf32> to vector<1024x128xf32>
    %lt3A_52 = arith.cmpf olt, %slice3A_51, %select_n3A_50 : vector<1024x128xf32>
    %add3A_53 = arith.constant 7.680000e+02 : f32
    %add3A_54 = vector.broadcast %add3A_53 : f32 to vector<1024x128xf32>
    %add3A_55 = arith.addf %convert_element_type3A, %add3A_54 : vector<1024x128xf32>
    %select_n3A_56 = arith.select %lt3A_52, %add3A_55, %select_n3A_49 : vector<1024x128xi1>, vector<1024x128xf32>
    %select_n3A_57 = arith.select %lt3A_52, %slice3A_51, %select_n3A_50 : vector<1024x128xi1>, vector<1024x128xf32>
    %slice3A_58 = vector.extract_strided_slice %add3A_16 {offsets = [0, 896], sizes = [1024, 128], strides = [1, 1]} : vector<1024x2048xf32> to vector<1024x128xf32>
    %lt3A_59 = arith.cmpf olt, %slice3A_58, %select_n3A_57 : vector<1024x128xf32>
    %add3A_60 = arith.constant 8.960000e+02 : f32
    %add3A_61 = vector.broadcast %add3A_60 : f32 to vector<1024x128xf32>
    %add3A_62 = arith.addf %convert_element_type3A, %add3A_61 : vector<1024x128xf32>
    %select_n3A_63 = arith.select %lt3A_59, %add3A_62, %select_n3A_56 : vector<1024x128xi1>, vector<1024x128xf32>
    %select_n3A_64 = arith.select %lt3A_59, %slice3A_58, %select_n3A_57 : vector<1024x128xi1>, vector<1024x128xf32>
    %reduce_min3A = arith.constant dense<0x7F800000> : vector<1024xf32>
    %reduce_min3A_65 = vector.multi_reduction <minimumf>, %select_n3A_64, %reduce_min3A [1] : vector<1024x128xf32> to vector<1024xf32>
    %broadcast_in_dim3A = vector.shape_cast %reduce_min3A_65 : vector<1024xf32> to vector<1024x1xf32>
    %eq3A = vector.broadcast %broadcast_in_dim3A : vector<1024x1xf32> to vector<1024x128xf32>
    %eq3A_66 = arith.cmpf oeq, %select_n3A_64, %eq3A : vector<1024x128xf32>
    %jit3A = arith.constant 1.024000e+03 : f32
    %broadcast_in_dim3A_67 = vector.broadcast %jit3A : f32 to vector<1024x128xf32>
    %select_n3A_68 = arith.select %eq3A_66, %select_n3A_63, %broadcast_in_dim3A_67 : vector<1024x128xi1>, vector<1024x128xf32>
    %reduce_min3A_69 = arith.constant dense<0x7F800000> : vector<1024xf32>
    %reduce_min3A_70 = vector.multi_reduction <minimumf>, %select_n3A_68, %reduce_min3A_69 [1] : vector<1024x128xf32> to vector<1024xf32>
    %broadcast_in_dim3A_71 = vector.shape_cast %reduce_min3A_70 : vector<1024xf32> to vector<1024x1xf32>
    %convert_element_type3A_72 = arith.fptosi %broadcast_in_dim3A_71 : vector<1024x1xf32> to vector<1024x1xi32>
    %swap3A = arith.constant 0 : index
    %swap3A_73 = arith.constant 0 : index
    %swap3A_74 = arith.constant 0 : index
    %swap3A_75 = vector.load %arg3[%swap3A, %swap3A_73, %swap3A_74] : memref<2x1024x1xi32, #tpu.memory_space<vmem>>, vector<1x1024x1xi32>
    %swap3A_76 = vector.shape_cast %swap3A_75 : vector<1x1024x1xi32> to vector<1024x1xi32>
    %swap3A_77 = vector.shape_cast %convert_element_type3A_72 : vector<1024x1xi32> to vector<1x1024x1xi32>
    tpu.vector_store %arg3[%swap3A, %swap3A_73, %swap3A_74], %swap3A_77 {strides = array<i32>} : memref<2x1024x1xi32, #tpu.memory_space<vmem>>, vector<1x1024x1xi32>,
    %slice3A_78 = vector.extract_strided_slice %add3A_16 {offsets = [0, 1024], sizes = [1024, 128], strides = [1, 1]} : vector<1024x2048xf32> to vector<1024x128xf32>
    %slice3A_79 = vector.extract_strided_slice %add3A_16 {offsets = [0, 1152], sizes = [1024, 128], strides = [1, 1]} : vector<1024x2048xf32> to vector<1024x128xf32>
    %lt3A_80 = arith.cmpf olt, %slice3A_79, %slice3A_78 : vector<1024x128xf32>
    %add3A_81 = arith.constant 1.280000e+02 : f32
    %add3A_82 = vector.broadcast %add3A_81 : f32 to vector<1024x128xf32>
    %add3A_83 = arith.addf %convert_element_type3A, %add3A_82 : vector<1024x128xf32>
    %select_n3A_84 = arith.select %lt3A_80, %add3A_83, %convert_element_type3A : vector<1024x128xi1>, vector<1024x128xf32>
    %select_n3A_85 = arith.select %lt3A_80, %slice3A_79, %slice3A_78 : vector<1024x128xi1>, vector<1024x128xf32>
    %slice3A_86 = vector.extract_strided_slice %add3A_16 {offsets = [0, 1280], sizes = [1024, 128], strides = [1, 1]} : vector<1024x2048xf32> to vector<1024x128xf32>
    %lt3A_87 = arith.cmpf olt, %slice3A_86, %select_n3A_85 : vector<1024x128xf32>
    %add3A_88 = arith.constant 2.560000e+02 : f32
    %add3A_89 = vector.broadcast %add3A_88 : f32 to vector<1024x128xf32>
    %add3A_90 = arith.addf %convert_element_type3A, %add3A_89 : vector<1024x128xf32>
    %select_n3A_91 = arith.select %lt3A_87, %add3A_90, %select_n3A_84 : vector<1024x128xi1>, vector<1024x128xf32>
    %select_n3A_92 = arith.select %lt3A_87, %slice3A_86, %select_n3A_85 : vector<1024x128xi1>, vector<1024x128xf32>
    %slice3A_93 = vector.extract_strided_slice %add3A_16 {offsets = [0, 1408], sizes = [1024, 128], strides = [1, 1]} : vector<1024x2048xf32> to vector<1024x128xf32>
    %lt3A_94 = arith.cmpf olt, %slice3A_93, %select_n3A_92 : vector<1024x128xf32>
    %add3A_95 = arith.constant 3.840000e+02 : f32
    %add3A_96 = vector.broadcast %add3A_95 : f32 to vector<1024x128xf32>
    %add3A_97 = arith.addf %convert_element_type3A, %add3A_96 : vector<1024x128xf32>
    %select_n3A_98 = arith.select %lt3A_94, %add3A_97, %select_n3A_91 : vector<1024x128xi1>, vector<1024x128xf32>
    %select_n3A_99 = arith.select %lt3A_94, %slice3A_93, %select_n3A_92 : vector<1024x128xi1>, vector<1024x128xf32>
    %slice3A_100 = vector.extract_strided_slice %add3A_16 {offsets = [0, 1536], sizes = [1024, 128], strides = [1, 1]} : vector<1024x2048xf32> to vector<1024x128xf32>
    %lt3A_101 = arith.cmpf olt, %slice3A_100, %select_n3A_99 : vector<1024x128xf32>
    %add3A_102 = arith.constant 5.120000e+02 : f32
    %add3A_103 = vector.broadcast %add3A_102 : f32 to vector<1024x128xf32>
    %add3A_104 = arith.addf %convert_element_type3A, %add3A_103 : vector<1024x128xf32>
    %select_n3A_105 = arith.select %lt3A_101, %add3A_104, %select_n3A_98 : vector<1024x128xi1>, vector<1024x128xf32>
    %select_n3A_106 = arith.select %lt3A_101, %slice3A_100, %select_n3A_99 : vector<1024x128xi1>, vector<1024x128xf32>
    %slice3A_107 = vector.extract_strided_slice %add3A_16 {offsets = [0, 1664], sizes = [1024, 128], strides = [1, 1]} : vector<1024x2048xf32> to vector<1024x128xf32>
    %lt3A_108 = arith.cmpf olt, %slice3A_107, %select_n3A_106 : vector<1024x128xf32>
    %add3A_109 = arith.constant 6.400000e+02 : f32
    %add3A_110 = vector.broadcast %add3A_109 : f32 to vector<1024x128xf32>
    %add3A_111 = arith.addf %convert_element_type3A, %add3A_110 : vector<1024x128xf32>
    %select_n3A_112 = arith.select %lt3A_108, %add3A_111, %select_n3A_105 : vector<1024x128xi1>, vector<1024x128xf32>
    %select_n3A_113 = arith.select %lt3A_108, %slice3A_107, %select_n3A_106 : vector<1024x128xi1>, vector<1024x128xf32>
    %slice3A_114 = vector.extract_strided_slice %add3A_16 {offsets = [0, 1792], sizes = [1024, 128], strides = [1, 1]} : vector<1024x2048xf32> to vector<1024x128xf32>
    %lt3A_115 = arith.cmpf olt, %slice3A_114, %select_n3A_113 : vector<1024x128xf32>
    %add3A_116 = arith.constant 7.680000e+02 : f32
    %add3A_117 = vector.broadcast %add3A_116 : f32 to vector<1024x128xf32>
    %add3A_118 = arith.addf %convert_element_type3A, %add3A_117 : vector<1024x128xf32>
    %select_n3A_119 = arith.select %lt3A_115, %add3A_118, %select_n3A_112 : vector<1024x128xi1>, vector<1024x128xf32>
    %select_n3A_120 = arith.select %lt3A_115, %slice3A_114, %select_n3A_113 : vector<1024x128xi1>, vector<1024x128xf32>
    %slice3A_121 = vector.extract_strided_slice %add3A_16 {offsets = [0, 1920], sizes = [1024, 128], strides = [1, 1]} : vector<1024x2048xf32> to vector<1024x128xf32>
    %lt3A_122 = arith.cmpf olt, %slice3A_121, %select_n3A_120 : vector<1024x128xf32>
    %add3A_123 = arith.constant 8.960000e+02 : f32
    %add3A_124 = vector.broadcast %add3A_123 : f32 to vector<1024x128xf32>
    %add3A_125 = arith.addf %convert_element_type3A, %add3A_124 : vector<1024x128xf32>
    %select_n3A_126 = arith.select %lt3A_122, %add3A_125, %select_n3A_119 : vector<1024x128xi1>, vector<1024x128xf32>
    %select_n3A_127 = arith.select %lt3A_122, %slice3A_121, %select_n3A_120 : vector<1024x128xi1>, vector<1024x128xf32>
    %reduce_min3A_128 = arith.constant dense<0x7F800000> : vector<1024xf32>
    %reduce_min3A_129 = vector.multi_reduction <minimumf>, %select_n3A_127, %reduce_min3A_128 [1] : vector<1024x128xf32> to vector<1024xf32>
    %broadcast_in_dim3A_130 = vector.shape_cast %reduce_min3A_129 : vector<1024xf32> to vector<1024x1xf32>
    %eq3A_131 = vector.broadcast %broadcast_in_dim3A_130 : vector<1024x1xf32> to vector<1024x128xf32>
    %eq3A_132 = arith.cmpf oeq, %select_n3A_127, %eq3A_131 : vector<1024x128xf32>
    %jit3A_133 = arith.constant 1.024000e+03 : f32
    %broadcast_in_dim3A_134 = vector.broadcast %jit3A_133 : f32 to vector<1024x128xf32>
    %select_n3A_135 = arith.select %eq3A_132, %select_n3A_126, %broadcast_in_dim3A_134 : vector<1024x128xi1>, vector<1024x128xf32>
    %reduce_min3A_136 = arith.constant dense<0x7F800000> : vector<1024xf32>
    %reduce_min3A_137 = vector.multi_reduction <minimumf>, %select_n3A_135, %reduce_min3A_136 [1] : vector<1024x128xf32> to vector<1024xf32>
    %broadcast_in_dim3A_138 = vector.shape_cast %reduce_min3A_137 : vector<1024xf32> to vector<1024x1xf32>
    %convert_element_type3A_139 = arith.fptosi %broadcast_in_dim3A_138 : vector<1024x1xf32> to vector<1024x1xi32>
    %swap3A_140 = arith.constant 1 : index
    %swap3A_141 = arith.constant 0 : index
    %swap3A_142 = arith.constant 0 : index
    %swap3A_143 = vector.load %arg3[%swap3A_140, %swap3A_141, %swap3A_142] : memref<2x1024x1xi32, #tpu.memory_space<vmem>>, vector<1x1024x1xi32>
    %swap3A_144 = vector.shape_cast %swap3A_143 : vector<1x1024x1xi32> to vector<1024x1xi32>
    %swap3A_145 = vector.shape_cast %convert_element_type3A_139 : vector<1024x1xi32> to vector<1x1024x1xi32>
    tpu.vector_store %arg3[%swap3A_140, %swap3A_141, %swap3A_142], %swap3A_145 {strides = array<i32>} : memref<2x1024x1xi32, #tpu.memory_space<vmem>>, vector<1x1024x1xi32>,
    return
  }
  func.func @transform_0(%arg0: i32) -> (i32, i32) {
    %c0_i32 = arith.constant 0 : i32
    %c0_i32_0 = arith.constant 0 : i32
    return %arg0, %c0_i32 : i32, i32
  }
  func.func @transform_1(%arg0: i32) -> (i32, i32) {
    %c0_i32 = arith.constant 0 : i32
    %c0_i32_0 = arith.constant 0 : i32
    %c0_i32_1 = arith.constant 0 : i32
    return %c0_i32, %c0_i32_0 : i32, i32
  }
  func.func @transform_2(%arg0: i32) -> (i32, i32, i32) {
    %c0_i32 = arith.constant 0 : i32
    %c0_i32_0 = arith.constant 0 : i32
    %c0_i32_1 = arith.constant 0 : i32
    return %c0_i32, %arg0, %c0_i32_0 : i32, i32, i32
  }
}

</mosaic_0001>

<sc_bundles>
// kernel: kernel.4.cloned.1.call-start
scs
__scs_entry_jumppad:
0x0: {  	(pc) =	sbr.rel $0x88, $3  }
0x1: {  	(tag) =	ssettag $0x0;
	lr =	simm.s32 $0x1  }
0x2: {  	[smem:$0x3F9E] =	sst lr;
	_ =	strace $0xD0000000  }
0x3: {  	_ = 	snop  }
0x4: {  	_ = 	snop  }
0x5: {  	_ = 	snop  }
0x6: {  	_ = 	snop  }
0x7: {  	_ = 	snop  }
__scs_overlays_trampoline_lowered:
0x8: {  	[smem:$0x3FAD] =	sst s0  }
0x9: {  	[smem:$0x3FAE] =	sst s1  }
0xa: {  	[smem:$0x3FAF] =	sst s2  }
0xb: {  	[smem:$0x3FB0] =	sst s3  }
0xc: {  	[smem:$0x3FB1] =	sst s4  }
0xd: {  	[smem:$0x3FB2] =	sst s5  }
0xe: {  	[smem:$0x3FB3] =	sst s6  }
0xf: {  	[smem:$0x3FB4] =	sst s7  }
0x10: {  	[smem:$0x3FB5] =	sst s8  }
0x11: {  	[smem:$0x3FB6] =	sst s9;
	s0 =	simm.s32 @!p0 $0x0  }
0x12: {  	s1 =	sld [smem:$0x3F9C];
	s0 =	simm.s32 @p0 $0x1  }
0x13: {  	[smem:$0x3FB7] =	sst s0;
	s0 =	simm.s32 @!p1 $0x0  }
0x14: {  	s2 =	sld [smem:$0x3F9B];
	s0 =	simm.s32 @p1 $0x1  }
0x15: {  	[smem:$0x3FB8] =	sst s0;
	s0 =	simm.s32 @!p2 $0x0  }
0x16: {  	s3 =	sld [smem:$0x3FDB];
	s0 =	simm.s32 @p2 $0x1  }
0x17: {  	s4 =	simm.s32 $0x1BF5;
	[smem:$0x3FBA] =	sst s0  }
0x18: {  	s0 =	sld [smem:$0x3F9D];
	_ =	swait.ge [sflag:s4], $0x0  }
0x19: {  	s7 =	sld [smem:$0x3F9E]  }
0x1a: {  	s8 =	sadd.s32 $0xFFFFE003, lr  }
0x1b: {  	s9 =	sadd.s32 $0xFFFFFEF7, lr;
	s5 =	simm.s32 $0xFFFFFFFF;
	p2 =	slt.u32 s8, $0xFFFFF086  }
0x1c: {  	p1 =	slt.u32 s9, $0xF7A;
	s5 =	simm.s32 @!p2 $0x0  }
0x1d: {  	s5 =	simm.s32 @p1 $0x1;
	p0 =	seq.s32 s7, s2  }
0x1e: {  	s7 =	smul.u32 @!p0 $0xF7A, s2;
	p2 =	seq.s32 @!p0 s5, $0x0  }
0x1f: {  	s9 =	smul.u32 $0xF7A, s1;
	s8 =	simm.s32 @!p0 $0x1BF5;
	p2 =	por !p2, p0  }
0x20: {  	[sflag:s8] =	ssyncset.s32 @!p0 $0xFFFFF086;
	s6 =	sadd.s32 @!p0 s3, s7;
	s7 =	simm.s32 @!p0 $0x108  }
0x21: {  	s3 =	sadd.s32 s3, s9;
	s6 =	sadd.s32 @!p0 $0x88, s6;
	s7 =	simm.s32 @p2 $0x1082  }
0x22: {  	[simem:s7], [sflag:s8] =	dma.local @!p0 [hbm:s6], $0xF7A  }
0x23: {  	s9 =	sor.u32 $0xD0000000, s2;
	s6 =	simm.s32 $0x108;
	_ =	swait.ge @!p0 [sflag:s8], $0x0  }
0x24: {  	s3 =	sadd.s32 $0x88, s3;
	s6 =	simm.s32 @!p1 $0x1082;
	[sflag:s4] =	ssyncset.s32 $0xFFFFF086  }
0x25: {  	[simem:s6], [sflag:s4] =	dma.local [hbm:s3], $0xF7A  }
0x26: {  	[smem:$0x3F9E] =	sst s1;
	(tag) =	ssettag s2;
	_ =	strace s9  }
0x27: {  	s1 =	sld [smem:$0x3FAE]  }
0x28: {  	s2 =	sld [smem:$0x3FAF]  }
0x29: {  	s4 =	sld [smem:$0x3FB1]  }
0x2a: {  	p0 =	seq.s32 s5, $0x0;
	s5 =	sld [smem:$0x3FB2]  }
0x2b: {  	s6 =	sld [smem:$0x3FB3]  }
0x2c: {  	s7 =	sld [smem:$0x3FB4]  }
0x2d: {  	s3 =	simm.s32 $0x108;
	s8 =	sld [smem:$0x3FB5]  }
0x2e: {  	s3 =	simm.s32 @!p0 $0x1082;
	s9 =	sld [smem:$0x3FB6]  }
0x2f: {  	lr =	sadd.s32 s0, s3;
	s0 =	sld [smem:$0x3FAD]  }
0x30: {  	s3 =	sld [smem:$0x3FB0]  }
0x31: {  	[smem:$0x3FB9] =	sst s10  }
0x32: {  	s10 =	sld [smem:$0x3FB7];
	_ =	sdelay $0x3  }
0x33: {  	p0 =	seq.s32 s10, $0x1;
	s10 =	sld [smem:$0x3FB9];
	_ =	sdelay $0x3  }
0x34: {  	[smem:$0x3FB9] =	sst s10  }
0x35: {  	s10 =	sld [smem:$0x3FB8];
	_ =	sdelay $0x3  }
0x36: {  	p1 =	seq.s32 s10, $0x1;
	s10 =	sld [smem:$0x3FB9];
	_ =	sdelay $0x3  }
0x37: {  	[smem:$0x3FB9] =	sst s10  }
0x38: {  	s10 =	sld [smem:$0x3FBA]  }
0x39: {  	_ = 	snop;
	(pc) =	sbr.ind lr, $3  }
0x3a: {  	_ = 	snop  }
0x3b: {  	_ = 	snop  }
0x3c: {  	p2 =	seq.s32 s10, $0x1;
	s10 =	sld [smem:$0x3FB9]  }
0x3d: {  	_ =	shalt  }
0x3e: {  	_ =	shalt  }
0x3f: {  	_ =	shalt  }
0x40: {  	_ =	shalt  }
0x41: {  	_ =	shalt  }
0x42: {  	_ =	shalt  }
0x43: {  	_ =	shalt  }
0x44: {  	_ =	shalt  }
0x45: {  	_ =	shalt  }
0x46: {  	_ =	shalt  }
0x47: {  	_ =	shalt  }
0x48: {  	_ =	shalt  }
0x49: {  	_ =	shalt  }
0x4a: {  	_ =	shalt  }
0x4b: {  	_ =	shalt  }
0x4c: {  	_ =	shalt  }
0x4d: {  	_ =	shalt  }
0x4e: {  	_ =	shalt  }
0x4f: {  	_ =	shalt  }
0x50: {  	_ =	shalt  }
0x51: {  	_ =	shalt  }
0x52: {  	_ =	shalt  }
0x53: {  	_ =	shalt  }
0x54: {  	_ =	shalt  }
0x55: {  	_ =	shalt  }
0x56: {  	_ =	shalt  }
0x57: {  	_ =	shalt  }
0x58: {  	_ =	shalt  }
0x59: {  	_ =	shalt  }
0x5a: {  	_ =	shalt  }
0x5b: {  	_ =	shalt  }
0x5c: {  	_ =	shalt  }
0x5d: {  	_ =	shalt  }
0x5e: {  	_ =	shalt  }
0x5f: {  	_ =	shalt  }
0x60: {  	_ =	shalt  }
0x61: {  	_ =	shalt  }
0x62: {  	_ =	shalt  }
0x63: {  	_ =	shalt  }
0x64: {  	_ =	shalt  }
0x65: {  	_ =	shalt  }
0x66: {  	_ =	shalt  }
0x67: {  	_ =	shalt  }
0x68: {  	_ =	shalt  }
0x69: {  	_ =	shalt  }
0x6a: {  	_ =	shalt  }
0x6b: {  	_ =	shalt  }
0x6c: {  	_ =	shalt  }
0x6d: {  	_ =	shalt  }
0x6e: {  	_ =	shalt  }
0x6f: {  	_ =	shalt  }
0x70: {  	_ =	shalt  }
0x71: {  	_ =	shalt  }
0x72: {  	_ =	shalt  }
0x73: {  	_ =	shalt  }
0x74: {  	_ =	shalt  }
0x75: {  	_ =	shalt  }
0x76: {  	_ =	shalt  }
0x77: {  	_ =	shalt  }
0x78: {  	_ =	shalt  }
0x79: {  	_ =	shalt  }
0x7a: {  	_ =	shalt  }
0x7b: {  	_ =	shalt  }
0x7c: {  	_ =	shalt  }
0x7d: {  	_ =	shalt  }
0x7e: {  	_ =	shalt  }
0x7f: {  	_ =	shalt  }
0x80: {  	_ =	shalt  }
0x81: {  	_ =	shalt  }
0x82: {  	_ =	shalt  }
0x83: {  	_ =	shalt  }
0x84: {  	_ =	shalt  }
0x85: {  	_ =	shalt  }
0x86: {  	_ =	shalt  }
0x87: {  	_ =	shalt  }
.Lfunc_end0:
.L_simem_size_0:
called_computation_lowered:
.L_overlay_start_0:
0x88: {  	s2 =	sld [smem:$0x3FD9]  }
0x89: {  	s3 =	sld [smem:$0x3FFE];
	_ =	sdelay $0x1  }
0x8a: {  	s1 =	srdreg.scid  }
0x8b: {  	s0 =	sand.u32 $0x1, s1  }
0x8c: {  	s17 =	sshll.u32 s0, $0xA;
	s2 =	sadd.s32 s3, s2  }
0x8d: {  	s2 =	sadd.s32 s2, s17  }
0x8e: {  	[smem:$0x3FC5] =	sst s2  }
0x8f: {  	_ = 	snop  }
0x90: {  	s2 =	sld [smem:$0x3FD0];
	(tm) =	ssettm $0x1  }
0x91: {  	s18 =	sld [smem:$0x3FFB];
	_ =	sdelay $0x3  }
0x92: {  	_ =	strace s18  }
0x93: {  	s3 =	sld [smem:$0x3FFC];
	_ =	sdelay $0x3  }
0x94: {  	_ =	strace s3  }
0x95: {  	s3 =	sld [smem:$0x3FFD];
	_ =	sdelay $0x3  }
0x96: {  	_ =	strace s3  }
0x97: {  	_ =	strace $0x8FFFFFFF  }
0x98: {  	s19 =	sld [smem:$0x3FDB];
	_ =	sdelay $0x1  }
0x99: {  	s4 =	simm.s32 $_scs_section_size  }
0x9a: {  	s5 =	simm.s32 $_size__tile_overlayer_lowered;
	s6 =	simm.s32 $_tile_overlayer_lowered  }
0x9b: {  	s22 =	simm.s32 $0x1BFF;
	s21 =	sshll.u32 s6, $0x1;
	s3 =	sadd.s32 s4, s19  }
0x9c: {  	s7 =	simm.s32 $0x0;
	s20 =	sshll.u32 s5, $0x1;
	s5 =	sadd.s32 s21, s3  }
0x9d: {  	[timem:s7], [sflag:s22] =	dma.local [hbm:s5], s20  }
0x9e: {  	_ =	swait.ge [sflag:s22], s20  }
0x9f: {  	s4 =	ssub.s32 $0x0, s20;
	[sflag:s22] =	ssyncset.done $0x0  }
0xa0: {  	[sflag:s22] =	ssyncadd.s32 s4;
	_ =	sdelay $0x1  }
0xa1: {  	s23 =	simm.s32 $0x1B8B  }
0xa2: {  	_ =	swait.ge [sflag:s23], $0x1  }
0xa3: {  	[sflag:s23] =	ssyncset.done $0x0  }
0xa4: {  	s25 =	simm.s32 $0x1B8E;
	s24 =	sld [smem:$0x3FFE];
	[sflag:s23] =	ssyncadd.s32 $0xFFFFFFFF  }
0xa5: {  	s26 =	simm.s32 $execute0_lowered;
	[smem:$0x3FD2] =	sst s25  }
0xa6: {  	s5 =	sshll.u32 s26, $0x1;
	_ =	strace $0x80000046;
	[dreg:$0x1] =	wrdreg $0xFFFFFFFF  }
0xa7: {  	s28 =	simm.s32 $_size_execute0_lowered;
	s3 =	sadd.s32 s3, s5;
	[dreg:$0x0] =	wrdreg $0x0  }
0xa8: {  	s5 =	sshll.u32 s28, $0x1;
	[dreg:$0x2] =	wrdreg s3  }
0xa9: {  	[dreg:$0x3] =	wrdreg s5  }
0xaa: {  	[dreg:$0x4] =	wrdreg $0xC0  }
0xab: {  	_ =	task [dreg:s7], $0x5FFFF  }
0xac: {  	[dreg:$0x1] =	wrdreg $0xFFFFFFFF  }
0xad: {  	[dreg:$0x0] =	wrdreg $0x60  }
0xae: {  	[dreg:$0x2] =	wrdreg s24  }
0xaf: {  	[dreg:$0x3] =	wrdreg s2  }
0xb0: {  	[dreg:$0x4] =	wrdreg $0x9  }
0xb1: {  	_ =	task.clear_ibuf [dreg:s7], $0x5FFFF;
	_ =	strace $0x90000046  }
0xb2: {  	s29 =	simm.s32 $0x9;
	_ =	strace $0x80000048  }
0xb3: {  	_ =	swait.ge [sflag:s29], $0x1  }
0xb4: {  	[sflag:s29] =	ssyncadd.s32 $0xFFFFFFFF  }
0xb5: {  	_ =	strace $0x90000048  }
0xb6: {  	_ =	sfence  }
0xb7: {  	s30 =	sld [smem:$0x0];
	_ =	sdelay $0x2  }
0xb8: {  	s31 =	sshll.u32 s1, $0xD;
	s1 =	sshrl.u32 s1, $0x2  }
0xb9: {  	s3 =	sand.u32 $0x4000, s31;
	s1 =	sadd.s32 s1, s30  }
0xba: {  	s0 =	sor.u32 s3, s0;
	s1 =	sshll.u32 s1, $0x11  }
0xbb: {  	s0 =	sor.u32 s1, s0  }
0xbc: {  	s0 =	sadd.s32 $0x8F2B, s0  }
0xbd: {  	[sflag:s0] =	ssyncadd.remote.s32 $0x1  }
0xbe: {  	_ =	sfence.sel $0xFFFF  }
0xbf: {  	[dreg:$0x0] =	wrdreg $0xFFFFFFFF;
	(pc) =	sbr.abs _section_cstart, $3  }
0xc0: {  	[dreg:$0x1] =	wrdreg $0xFFFFFFFF  }
0xc1: {  	_ =	task.clear_ibuf [dreg:s7], $0x2FFFF;
	_ =	strace $0x9FFFFFFF  }
0xc2: {  	(tm) =	ssettm $0x7FFFFFFF  }
0xc3: {  	_ =	shalt  }
tec
execute0_lowered:
.L_overlay_start_1:
0x0: {  	(tag) =	ssettag $0x1  }
0x1: {  	s3 =	rddreg [dreg:$0x0]  }
0x2: {  	s4 =	rddreg [dreg:$0x1]  }
0x3: {  	s0 =	rddreg [dreg:$0x2];
	s1 =	stileid.u32  }
0x4: {  	s2 =	simm.s32 $0x0;
	s5 =	srdreg.scid;
	s11 =	simm.s32 $0x100  }
0x5: {  	s12 =	simm.s32 $0x1;
	s13 =	simm.s32 $0x1000;
	s14 =	simm.s32 $0x200  }
0x6: {  	s15 =	simm.s32 $0x1400;
	s16 =	simm.s32 $0x1800;
	s17 =	simm.s32 $0x1C00  }
0x7: {  	s18 =	simm.s32 $0x2000;
	s6 =	sshll.u32 s1, $0x1;
	[smem:$0x7FF] =	sst s2  }
0x8: {  	s5 =	sand.u32 $0x1, s5;
	s7 =	sshrl.u32 s1, $0x3;
	s6 =	sand.u32 $0xE, s6  }
0x9: {  	_ =	strace $0x80000047;
	s9 =	sshll.u32 s7, $0xD;
	s7 =	sshll.u32 s7, $0x4  }
0xa: {  	s6 =	sor.u32 s5, s6;
	s5 =	ssub.s32 $0x2, s5;
	s10 =	sadd.s32 s7, s3  }
0xb: {  	s4 =	sadd.s32 s4, s7;
	s8 =	sshll.u32 s6, $0x9;
	s30 =	sshrl.u32 s5, $0x1  }
0xc: {  	s31 =	sshll.u32 s6, $0x8;
	s8 =	sor.u32 s9, s8;
	s9 =	ssub.s32 s5, s30  }
0xd: {  	s4 =	sadd.s32 s31, s4;
	s8 =	sadd.s32 s8, s3;
	s3 =	sadd.s32 $0x200, s10  }
0xe: {  	s9 =	smax.u32 s9, $0x1;
	s10 =	simm.s32 $0x80;
	s5 =	sadd.s32 $0x600, s8  }
0xf: {  	s6 =	sadd.s32 $0x610, s8;
	s7 =	sadd.s32 $0x620, s8;
	s8 =	sadd.s32 $0x630, s8  }
.LBB2_1:
0x10: {  	[tilespmem:s2], [sflag:$0x1] =	stream.strided.gather [hbm4b:s3+s10], $0x1000, s11, s10, $0x38;
	[tilespmem:$0x2400] =	vst v63  }
0x11: {  	_ =	swait.ge [sflag:s12], $0x1000  }
0x12: {  	[sflag:s12] =	ssyncset.done $0x0  }
0x13: {  	[sflag:s12] =	ssyncadd.s32 $0xFFFFF000  }
0x14: {  	[tilespmem:s13], [sflag:$0x1] =	stream.strided.gather [hbm4b:s4+s10], $0x400, s11, s10, $0x38;
	[tilespmem:$0x2400] =	vst v63  }
0x15: {  	_ =	swait.ge [sflag:s12], $0x400  }
0x16: {  	[sflag:s12] =	ssyncset.done $0x0  }
0x17: {  	[sflag:s12] =	ssyncadd.s32 $0xFFFFFC00  }
0x18: {  	v0 =	vld [tilespmem:$0x1000];
	_ =	sdelay $0x7  }
0x19: {  	v1 =	vld.idx.msk [tilespmem:v0+s2+$0x0], $0xffff  }
0x1a: {  	v2 =	vadd.s32 $0x400, v0;
	_ =	sdelay $0x3  }
0x1b: {  	[tilespmem:$0x1400] =	vst v1  }
0x1c: {  	v1 =	vld.idx.msk [tilespmem:v2+s2+$0x0], $0xffff  }
0x1d: {  	v53 =	vadd.s32 $0x800, v0;
	_ =	sdelay $0x3  }
0x1e: {  	[tilespmem:$0x1800] =	vst v1  }
0x1f: {  	v1 =	vld.idx.msk [tilespmem:v53+s2+$0x0], $0xffff  }
0x20: {  	v0 =	vadd.s32 $0xC00, v0;
	_ =	sdelay $0x2  }
0x21: {  	v54 =	vld [tilespmem:$0x1010]  }
0x22: {  	[tilespmem:$0x1C00] =	vst v1  }
0x23: {  	v0 =	vld.idx.msk [tilespmem:v0+s2+$0x0], $0xffff;
	_ =	sdelay $0x4  }
0x24: {  	[tilespmem:$0x2000] =	vst v0  }
0x25: {  	v0 =	vld.idx.msk [tilespmem:v54+s2+$0x0], $0xffff  }
0x26: {  	v55 =	vadd.s32 $0x400, v54;
	_ =	sdelay $0x3  }
0x27: {  	[tilespmem:$0x1410] =	vst v0  }
0x28: {  	v0 =	vld.idx.msk [tilespmem:v55+s2+$0x0], $0xffff  }
0x29: {  	v56 =	vadd.s32 $0x800, v54;
	_ =	sdelay $0x3  }
0x2a: {  	[tilespmem:$0x1810] =	vst v0  }
0x2b: {  	v0 =	vld.idx.msk [tilespmem:v56+s2+$0x0], $0xffff  }
0x2c: {  	v57 =	vadd.s32 $0xC00, v54;
	_ =	sdelay $0x2  }
0x2d: {  	v58 =	vld [tilespmem:$0x1020]  }
0x2e: {  	[tilespmem:$0x1C10] =	vst v0  }
0x2f: {  	v0 =	vld.idx.msk [tilespmem:v57+s2+$0x0], $0xffff;
	_ =	sdelay $0x4  }
0x30: {  	[tilespmem:$0x2010] =	vst v0  }
0x31: {  	v0 =	vld.idx.msk [tilespmem:v58+s2+$0x0], $0xffff  }
0x32: {  	v59 =	vadd.s32 $0x400, v58;
	_ =	sdelay $0x3  }
0x33: {  	[tilespmem:$0x1420] =	vst v0  }
0x34: {  	v0 =	vld.idx.msk [tilespmem:v59+s2+$0x0], $0xffff  }
0x35: {  	v60 =	vadd.s32 $0x800, v58;
	_ =	sdelay $0x3  }
0x36: {  	[tilespmem:$0x1820] =	vst v0  }
0x37: {  	v0 =	vld.idx.msk [tilespmem:v60+s2+$0x0], $0xffff  }
0x38: {  	v61 =	vadd.s32 $0xC00, v58;
	_ =	sdelay $0x2  }
0x39: {  	v62 =	vld [tilespmem:$0x1030]  }
0x3a: {  	[tilespmem:$0x1C20] =	vst v0  }
0x3b: {  	v0 =	vld.idx.msk [tilespmem:v61+s2+$0x0], $0xffff;
	_ =	sdelay $0x4  }
0x3c: {  	[tilespmem:$0x2020] =	vst v0  }
0x3d: {  	v0 =	vld.idx.msk [tilespmem:v62+s2+$0x0], $0xffff  }
0x3e: {  	v63 =	vadd.s32 $0x400, v62;
	_ =	sdelay $0x3  }
0x3f: {  	[tilespmem:$0x1430] =	vst v0  }
0x40: {  	v0 =	vld.idx.msk [tilespmem:v63+s2+$0x0], $0xffff  }
0x41: {  	v4 =	vadd.s32 $0x800, v62;
	_ =	sdelay $0x3  }
0x42: {  	[tilespmem:$0x1830] =	vst v0  }
0x43: {  	v0 =	vld.idx.msk [tilespmem:v4+s2+$0x0], $0xffff  }
0x44: {  	v5 =	vadd.s32 $0xC00, v62;
	_ =	sdelay $0x2  }
0x45: {  	v6 =	vld [tilespmem:$0x1040]  }
0x46: {  	[tilespmem:$0x1C30] =	vst v0  }
0x47: {  	v0 =	vld.idx.msk [tilespmem:v5+s2+$0x0], $0xffff;
	_ =	sdelay $0x4  }
0x48: {  	[tilespmem:$0x2030] =	vst v0  }
0x49: {  	v0 =	vld.idx.msk [tilespmem:v6+s2+$0x0], $0xffff  }
0x4a: {  	v7 =	vadd.s32 $0x400, v6;
	_ =	sdelay $0x3  }
0x4b: {  	[tilespmem:$0x1440] =	vst v0  }
0x4c: {  	v0 =	vld.idx.msk [tilespmem:v7+s2+$0x0], $0xffff  }
0x4d: {  	v8 =	vadd.s32 $0x800, v6;
	_ =	sdelay $0x3  }
0x4e: {  	[tilespmem:$0x1840] =	vst v0  }
0x4f: {  	v0 =	vld.idx.msk [tilespmem:v8+s2+$0x0], $0xffff  }
0x50: {  	v9 =	vadd.s32 $0xC00, v6;
	_ =	sdelay $0x2  }
0x51: {  	v10 =	vld [tilespmem:$0x1050]  }
0x52: {  	[tilespmem:$0x1C40] =	vst v0  }
0x53: {  	v0 =	vld.idx.msk [tilespmem:v9+s2+$0x0], $0xffff;
	_ =	sdelay $0x4  }
0x54: {  	[tilespmem:$0x2040] =	vst v0  }
0x55: {  	v0 =	vld.idx.msk [tilespmem:v10+s2+$0x0], $0xffff  }
0x56: {  	v11 =	vadd.s32 $0x400, v10;
	_ =	sdelay $0x3  }
0x57: {  	[tilespmem:$0x1450] =	vst v0  }
0x58: {  	v0 =	vld.idx.msk [tilespmem:v11+s2+$0x0], $0xffff  }
0x59: {  	v12 =	vadd.s32 $0x800, v10;
	_ =	sdelay $0x3  }
0x5a: {  	[tilespmem:$0x1850] =	vst v0  }
0x5b: {  	v0 =	vld.idx.msk [tilespmem:v12+s2+$0x0], $0xffff  }
0x5c: {  	v13 =	vadd.s32 $0xC00, v10;
	_ =	sdelay $0x2  }
0x5d: {  	v14 =	vld [tilespmem:$0x1060]  }
0x5e: {  	[tilespmem:$0x1C50] =	vst v0  }
0x5f: {  	v0 =	vld.idx.msk [tilespmem:v13+s2+$0x0], $0xffff;
	_ =	sdelay $0x4  }
0x60: {  	[tilespmem:$0x2050] =	vst v0  }
0x61: {  	v0 =	vld.idx.msk [tilespmem:v14+s2+$0x0], $0xffff  }
0x62: {  	v15 =	vadd.s32 $0x400, v14;
	_ =	sdelay $0x3  }
0x63: {  	[tilespmem:$0x1460] =	vst v0  }
0x64: {  	v0 =	vld.idx.msk [tilespmem:v15+s2+$0x0], $0xffff  }
0x65: {  	v16 =	vadd.s32 $0x800, v14;
	_ =	sdelay $0x3  }
0x66: {  	[tilespmem:$0x1860] =	vst v0  }
0x67: {  	v0 =	vld.idx.msk [tilespmem:v16+s2+$0x0], $0xffff  }
0x68: {  	v17 =	vadd.s32 $0xC00, v14;
	_ =	sdelay $0x2  }
0x69: {  	v18 =	vld [tilespmem:$0x1070]  }
0x6a: {  	[tilespmem:$0x1C60] =	vst v0  }
0x6b: {  	v0 =	vld.idx.msk [tilespmem:v17+s2+$0x0], $0xffff;
	_ =	sdelay $0x4  }
0x6c: {  	[tilespmem:$0x2060] =	vst v0  }
0x6d: {  	v0 =	vld.idx.msk [tilespmem:v18+s2+$0x0], $0xffff  }
0x6e: {  	v19 =	vadd.s32 $0x400, v18;
	_ =	sdelay $0x3  }
0x6f: {  	[tilespmem:$0x1470] =	vst v0  }
0x70: {  	v0 =	vld.idx.msk [tilespmem:v19+s2+$0x0], $0xffff  }
0x71: {  	v20 =	vadd.s32 $0x800, v18;
	_ =	sdelay $0x3  }
0x72: {  	[tilespmem:$0x1870] =	vst v0  }
0x73: {  	v0 =	vld.idx.msk [tilespmem:v20+s2+$0x0], $0xffff  }
0x74: {  	v21 =	vadd.s32 $0xC00, v18;
	_ =	sdelay $0x2  }
0x75: {  	v22 =	vld [tilespmem:$0x1080]  }
0x76: {  	[tilespmem:$0x1C70] =	vst v0  }
0x77: {  	v0 =	vld.idx.msk [tilespmem:v21+s2+$0x0], $0xffff;
	_ =	sdelay $0x4  }
0x78: {  	[tilespmem:$0x2070] =	vst v0  }
0x79: {  	v0 =	vld.idx.msk [tilespmem:v22+s2+$0x0], $0xffff  }
0x7a: {  	v23 =	vadd.s32 $0x400, v22;
	_ =	sdelay $0x3  }
0x7b: {  	[tilespmem:$0x1480] =	vst v0  }
0x7c: {  	v0 =	vld.idx.msk [tilespmem:v23+s2+$0x0], $0xffff  }
0x7d: {  	v24 =	vadd.s32 $0x800, v22;
	_ =	sdelay $0x3  }
0x7e: {  	[tilespmem:$0x1880] =	vst v0  }
0x7f: {  	v0 =	vld.idx.msk [tilespmem:v24+s2+$0x0], $0xffff  }
0x80: {  	v25 =	vadd.s32 $0xC00, v22;
	_ =	sdelay $0x2  }
0x81: {  	v26 =	vld [tilespmem:$0x1090]  }
0x82: {  	[tilespmem:$0x1C80] =	vst v0  }
0x83: {  	v0 =	vld.idx.msk [tilespmem:v25+s2+$0x0], $0xffff;
	_ =	sdelay $0x4  }
0x84: {  	[tilespmem:$0x2080] =	vst v0  }
0x85: {  	v0 =	vld.idx.msk [tilespmem:v26+s2+$0x0], $0xffff  }
0x86: {  	v27 =	vadd.s32 $0x400, v26;
	_ =	sdelay $0x3  }
0x87: {  	[tilespmem:$0x1490] =	vst v0  }
0x88: {  	v0 =	vld.idx.msk [tilespmem:v27+s2+$0x0], $0xffff  }
0x89: {  	v28 =	vadd.s32 $0x800, v26;
	_ =	sdelay $0x3  }
0x8a: {  	[tilespmem:$0x1890] =	vst v0  }
0x8b: {  	v0 =	vld.idx.msk [tilespmem:v28+s2+$0x0], $0xffff  }
0x8c: {  	v29 =	vadd.s32 $0xC00, v26;
	_ =	sdelay $0x3  }
0x8d: {  	[tilespmem:$0x1C90] =	vst v0  }
0x8e: {  	v0 =	vld.idx.msk [tilespmem:v29+s2+$0x0], $0xffff  }
0x8f: {  	v1 =	vld [tilespmem:$0x10A0];
	_ =	sdelay $0x6  }
0x90: {  	[tilespmem:$0x2090] =	vst v0  }
0x91: {  	v0 =	vld.idx.msk [tilespmem:v1+s2+$0x0], $0xffff  }
0x92: {  	v30 =	vadd.s32 $0x400, v1;
	_ =	sdelay $0x3  }
0x93: {  	[tilespmem:$0x14A0] =	vst v0  }
0x94: {  	v0 =	vld.idx.msk [tilespmem:v30+s2+$0x0], $0xffff  }
0x95: {  	v31 =	vadd.s32 $0x800, v1;
	_ =	sdelay $0x3  }
0x96: {  	[tilespmem:$0x18A0] =	vst v0  }
0x97: {  	v0 =	vld.idx.msk [tilespmem:v31+s2+$0x0], $0xffff  }
0x98: {  	v1 =	vadd.s32 $0xC00, v1;
	_ =	sdelay $0x2  }
0x99: {  	v32 =	vld [tilespmem:$0x10B0]  }
0x9a: {  	[tilespmem:$0x1CA0] =	vst v0  }
0x9b: {  	v0 =	vld.idx.msk [tilespmem:v1+s2+$0x0], $0xffff;
	_ =	sdelay $0x4  }
0x9c: {  	[tilespmem:$0x20A0] =	vst v0  }
0x9d: {  	v0 =	vld.idx.msk [tilespmem:v32+s2+$0x0], $0xffff  }
0x9e: {  	v33 =	vadd.s32 $0x400, v32;
	_ =	sdelay $0x3  }
0x9f: {  	[tilespmem:$0x14B0] =	vst v0  }
0xa0: {  	v0 =	vld.idx.msk [tilespmem:v33+s2+$0x0], $0xffff  }
0xa1: {  	v34 =	vadd.s32 $0x800, v32;
	_ =	sdelay $0x3  }
0xa2: {  	[tilespmem:$0x18B0] =	vst v0  }
0xa3: {  	v0 =	vld.idx.msk [tilespmem:v34+s2+$0x0], $0xffff  }
0xa4: {  	v35 =	vadd.s32 $0xC00, v32;
	_ =	sdelay $0x2  }
0xa5: {  	v36 =	vld [tilespmem:$0x10C0]  }
0xa6: {  	[tilespmem:$0x1CB0] =	vst v0  }
0xa7: {  	v0 =	vld.idx.msk [tilespmem:v35+s2+$0x0], $0xffff;
	_ =	sdelay $0x4  }
0xa8: {  	[tilespmem:$0x20B0] =	vst v0  }
0xa9: {  	v0 =	vld.idx.msk [tilespmem:v36+s2+$0x0], $0xffff  }
0xaa: {  	v37 =	vadd.s32 $0x400, v36;
	_ =	sdelay $0x3  }
0xab: {  	[tilespmem:$0x14C0] =	vst v0  }
0xac: {  	v0 =	vld.idx.msk [tilespmem:v37+s2+$0x0], $0xffff  }
0xad: {  	v38 =	vadd.s32 $0x800, v36;
	_ =	sdelay $0x3  }
0xae: {  	[tilespmem:$0x18C0] =	vst v0  }
0xaf: {  	v0 =	vld.idx.msk [tilespmem:v38+s2+$0x0], $0xffff  }
0xb0: {  	v39 =	vadd.s32 $0xC00, v36;
	_ =	sdelay $0x2  }
0xb1: {  	v40 =	vld [tilespmem:$0x10D0]  }
0xb2: {  	[tilespmem:$0x1CC0] =	vst v0  }
0xb3: {  	v0 =	vld.idx.msk [tilespmem:v39+s2+$0x0], $0xffff;
	_ =	sdelay $0x4  }
0xb4: {  	[tilespmem:$0x20C0] =	vst v0  }
0xb5: {  	v0 =	vld.idx.msk [tilespmem:v40+s2+$0x0], $0xffff  }
0xb6: {  	v41 =	vadd.s32 $0x400, v40;
	_ =	sdelay $0x3  }
0xb7: {  	[tilespmem:$0x14D0] =	vst v0  }
0xb8: {  	v0 =	vld.idx.msk [tilespmem:v41+s2+$0x0], $0xffff  }
0xb9: {  	v42 =	vadd.s32 $0x800, v40;
	_ =	sdelay $0x3  }
0xba: {  	[tilespmem:$0x18D0] =	vst v0  }
0xbb: {  	v0 =	vld.idx.msk [tilespmem:v42+s2+$0x0], $0xffff  }
0xbc: {  	v43 =	vadd.s32 $0xC00, v40;
	_ =	sdelay $0x2  }
0xbd: {  	v44 =	vld [tilespmem:$0x10E0]  }
0xbe: {  	[tilespmem:$0x1CD0] =	vst v0  }
0xbf: {  	v0 =	vld.idx.msk [tilespmem:v43+s2+$0x0], $0xffff;
	_ =	sdelay $0x4  }
0xc0: {  	[tilespmem:$0x20D0] =	vst v0  }
0xc1: {  	v0 =	vld.idx.msk [tilespmem:v44+s2+$0x0], $0xffff  }
0xc2: {  	v45 =	vadd.s32 $0x400, v44;
	_ =	sdelay $0x3  }
0xc3: {  	[tilespmem:$0x14E0] =	vst v0  }
0xc4: {  	v0 =	vld.idx.msk [tilespmem:v45+s2+$0x0], $0xffff  }
0xc5: {  	v46 =	vadd.s32 $0x800, v44;
	_ =	sdelay $0x3  }
0xc6: {  	[tilespmem:$0x18E0] =	vst v0  }
0xc7: {  	v0 =	vld.idx.msk [tilespmem:v46+s2+$0x0], $0xffff  }
0xc8: {  	v47 =	vadd.s32 $0xC00, v44;
	_ =	sdelay $0x2  }
0xc9: {  	v48 =	vld [tilespmem:$0x10F0]  }
0xca: {  	[tilespmem:$0x1CE0] =	vst v0  }
0xcb: {  	v0 =	vld.idx.msk [tilespmem:v47+s2+$0x0], $0xffff;
	_ =	sdelay $0x4  }
0xcc: {  	[tilespmem:$0x20E0] =	vst v0  }
0xcd: {  	v0 =	vld.idx.msk [tilespmem:v48+s2+$0x0], $0xffff  }
0xce: {  	v49 =	vadd.s32 $0x400, v48;
	_ =	sdelay $0x3  }
0xcf: {  	[tilespmem:$0x14F0] =	vst v0  }
0xd0: {  	v0 =	vld.idx.msk [tilespmem:v49+s2+$0x0], $0xffff  }
0xd1: {  	v50 =	vadd.s32 $0x800, v48;
	_ =	sdelay $0x3  }
0xd2: {  	[tilespmem:$0x18F0] =	vst v0  }
0xd3: {  	v0 =	vld.idx.msk [tilespmem:v50+s2+$0x0], $0xffff  }
0xd4: {  	v51 =	vadd.s32 $0xC00, v48;
	_ =	sdelay $0x2  }
0xd5: {  	v52 =	vld [tilespmem:$0x1100]  }
0xd6: {  	[tilespmem:$0x1CF0] =	vst v0  }
0xd7: {  	v0 =	vld.idx.msk [tilespmem:v51+s2+$0x0], $0xffff;
	_ =	sdelay $0x4  }
0xd8: {  	[tilespmem:$0x20F0] =	vst v0  }
0xd9: {  	v0 =	vld.idx.msk [tilespmem:v52+s2+$0x0], $0xffff  }
0xda: {  	v53 =	vadd.s32 $0x400, v52;
	_ =	sdelay $0x3  }
0xdb: {  	[tilespmem:$0x1500] =	vst v0  }
0xdc: {  	v0 =	vld.idx.msk [tilespmem:v53+s2+$0x0], $0xffff  }
0xdd: {  	v54 =	vadd.s32 $0x800, v52;
	_ =	sdelay $0x3  }
0xde: {  	[tilespmem:$0x1900] =	vst v0  }
0xdf: {  	v0 =	vld.idx.msk [tilespmem:v54+s2+$0x0], $0xffff  }
0xe0: {  	v55 =	vadd.s32 $0xC00, v52;
	_ =	sdelay $0x2  }
0xe1: {  	v56 =	vld [tilespmem:$0x1110]  }
0xe2: {  	[tilespmem:$0x1D00] =	vst v0  }
0xe3: {  	v0 =	vld.idx.msk [tilespmem:v55+s2+$0x0], $0xffff;
	_ =	sdelay $0x4  }
0xe4: {  	[tilespmem:$0x2100] =	vst v0  }
0xe5: {  	v0 =	vld.idx.msk [tilespmem:v56+s2+$0x0], $0xffff  }
0xe6: {  	v57 =	vadd.s32 $0x400, v56;
	_ =	sdelay $0x3  }
0xe7: {  	[tilespmem:$0x1510] =	vst v0  }
0xe8: {  	v0 =	vld.idx.msk [tilespmem:v57+s2+$0x0], $0xffff  }
0xe9: {  	v58 =	vadd.s32 $0x800, v56;
	_ =	sdelay $0x3  }
0xea: {  	[tilespmem:$0x1910] =	vst v0  }
0xeb: {  	v0 =	vld.idx.msk [tilespmem:v58+s2+$0x0], $0xffff  }
0xec: {  	v59 =	vadd.s32 $0xC00, v56;
	_ =	sdelay $0x2  }
0xed: {  	v60 =	vld [tilespmem:$0x1120]  }
0xee: {  	[tilespmem:$0x1D10] =	vst v0  }
0xef: {  	v0 =	vld.idx.msk [tilespmem:v59+s2+$0x0], $0xffff;
	_ =	sdelay $0x4  }
0xf0: {  	[tilespmem:$0x2110] =	vst v0  }
0xf1: {  	v0 =	vld.idx.msk [tilespmem:v60+s2+$0x0], $0xffff  }
0xf2: {  	v61 =	vadd.s32 $0x400, v60;
	_ =	sdelay $0x3  }
0xf3: {  	[tilespmem:$0x1520] =	vst v0  }
0xf4: {  	v0 =	vld.idx.msk [tilespmem:v61+s2+$0x0], $0xffff  }
0xf5: {  	v62 =	vadd.s32 $0x800, v60;
	_ =	sdelay $0x3  }
0xf6: {  	[tilespmem:$0x1920] =	vst v0  }
0xf7: {  	v0 =	vld.idx.msk [tilespmem:v62+s2+$0x0], $0xffff  }
0xf8: {  	v63 =	vadd.s32 $0xC00, v60;
	_ =	sdelay $0x2  }
0xf9: {  	v4 =	vld [tilespmem:$0x1130]  }
0xfa: {  	[tilespmem:$0x1D20] =	vst v0  }
0xfb: {  	v0 =	vld.idx.msk [tilespmem:v63+s2+$0x0], $0xffff;
	_ =	sdelay $0x4  }
0xfc: {  	[tilespmem:$0x2120] =	vst v0  }
0xfd: {  	v0 =	vld.idx.msk [tilespmem:v4+s2+$0x0], $0xffff  }
0xfe: {  	v5 =	vadd.s32 $0x400, v4;
	_ =	sdelay $0x3  }
0xff: {  	[tilespmem:$0x1530] =	vst v0  }
0x100: {  	v0 =	vld.idx.msk [tilespmem:v5+s2+$0x0], $0xffff  }
0x101: {  	v6 =	vadd.s32 $0x800, v4;
	_ =	sdelay $0x3  }
0x102: {  	[tilespmem:$0x1930] =	vst v0  }
0x103: {  	v0 =	vld.idx.msk [tilespmem:v6+s2+$0x0], $0xffff  }
0x104: {  	v7 =	vadd.s32 $0xC00, v4;
	_ =	sdelay $0x2  }
0x105: {  	v8 =	vld [tilespmem:$0x1140]  }
0x106: {  	[tilespmem:$0x1D30] =	vst v0  }
0x107: {  	v0 =	vld.idx.msk [tilespmem:v7+s2+$0x0], $0xffff;
	_ =	sdelay $0x4  }
0x108: {  	[tilespmem:$0x2130] =	vst v0  }
0x109: {  	v0 =	vld.idx.msk [tilespmem:v8+s2+$0x0], $0xffff  }
0x10a: {  	v9 =	vadd.s32 $0x400, v8;
	_ =	sdelay $0x3  }
0x10b: {  	[tilespmem:$0x1540] =	vst v0  }
0x10c: {  	v0 =	vld.idx.msk [tilespmem:v9+s2+$0x0], $0xffff  }
0x10d: {  	v10 =	vadd.s32 $0x800, v8;
	_ =	sdelay $0x3  }
0x10e: {  	[tilespmem:$0x1940] =	vst v0  }
0x10f: {  	v0 =	vld.idx.msk [tilespmem:v10+s2+$0x0], $0xffff  }
0x110: {  	v11 =	vadd.s32 $0xC00, v8;
	_ =	sdelay $0x2  }
0x111: {  	v12 =	vld [tilespmem:$0x1150]  }
0x112: {  	[tilespmem:$0x1D40] =	vst v0  }
0x113: {  	v0 =	vld.idx.msk [tilespmem:v11+s2+$0x0], $0xffff;
	_ =	sdelay $0x4  }
0x114: {  	[tilespmem:$0x2140] =	vst v0  }
0x115: {  	v0 =	vld.idx.msk [tilespmem:v12+s2+$0x0], $0xffff  }
0x116: {  	v13 =	vadd.s32 $0x400, v12;
	_ =	sdelay $0x3  }
0x117: {  	[tilespmem:$0x1550] =	vst v0  }
0x118: {  	v0 =	vld.idx.msk [tilespmem:v13+s2+$0x0], $0xffff  }
0x119: {  	v14 =	vadd.s32 $0x800, v12;
	_ =	sdelay $0x3  }
0x11a: {  	[tilespmem:$0x1950] =	vst v0  }
0x11b: {  	v0 =	vld.idx.msk [tilespmem:v14+s2+$0x0], $0xffff  }
0x11c: {  	v15 =	vadd.s32 $0xC00, v12;
	_ =	sdelay $0x2  }
0x11d: {  	v16 =	vld [tilespmem:$0x1160]  }
0x11e: {  	[tilespmem:$0x1D50] =	vst v0  }
0x11f: {  	v0 =	vld.idx.msk [tilespmem:v15+s2+$0x0], $0xffff;
	_ =	sdelay $0x4  }
0x120: {  	[tilespmem:$0x2150] =	vst v0  }
0x121: {  	v0 =	vld.idx.msk [tilespmem:v16+s2+$0x0], $0xffff  }
0x122: {  	v17 =	vadd.s32 $0x400, v16;
	_ =	sdelay $0x3  }
0x123: {  	[tilespmem:$0x1560] =	vst v0  }
0x124: {  	v0 =	vld.idx.msk [tilespmem:v17+s2+$0x0], $0xffff  }
0x125: {  	v18 =	vadd.s32 $0x800, v16;
	_ =	sdelay $0x3  }
0x126: {  	[tilespmem:$0x1960] =	vst v0  }
0x127: {  	v0 =	vld.idx.msk [tilespmem:v18+s2+$0x0], $0xffff  }
0x128: {  	v19 =	vadd.s32 $0xC00, v16;
	_ =	sdelay $0x2  }
0x129: {  	v20 =	vld [tilespmem:$0x1170]  }
0x12a: {  	[tilespmem:$0x1D60] =	vst v0  }
0x12b: {  	v0 =	vld.idx.msk [tilespmem:v19+s2+$0x0], $0xffff;
	_ =	sdelay $0x4  }
0x12c: {  	[tilespmem:$0x2160] =	vst v0  }
0x12d: {  	v0 =	vld.idx.msk [tilespmem:v20+s2+$0x0], $0xffff  }
0x12e: {  	v21 =	vadd.s32 $0x400, v20;
	_ =	sdelay $0x3  }
0x12f: {  	[tilespmem:$0x1570] =	vst v0  }
0x130: {  	v0 =	vld.idx.msk [tilespmem:v21+s2+$0x0], $0xffff  }
0x131: {  	v22 =	vadd.s32 $0x800, v20;
	_ =	sdelay $0x3  }
0x132: {  	[tilespmem:$0x1970] =	vst v0  }
0x133: {  	v0 =	vld.idx.msk [tilespmem:v22+s2+$0x0], $0xffff  }
0x134: {  	v23 =	vadd.s32 $0xC00, v20;
	_ =	sdelay $0x2  }
0x135: {  	v24 =	vld [tilespmem:$0x1180]  }
0x136: {  	[tilespmem:$0x1D70] =	vst v0  }
0x137: {  	v0 =	vld.idx.msk [tilespmem:v23+s2+$0x0], $0xffff;
	_ =	sdelay $0x4  }
0x138: {  	[tilespmem:$0x2170] =	vst v0  }
0x139: {  	v0 =	vld.idx.msk [tilespmem:v24+s2+$0x0], $0xffff  }
0x13a: {  	v25 =	vadd.s32 $0x400, v24;
	_ =	sdelay $0x3  }
0x13b: {  	[tilespmem:$0x1580] =	vst v0  }
0x13c: {  	v0 =	vld.idx.msk [tilespmem:v25+s2+$0x0], $0xffff  }
0x13d: {  	v26 =	vadd.s32 $0x800, v24;
	_ =	sdelay $0x3  }
0x13e: {  	[tilespmem:$0x1980] =	vst v0  }
0x13f: {  	v0 =	vld.idx.msk [tilespmem:v26+s2+$0x0], $0xffff  }
0x140: {  	v27 =	vadd.s32 $0xC00, v24;
	_ =	sdelay $0x2  }
0x141: {  	v28 =	vld [tilespmem:$0x1190]  }
0x142: {  	[tilespmem:$0x1D80] =	vst v0  }
0x143: {  	v0 =	vld.idx.msk [tilespmem:v27+s2+$0x0], $0xffff;
	_ =	sdelay $0x4  }
0x144: {  	[tilespmem:$0x2180] =	vst v0  }
0x145: {  	v0 =	vld.idx.msk [tilespmem:v28+s2+$0x0], $0xffff  }
0x146: {  	v29 =	vadd.s32 $0x400, v28;
	_ =	sdelay $0x3  }
0x147: {  	[tilespmem:$0x1590] =	vst v0  }
0x148: {  	v0 =	vld.idx.msk [tilespmem:v29+s2+$0x0], $0xffff  }
0x149: {  	v30 =	vadd.s32 $0x800, v28;
	_ =	sdelay $0x3  }
0x14a: {  	[tilespmem:$0x1990] =	vst v0  }
0x14b: {  	v0 =	vld.idx.msk [tilespmem:v30+s2+$0x0], $0xffff  }
0x14c: {  	v31 =	vadd.s32 $0xC00, v28;
	_ =	sdelay $0x2  }
0x14d: {  	v32 =	vld [tilespmem:$0x11A0]  }
0x14e: {  	[tilespmem:$0x1D90] =	vst v0  }
0x14f: {  	v0 =	vld.idx.msk [tilespmem:v31+s2+$0x0], $0xffff;
	_ =	sdelay $0x4  }
0x150: {  	[tilespmem:$0x2190] =	vst v0  }
0x151: {  	v0 =	vld.idx.msk [tilespmem:v32+s2+$0x0], $0xffff  }
0x152: {  	v33 =	vadd.s32 $0x400, v32;
	_ =	sdelay $0x3  }
0x153: {  	[tilespmem:$0x15A0] =	vst v0  }
0x154: {  	v0 =	vld.idx.msk [tilespmem:v33+s2+$0x0], $0xffff  }
0x155: {  	v34 =	vadd.s32 $0x800, v32;
	_ =	sdelay $0x3  }
0x156: {  	[tilespmem:$0x19A0] =	vst v0  }
0x157: {  	v0 =	vld.idx.msk [tilespmem:v34+s2+$0x0], $0xffff  }
0x158: {  	v35 =	vadd.s32 $0xC00, v32;
	_ =	sdelay $0x2  }
0x159: {  	v36 =	vld [tilespmem:$0x11B0]  }
0x15a: {  	[tilespmem:$0x1DA0] =	vst v0  }
0x15b: {  	v0 =	vld.idx.msk [tilespmem:v35+s2+$0x0], $0xffff;
	_ =	sdelay $0x4  }
0x15c: {  	[tilespmem:$0x21A0] =	vst v0  }
0x15d: {  	v0 =	vld.idx.msk [tilespmem:v36+s2+$0x0], $0xffff  }
0x15e: {  	v37 =	vadd.s32 $0x400, v36;
	_ =	sdelay $0x3  }
0x15f: {  	[tilespmem:$0x15B0] =	vst v0  }
0x160: {  	v0 =	vld.idx.msk [tilespmem:v37+s2+$0x0], $0xffff  }
0x161: {  	v38 =	vadd.s32 $0x800, v36;
	_ =	sdelay $0x3  }
0x162: {  	[tilespmem:$0x19B0] =	vst v0  }
0x163: {  	v0 =	vld.idx.msk [tilespmem:v38+s2+$0x0], $0xffff  }
0x164: {  	v39 =	vadd.s32 $0xC00, v36;
	_ =	sdelay $0x2  }
0x165: {  	v40 =	vld [tilespmem:$0x11C0]  }
0x166: {  	[tilespmem:$0x1DB0] =	vst v0  }
0x167: {  	v0 =	vld.idx.msk [tilespmem:v39+s2+$0x0], $0xffff;
	_ =	sdelay $0x4  }
0x168: {  	[tilespmem:$0x21B0] =	vst v0  }
0x169: {  	v0 =	vld.idx.msk [tilespmem:v40+s2+$0x0], $0xffff  }
0x16a: {  	v41 =	vadd.s32 $0x400, v40;
	_ =	sdelay $0x3  }
0x16b: {  	[tilespmem:$0x15C0] =	vst v0  }
0x16c: {  	v0 =	vld.idx.msk [tilespmem:v41+s2+$0x0], $0xffff  }
0x16d: {  	v42 =	vadd.s32 $0x800, v40;
	_ =	sdelay $0x3  }
0x16e: {  	[tilespmem:$0x19C0] =	vst v0  }
0x16f: {  	v0 =	vld.idx.msk [tilespmem:v42+s2+$0x0], $0xffff  }
0x170: {  	v43 =	vadd.s32 $0xC00, v40;
	_ =	sdelay $0x2  }
0x171: {  	v44 =	vld [tilespmem:$0x11D0]  }
0x172: {  	[tilespmem:$0x1DC0] =	vst v0  }
0x173: {  	v0 =	vld.idx.msk [tilespmem:v43+s2+$0x0], $0xffff;
	_ =	sdelay $0x4  }
0x174: {  	[tilespmem:$0x21C0] =	vst v0  }
0x175: {  	v0 =	vld.idx.msk [tilespmem:v44+s2+$0x0], $0xffff  }
0x176: {  	v45 =	vadd.s32 $0x400, v44;
	_ =	sdelay $0x3  }
0x177: {  	[tilespmem:$0x15D0] =	vst v0  }
0x178: {  	v0 =	vld.idx.msk [tilespmem:v45+s2+$0x0], $0xffff  }
0x179: {  	v46 =	vadd.s32 $0x800, v44;
	_ =	sdelay $0x3  }
0x17a: {  	[tilespmem:$0x19D0] =	vst v0  }
0x17b: {  	v0 =	vld.idx.msk [tilespmem:v46+s2+$0x0], $0xffff  }
0x17c: {  	v47 =	vadd.s32 $0xC00, v44;
	_ =	sdelay $0x2  }
0x17d: {  	v48 =	vld [tilespmem:$0x11E0]  }
0x17e: {  	[tilespmem:$0x1DD0] =	vst v0  }
0x17f: {  	v0 =	vld.idx.msk [tilespmem:v47+s2+$0x0], $0xffff;
	_ =	sdelay $0x4  }
0x180: {  	[tilespmem:$0x21D0] =	vst v0  }
0x181: {  	v0 =	vld.idx.msk [tilespmem:v48+s2+$0x0], $0xffff  }
0x182: {  	v49 =	vadd.s32 $0x400, v48;
	_ =	sdelay $0x3  }
0x183: {  	[tilespmem:$0x15E0] =	vst v0  }
0x184: {  	v0 =	vld.idx.msk [tilespmem:v49+s2+$0x0], $0xffff  }
0x185: {  	v50 =	vadd.s32 $0x800, v48;
	_ =	sdelay $0x3  }
0x186: {  	[tilespmem:$0x19E0] =	vst v0  }
0x187: {  	v0 =	vld.idx.msk [tilespmem:v50+s2+$0x0], $0xffff  }
0x188: {  	v51 =	vadd.s32 $0xC00, v48;
	_ =	sdelay $0x2  }
0x189: {  	v52 =	vld [tilespmem:$0x11F0]  }
0x18a: {  	[tilespmem:$0x1DE0] =	vst v0  }
0x18b: {  	v0 =	vld.idx.msk [tilespmem:v51+s2+$0x0], $0xffff;
	_ =	sdelay $0x4  }
0x18c: {  	[tilespmem:$0x21E0] =	vst v0  }
0x18d: {  	v0 =	vld.idx.msk [tilespmem:v52+s2+$0x0], $0xffff  }
0x18e: {  	v53 =	vadd.s32 $0x400, v52;
	_ =	sdelay $0x3  }
0x18f: {  	[tilespmem:$0x15F0] =	vst v0  }
0x190: {  	v0 =	vld.idx.msk [tilespmem:v53+s2+$0x0], $0xffff  }
0x191: {  	v54 =	vadd.s32 $0x800, v52;
	_ =	sdelay $0x3  }
0x192: {  	[tilespmem:$0x19F0] =	vst v0  }
0x193: {  	v0 =	vld.idx.msk [tilespmem:v54+s2+$0x0], $0xffff  }
0x194: {  	v55 =	vadd.s32 $0xC00, v52;
	_ =	sdelay $0x2  }
0x195: {  	v56 =	vld [tilespmem:$0x1200]  }
0x196: {  	[tilespmem:$0x1DF0] =	vst v0  }
0x197: {  	v0 =	vld.idx.msk [tilespmem:v55+s2+$0x0], $0xffff;
	_ =	sdelay $0x4  }
0x198: {  	[tilespmem:$0x21F0] =	vst v0  }
0x199: {  	v0 =	vld.idx.msk [tilespmem:v56+s2+$0x0], $0xffff  }
0x19a: {  	v57 =	vadd.s32 $0x400, v56;
	_ =	sdelay $0x3  }
0x19b: {  	[tilespmem:$0x1600] =	vst v0  }
0x19c: {  	v0 =	vld.idx.msk [tilespmem:v57+s2+$0x0], $0xffff  }
0x19d: {  	v58 =	vadd.s32 $0x800, v56;
	_ =	sdelay $0x3  }
0x19e: {  	[tilespmem:$0x1A00] =	vst v0  }
0x19f: {  	v0 =	vld.idx.msk [tilespmem:v58+s2+$0x0], $0xffff  }
0x1a0: {  	v59 =	vadd.s32 $0xC00, v56;
	_ =	sdelay $0x2  }
0x1a1: {  	v60 =	vld [tilespmem:$0x1210]  }
0x1a2: {  	[tilespmem:$0x1E00] =	vst v0  }
0x1a3: {  	v0 =	vld.idx.msk [tilespmem:v59+s2+$0x0], $0xffff;
	_ =	sdelay $0x4  }
0x1a4: {  	[tilespmem:$0x2200] =	vst v0  }
0x1a5: {  	v0 =	vld.idx.msk [tilespmem:v60+s2+$0x0], $0xffff  }
0x1a6: {  	v61 =	vadd.s32 $0x400, v60;
	_ =	sdelay $0x3  }
0x1a7: {  	[tilespmem:$0x1610] =	vst v0  }
0x1a8: {  	v0 =	vld.idx.msk [tilespmem:v61+s2+$0x0], $0xffff  }
0x1a9: {  	v62 =	vadd.s32 $0x800, v60;
	_ =	sdelay $0x3  }
0x1aa: {  	[tilespmem:$0x1A10] =	vst v0  }
0x1ab: {  	v0 =	vld.idx.msk [tilespmem:v62+s2+$0x0], $0xffff  }
0x1ac: {  	v63 =	vadd.s32 $0xC00, v60;
	_ =	sdelay $0x2  }
0x1ad: {  	v4 =	vld [tilespmem:$0x1220]  }
0x1ae: {  	[tilespmem:$0x1E10] =	vst v0  }
0x1af: {  	v0 =	vld.idx.msk [tilespmem:v63+s2+$0x0], $0xffff;
	_ =	sdelay $0x4  }
0x1b0: {  	[tilespmem:$0x2210] =	vst v0  }
0x1b1: {  	v0 =	vld.idx.msk [tilespmem:v4+s2+$0x0], $0xffff  }
0x1b2: {  	v5 =	vadd.s32 $0x400, v4;
	_ =	sdelay $0x3  }
0x1b3: {  	[tilespmem:$0x1620] =	vst v0  }
0x1b4: {  	v0 =	vld.idx.msk [tilespmem:v5+s2+$0x0], $0xffff  }
0x1b5: {  	v6 =	vadd.s32 $0x800, v4;
	_ =	sdelay $0x3  }
0x1b6: {  	[tilespmem:$0x1A20] =	vst v0  }
0x1b7: {  	v0 =	vld.idx.msk [tilespmem:v6+s2+$0x0], $0xffff  }
0x1b8: {  	v7 =	vadd.s32 $0xC00, v4;
	_ =	sdelay $0x2  }
0x1b9: {  	v8 =	vld [tilespmem:$0x1230]  }
0x1ba: {  	[tilespmem:$0x1E20] =	vst v0  }
0x1bb: {  	v0 =	vld.idx.msk [tilespmem:v7+s2+$0x0], $0xffff;
	_ =	sdelay $0x4  }
0x1bc: {  	[tilespmem:$0x2220] =	vst v0  }
0x1bd: {  	v0 =	vld.idx.msk [tilespmem:v8+s2+$0x0], $0xffff  }
0x1be: {  	v9 =	vadd.s32 $0x400, v8;
	_ =	sdelay $0x3  }
0x1bf: {  	[tilespmem:$0x1630] =	vst v0  }
0x1c0: {  	v0 =	vld.idx.msk [tilespmem:v9+s2+$0x0], $0xffff  }
0x1c1: {  	v10 =	vadd.s32 $0x800, v8;
	_ =	sdelay $0x3  }
0x1c2: {  	[tilespmem:$0x1A30] =	vst v0  }
0x1c3: {  	v0 =	vld.idx.msk [tilespmem:v10+s2+$0x0], $0xffff  }
0x1c4: {  	v11 =	vadd.s32 $0xC00, v8;
	_ =	sdelay $0x2  }
0x1c5: {  	v12 =	vld [tilespmem:$0x1240]  }
0x1c6: {  	[tilespmem:$0x1E30] =	vst v0  }
0x1c7: {  	v0 =	vld.idx.msk [tilespmem:v11+s2+$0x0], $0xffff;
	_ =	sdelay $0x4  }
0x1c8: {  	[tilespmem:$0x2230] =	vst v0  }
0x1c9: {  	v0 =	vld.idx.msk [tilespmem:v12+s2+$0x0], $0xffff  }
0x1ca: {  	v13 =	vadd.s32 $0x400, v12;
	_ =	sdelay $0x3  }
0x1cb: {  	[tilespmem:$0x1640] =	vst v0  }
0x1cc: {  	v0 =	vld.idx.msk [tilespmem:v13+s2+$0x0], $0xffff  }
0x1cd: {  	v14 =	vadd.s32 $0x800, v12;
	_ =	sdelay $0x3  }
0x1ce: {  	[tilespmem:$0x1A40] =	vst v0  }
0x1cf: {  	v0 =	vld.idx.msk [tilespmem:v14+s2+$0x0], $0xffff  }
0x1d0: {  	v15 =	vadd.s32 $0xC00, v12;
	_ =	sdelay $0x2  }
0x1d1: {  	v16 =	vld [tilespmem:$0x1250]  }
0x1d2: {  	[tilespmem:$0x1E40] =	vst v0  }
0x1d3: {  	v0 =	vld.idx.msk [tilespmem:v15+s2+$0x0], $0xffff;
	_ =	sdelay $0x4  }
0x1d4: {  	[tilespmem:$0x2240] =	vst v0  }
0x1d5: {  	v0 =	vld.idx.msk [tilespmem:v16+s2+$0x0], $0xffff  }
0x1d6: {  	v17 =	vadd.s32 $0x400, v16;
	_ =	sdelay $0x3  }
0x1d7: {  	[tilespmem:$0x1650] =	vst v0  }
0x1d8: {  	v0 =	vld.idx.msk [tilespmem:v17+s2+$0x0], $0xffff  }
0x1d9: {  	v18 =	vadd.s32 $0x800, v16;
	_ =	sdelay $0x3  }
0x1da: {  	[tilespmem:$0x1A50] =	vst v0  }
0x1db: {  	v0 =	vld.idx.msk [tilespmem:v18+s2+$0x0], $0xffff  }
0x1dc: {  	v19 =	vadd.s32 $0xC00, v16;
	_ =	sdelay $0x2  }
0x1dd: {  	v20 =	vld [tilespmem:$0x1260]  }
0x1de: {  	[tilespmem:$0x1E50] =	vst v0  }
0x1df: {  	v0 =	vld.idx.msk [tilespmem:v19+s2+$0x0], $0xffff;
	_ =	sdelay $0x4  }
0x1e0: {  	[tilespmem:$0x2250] =	vst v0  }
0x1e1: {  	v0 =	vld.idx.msk [tilespmem:v20+s2+$0x0], $0xffff  }
0x1e2: {  	v21 =	vadd.s32 $0x400, v20;
	_ =	sdelay $0x3  }
0x1e3: {  	[tilespmem:$0x1660] =	vst v0  }
0x1e4: {  	v0 =	vld.idx.msk [tilespmem:v21+s2+$0x0], $0xffff  }
0x1e5: {  	v22 =	vadd.s32 $0x800, v20;
	_ =	sdelay $0x3  }
0x1e6: {  	[tilespmem:$0x1A60] =	vst v0  }
0x1e7: {  	v0 =	vld.idx.msk [tilespmem:v22+s2+$0x0], $0xffff  }
0x1e8: {  	v23 =	vadd.s32 $0xC00, v20;
	_ =	sdelay $0x2  }
0x1e9: {  	v24 =	vld [tilespmem:$0x1270]  }
0x1ea: {  	[tilespmem:$0x1E60] =	vst v0  }
0x1eb: {  	v0 =	vld.idx.msk [tilespmem:v23+s2+$0x0], $0xffff;
	_ =	sdelay $0x4  }
0x1ec: {  	[tilespmem:$0x2260] =	vst v0  }
0x1ed: {  	v0 =	vld.idx.msk [tilespmem:v24+s2+$0x0], $0xffff  }
0x1ee: {  	v25 =	vadd.s32 $0x400, v24;
	_ =	sdelay $0x3  }
0x1ef: {  	[tilespmem:$0x1670] =	vst v0  }
0x1f0: {  	v0 =	vld.idx.msk [tilespmem:v25+s2+$0x0], $0xffff  }
0x1f1: {  	v26 =	vadd.s32 $0x800, v24;
	_ =	sdelay $0x3  }
0x1f2: {  	[tilespmem:$0x1A70] =	vst v0  }
0x1f3: {  	v0 =	vld.idx.msk [tilespmem:v26+s2+$0x0], $0xffff  }
0x1f4: {  	v27 =	vadd.s32 $0xC00, v24;
	_ =	sdelay $0x2  }
0x1f5: {  	v28 =	vld [tilespmem:$0x1280]  }
0x1f6: {  	[tilespmem:$0x1E70] =	vst v0  }
0x1f7: {  	v0 =	vld.idx.msk [tilespmem:v27+s2+$0x0], $0xffff;
	_ =	sdelay $0x4  }
0x1f8: {  	[tilespmem:$0x2270] =	vst v0  }
0x1f9: {  	v0 =	vld.idx.msk [tilespmem:v28+s2+$0x0], $0xffff  }
0x1fa: {  	v29 =	vadd.s32 $0x400, v28;
	_ =	sdelay $0x3  }
0x1fb: {  	[tilespmem:$0x1680] =	vst v0  }
0x1fc: {  	v0 =	vld.idx.msk [tilespmem:v29+s2+$0x0], $0xffff  }
0x1fd: {  	v30 =	vadd.s32 $0x800, v28;
	_ =	sdelay $0x3  }
0x1fe: {  	[tilespmem:$0x1A80] =	vst v0  }
0x1ff: {  	v0 =	vld.idx.msk [tilespmem:v30+s2+$0x0], $0xffff  }
0x200: {  	v31 =	vadd.s32 $0xC00, v28;
	_ =	sdelay $0x2  }
0x201: {  	v32 =	vld [tilespmem:$0x1290]  }
0x202: {  	[tilespmem:$0x1E80] =	vst v0  }
0x203: {  	v0 =	vld.idx.msk [tilespmem:v31+s2+$0x0], $0xffff;
	_ =	sdelay $0x4  }
0x204: {  	[tilespmem:$0x2280] =	vst v0  }
0x205: {  	v0 =	vld.idx.msk [tilespmem:v32+s2+$0x0], $0xffff  }
0x206: {  	v33 =	vadd.s32 $0x400, v32;
	_ =	sdelay $0x3  }
0x207: {  	[tilespmem:$0x1690] =	vst v0  }
0x208: {  	v0 =	vld.idx.msk [tilespmem:v33+s2+$0x0], $0xffff  }
0x209: {  	v34 =	vadd.s32 $0x800, v32;
	_ =	sdelay $0x3  }
0x20a: {  	[tilespmem:$0x1A90] =	vst v0  }
0x20b: {  	v0 =	vld.idx.msk [tilespmem:v34+s2+$0x0], $0xffff  }
0x20c: {  	v35 =	vadd.s32 $0xC00, v32;
	_ =	sdelay $0x2  }
0x20d: {  	v36 =	vld [tilespmem:$0x12A0]  }
0x20e: {  	[tilespmem:$0x1E90] =	vst v0  }
0x20f: {  	v0 =	vld.idx.msk [tilespmem:v35+s2+$0x0], $0xffff;
	_ =	sdelay $0x4  }
0x210: {  	[tilespmem:$0x2290] =	vst v0  }
0x211: {  	v0 =	vld.idx.msk [tilespmem:v36+s2+$0x0], $0xffff  }
0x212: {  	v37 =	vadd.s32 $0x400, v36;
	_ =	sdelay $0x3  }
0x213: {  	[tilespmem:$0x16A0] =	vst v0  }
0x214: {  	v0 =	vld.idx.msk [tilespmem:v37+s2+$0x0], $0xffff  }
0x215: {  	v38 =	vadd.s32 $0x800, v36;
	_ =	sdelay $0x3  }
0x216: {  	[tilespmem:$0x1AA0] =	vst v0  }
0x217: {  	v0 =	vld.idx.msk [tilespmem:v38+s2+$0x0], $0xffff  }
0x218: {  	v39 =	vadd.s32 $0xC00, v36;
	_ =	sdelay $0x2  }
0x219: {  	v40 =	vld [tilespmem:$0x12B0]  }
0x21a: {  	[tilespmem:$0x1EA0] =	vst v0  }
0x21b: {  	v0 =	vld.idx.msk [tilespmem:v39+s2+$0x0], $0xffff;
	_ =	sdelay $0x4  }
0x21c: {  	[tilespmem:$0x22A0] =	vst v0  }
0x21d: {  	v0 =	vld.idx.msk [tilespmem:v40+s2+$0x0], $0xffff  }
0x21e: {  	v41 =	vadd.s32 $0x400, v40;
	_ =	sdelay $0x3  }
0x21f: {  	[tilespmem:$0x16B0] =	vst v0  }
0x220: {  	v0 =	vld.idx.msk [tilespmem:v41+s2+$0x0], $0xffff  }
0x221: {  	v42 =	vadd.s32 $0x800, v40;
	_ =	sdelay $0x3  }
0x222: {  	[tilespmem:$0x1AB0] =	vst v0  }
0x223: {  	v0 =	vld.idx.msk [tilespmem:v42+s2+$0x0], $0xffff  }
0x224: {  	v43 =	vadd.s32 $0xC00, v40;
	_ =	sdelay $0x2  }
0x225: {  	v44 =	vld [tilespmem:$0x12C0]  }
0x226: {  	[tilespmem:$0x1EB0] =	vst v0  }
0x227: {  	v0 =	vld.idx.msk [tilespmem:v43+s2+$0x0], $0xffff;
	_ =	sdelay $0x4  }
0x228: {  	[tilespmem:$0x22B0] =	vst v0  }
0x229: {  	v0 =	vld.idx.msk [tilespmem:v44+s2+$0x0], $0xffff  }
0x22a: {  	v45 =	vadd.s32 $0x400, v44;
	_ =	sdelay $0x3  }
0x22b: {  	[tilespmem:$0x16C0] =	vst v0  }
0x22c: {  	v0 =	vld.idx.msk [tilespmem:v45+s2+$0x0], $0xffff  }
0x22d: {  	v46 =	vadd.s32 $0x800, v44;
	_ =	sdelay $0x3  }
0x22e: {  	[tilespmem:$0x1AC0] =	vst v0  }
0x22f: {  	v0 =	vld.idx.msk [tilespmem:v46+s2+$0x0], $0xffff  }
0x230: {  	v47 =	vadd.s32 $0xC00, v44;
	_ =	sdelay $0x2  }
0x231: {  	v48 =	vld [tilespmem:$0x12D0]  }
0x232: {  	[tilespmem:$0x1EC0] =	vst v0  }
0x233: {  	v0 =	vld.idx.msk [tilespmem:v47+s2+$0x0], $0xffff;
	_ =	sdelay $0x4  }
0x234: {  	[tilespmem:$0x22C0] =	vst v0  }
0x235: {  	v0 =	vld.idx.msk [tilespmem:v48+s2+$0x0], $0xffff  }
0x236: {  	v49 =	vadd.s32 $0x400, v48;
	_ =	sdelay $0x3  }
0x237: {  	[tilespmem:$0x16D0] =	vst v0  }
0x238: {  	v0 =	vld.idx.msk [tilespmem:v49+s2+$0x0], $0xffff  }
0x239: {  	v50 =	vadd.s32 $0x800, v48;
	_ =	sdelay $0x3  }
0x23a: {  	[tilespmem:$0x1AD0] =	vst v0  }
0x23b: {  	v0 =	vld.idx.msk [tilespmem:v50+s2+$0x0], $0xffff  }
0x23c: {  	v51 =	vadd.s32 $0xC00, v48;
	_ =	sdelay $0x2  }
0x23d: {  	v52 =	vld [tilespmem:$0x12E0]  }
0x23e: {  	[tilespmem:$0x1ED0] =	vst v0  }
0x23f: {  	v0 =	vld.idx.msk [tilespmem:v51+s2+$0x0], $0xffff;
	_ =	sdelay $0x4  }
0x240: {  	[tilespmem:$0x22D0] =	vst v0  }
0x241: {  	v0 =	vld.idx.msk [tilespmem:v52+s2+$0x0], $0xffff  }
0x242: {  	v53 =	vadd.s32 $0x400, v52;
	_ =	sdelay $0x3  }
0x243: {  	[tilespmem:$0x16E0] =	vst v0  }
0x244: {  	v0 =	vld.idx.msk [tilespmem:v53+s2+$0x0], $0xffff  }
0x245: {  	v54 =	vadd.s32 $0x800, v52;
	_ =	sdelay $0x3  }
0x246: {  	[tilespmem:$0x1AE0] =	vst v0  }
0x247: {  	v0 =	vld.idx.msk [tilespmem:v54+s2+$0x0], $0xffff  }
0x248: {  	v55 =	vadd.s32 $0xC00, v52;
	_ =	sdelay $0x2  }
0x249: {  	v56 =	vld [tilespmem:$0x12F0]  }
0x24a: {  	[tilespmem:$0x1EE0] =	vst v0  }
0x24b: {  	v0 =	vld.idx.msk [tilespmem:v55+s2+$0x0], $0xffff;
	_ =	sdelay $0x4  }
0x24c: {  	[tilespmem:$0x22E0] =	vst v0  }
0x24d: {  	v0 =	vld.idx.msk [tilespmem:v56+s2+$0x0], $0xffff  }
0x24e: {  	v57 =	vadd.s32 $0x400, v56;
	_ =	sdelay $0x3  }
0x24f: {  	[tilespmem:$0x16F0] =	vst v0  }
0x250: {  	v0 =	vld.idx.msk [tilespmem:v57+s2+$0x0], $0xffff  }
0x251: {  	v58 =	vadd.s32 $0x800, v56;
	_ =	sdelay $0x3  }
0x252: {  	[tilespmem:$0x1AF0] =	vst v0  }
0x253: {  	v0 =	vld.idx.msk [tilespmem:v58+s2+$0x0], $0xffff  }
0x254: {  	v59 =	vadd.s32 $0xC00, v56;
	_ =	sdelay $0x2  }
0x255: {  	v60 =	vld [tilespmem:$0x1300]  }
0x256: {  	[tilespmem:$0x1EF0] =	vst v0  }
0x257: {  	v0 =	vld.idx.msk [tilespmem:v59+s2+$0x0], $0xffff;
	_ =	sdelay $0x4  }
0x258: {  	[tilespmem:$0x22F0] =	vst v0  }
0x259: {  	v0 =	vld.idx.msk [tilespmem:v60+s2+$0x0], $0xffff  }
0x25a: {  	v61 =	vadd.s32 $0x400, v60;
	_ =	sdelay $0x3  }
0x25b: {  	[tilespmem:$0x1700] =	vst v0  }
0x25c: {  	v0 =	vld.idx.msk [tilespmem:v61+s2+$0x0], $0xffff  }
0x25d: {  	v62 =	vadd.s32 $0x800, v60;
	_ =	sdelay $0x3  }
0x25e: {  	[tilespmem:$0x1B00] =	vst v0  }
0x25f: {  	v0 =	vld.idx.msk [tilespmem:v62+s2+$0x0], $0xffff  }
0x260: {  	v63 =	vadd.s32 $0xC00, v60;
	_ =	sdelay $0x2  }
0x261: {  	v4 =	vld [tilespmem:$0x1310]  }
0x262: {  	[tilespmem:$0x1F00] =	vst v0  }
0x263: {  	v0 =	vld.idx.msk [tilespmem:v63+s2+$0x0], $0xffff;
	_ =	sdelay $0x4  }
0x264: {  	[tilespmem:$0x2300] =	vst v0  }
0x265: {  	v0 =	vld.idx.msk [tilespmem:v4+s2+$0x0], $0xffff  }
0x266: {  	v5 =	vadd.s32 $0x400, v4;
	_ =	sdelay $0x3  }
0x267: {  	[tilespmem:$0x1710] =	vst v0  }
0x268: {  	v0 =	vld.idx.msk [tilespmem:v5+s2+$0x0], $0xffff  }
0x269: {  	v6 =	vadd.s32 $0x800, v4;
	_ =	sdelay $0x3  }
0x26a: {  	[tilespmem:$0x1B10] =	vst v0  }
0x26b: {  	v0 =	vld.idx.msk [tilespmem:v6+s2+$0x0], $0xffff  }
0x26c: {  	v7 =	vadd.s32 $0xC00, v4;
	_ =	sdelay $0x2  }
0x26d: {  	v8 =	vld [tilespmem:$0x1320]  }
0x26e: {  	[tilespmem:$0x1F10] =	vst v0  }
0x26f: {  	v0 =	vld.idx.msk [tilespmem:v7+s2+$0x0], $0xffff;
	_ =	sdelay $0x4  }
0x270: {  	[tilespmem:$0x2310] =	vst v0  }
0x271: {  	v0 =	vld.idx.msk [tilespmem:v8+s2+$0x0], $0xffff  }
0x272: {  	v9 =	vadd.s32 $0x400, v8;
	_ =	sdelay $0x3  }
0x273: {  	[tilespmem:$0x1720] =	vst v0  }
0x274: {  	v0 =	vld.idx.msk [tilespmem:v9+s2+$0x0], $0xffff  }
0x275: {  	v10 =	vadd.s32 $0x800, v8;
	_ =	sdelay $0x3  }
0x276: {  	[tilespmem:$0x1B20] =	vst v0  }
0x277: {  	v0 =	vld.idx.msk [tilespmem:v10+s2+$0x0], $0xffff  }
0x278: {  	v11 =	vadd.s32 $0xC00, v8;
	_ =	sdelay $0x2  }
0x279: {  	v12 =	vld [tilespmem:$0x1330]  }
0x27a: {  	[tilespmem:$0x1F20] =	vst v0  }
0x27b: {  	v0 =	vld.idx.msk [tilespmem:v11+s2+$0x0], $0xffff;
	_ =	sdelay $0x4  }
0x27c: {  	[tilespmem:$0x2320] =	vst v0  }
0x27d: {  	v0 =	vld.idx.msk [tilespmem:v12+s2+$0x0], $0xffff  }
0x27e: {  	v13 =	vadd.s32 $0x400, v12;
	_ =	sdelay $0x3  }
0x27f: {  	[tilespmem:$0x1730] =	vst v0  }
0x280: {  	v0 =	vld.idx.msk [tilespmem:v13+s2+$0x0], $0xffff  }
0x281: {  	v14 =	vadd.s32 $0x800, v12;
	_ =	sdelay $0x3  }
0x282: {  	[tilespmem:$0x1B30] =	vst v0  }
0x283: {  	v0 =	vld.idx.msk [tilespmem:v14+s2+$0x0], $0xffff  }
0x284: {  	v15 =	vadd.s32 $0xC00, v12;
	_ =	sdelay $0x2  }
0x285: {  	v16 =	vld [tilespmem:$0x1340]  }
0x286: {  	[tilespmem:$0x1F30] =	vst v0  }
0x287: {  	v0 =	vld.idx.msk [tilespmem:v15+s2+$0x0], $0xffff;
	_ =	sdelay $0x4  }
0x288: {  	[tilespmem:$0x2330] =	vst v0  }
0x289: {  	v0 =	vld.idx.msk [tilespmem:v16+s2+$0x0], $0xffff  }
0x28a: {  	v17 =	vadd.s32 $0x400, v16;
	_ =	sdelay $0x3  }
0x28b: {  	[tilespmem:$0x1740] =	vst v0  }
0x28c: {  	v0 =	vld.idx.msk [tilespmem:v17+s2+$0x0], $0xffff  }
0x28d: {  	v18 =	vadd.s32 $0x800, v16;
	_ =	sdelay $0x3  }
0x28e: {  	[tilespmem:$0x1B40] =	vst v0  }
0x28f: {  	v0 =	vld.idx.msk [tilespmem:v18+s2+$0x0], $0xffff  }
0x290: {  	v19 =	vadd.s32 $0xC00, v16;
	_ =	sdelay $0x2  }
0x291: {  	v20 =	vld [tilespmem:$0x1350]  }
0x292: {  	[tilespmem:$0x1F40] =	vst v0  }
0x293: {  	v0 =	vld.idx.msk [tilespmem:v19+s2+$0x0], $0xffff;
	_ =	sdelay $0x4  }
0x294: {  	[tilespmem:$0x2340] =	vst v0  }
0x295: {  	v0 =	vld.idx.msk [tilespmem:v20+s2+$0x0], $0xffff  }
0x296: {  	v21 =	vadd.s32 $0x400, v20;
	_ =	sdelay $0x3  }
0x297: {  	[tilespmem:$0x1750] =	vst v0  }
0x298: {  	v0 =	vld.idx.msk [tilespmem:v21+s2+$0x0], $0xffff  }
0x299: {  	v22 =	vadd.s32 $0x800, v20;
	_ =	sdelay $0x3  }
0x29a: {  	[tilespmem:$0x1B50] =	vst v0  }
0x29b: {  	v0 =	vld.idx.msk [tilespmem:v22+s2+$0x0], $0xffff  }
0x29c: {  	v23 =	vadd.s32 $0xC00, v20;
	_ =	sdelay $0x2  }
0x29d: {  	v24 =	vld [tilespmem:$0x1360]  }
0x29e: {  	[tilespmem:$0x1F50] =	vst v0  }
0x29f: {  	v0 =	vld.idx.msk [tilespmem:v23+s2+$0x0], $0xffff;
	_ =	sdelay $0x4  }
0x2a0: {  	[tilespmem:$0x2350] =	vst v0  }
0x2a1: {  	v0 =	vld.idx.msk [tilespmem:v24+s2+$0x0], $0xffff  }
0x2a2: {  	v25 =	vadd.s32 $0x400, v24;
	_ =	sdelay $0x3  }
0x2a3: {  	[tilespmem:$0x1760] =	vst v0  }
0x2a4: {  	v0 =	vld.idx.msk [tilespmem:v25+s2+$0x0], $0xffff  }
0x2a5: {  	v26 =	vadd.s32 $0x800, v24;
	_ =	sdelay $0x3  }
0x2a6: {  	[tilespmem:$0x1B60] =	vst v0  }
0x2a7: {  	v0 =	vld.idx.msk [tilespmem:v26+s2+$0x0], $0xffff  }
0x2a8: {  	v27 =	vadd.s32 $0xC00, v24;
	_ =	sdelay $0x2  }
0x2a9: {  	v28 =	vld [tilespmem:$0x1370]  }
0x2aa: {  	[tilespmem:$0x1F60] =	vst v0  }
0x2ab: {  	v0 =	vld.idx.msk [tilespmem:v27+s2+$0x0], $0xffff;
	_ =	sdelay $0x4  }
0x2ac: {  	[tilespmem:$0x2360] =	vst v0  }
0x2ad: {  	v0 =	vld.idx.msk [tilespmem:v28+s2+$0x0], $0xffff  }
0x2ae: {  	v29 =	vadd.s32 $0x400, v28;
	_ =	sdelay $0x3  }
0x2af: {  	[tilespmem:$0x1770] =	vst v0  }
0x2b0: {  	v0 =	vld.idx.msk [tilespmem:v29+s2+$0x0], $0xffff  }
0x2b1: {  	v30 =	vadd.s32 $0x800, v28;
	_ =	sdelay $0x3  }
0x2b2: {  	[tilespmem:$0x1B70] =	vst v0  }
0x2b3: {  	v0 =	vld.idx.msk [tilespmem:v30+s2+$0x0], $0xffff  }
0x2b4: {  	v31 =	vadd.s32 $0xC00, v28;
	_ =	sdelay $0x2  }
0x2b5: {  	v32 =	vld [tilespmem:$0x1380]  }
0x2b6: {  	[tilespmem:$0x1F70] =	vst v0  }
0x2b7: {  	v0 =	vld.idx.msk [tilespmem:v31+s2+$0x0], $0xffff;
	_ =	sdelay $0x4  }
0x2b8: {  	[tilespmem:$0x2370] =	vst v0  }
0x2b9: {  	v0 =	vld.idx.msk [tilespmem:v32+s2+$0x0], $0xffff  }
0x2ba: {  	v33 =	vadd.s32 $0x400, v32;
	_ =	sdelay $0x3  }
0x2bb: {  	[tilespmem:$0x1780] =	vst v0  }
0x2bc: {  	v0 =	vld.idx.msk [tilespmem:v33+s2+$0x0], $0xffff  }
0x2bd: {  	v34 =	vadd.s32 $0x800, v32;
	_ =	sdelay $0x3  }
0x2be: {  	[tilespmem:$0x1B80] =	vst v0  }
0x2bf: {  	v0 =	vld.idx.msk [tilespmem:v34+s2+$0x0], $0xffff  }
0x2c0: {  	v35 =	vadd.s32 $0xC00, v32;
	_ =	sdelay $0x2  }
0x2c1: {  	v36 =	vld [tilespmem:$0x1390]  }
0x2c2: {  	[tilespmem:$0x1F80] =	vst v0  }
0x2c3: {  	v0 =	vld.idx.msk [tilespmem:v35+s2+$0x0], $0xffff;
	_ =	sdelay $0x4  }
0x2c4: {  	[tilespmem:$0x2380] =	vst v0  }
0x2c5: {  	v0 =	vld.idx.msk [tilespmem:v36+s2+$0x0], $0xffff  }
0x2c6: {  	v37 =	vadd.s32 $0x400, v36;
	_ =	sdelay $0x3  }
0x2c7: {  	[tilespmem:$0x1790] =	vst v0  }
0x2c8: {  	v0 =	vld.idx.msk [tilespmem:v37+s2+$0x0], $0xffff  }
0x2c9: {  	v38 =	vadd.s32 $0x800, v36;
	_ =	sdelay $0x3  }
0x2ca: {  	[tilespmem:$0x1B90] =	vst v0  }
0x2cb: {  	v0 =	vld.idx.msk [tilespmem:v38+s2+$0x0], $0xffff  }
0x2cc: {  	v39 =	vadd.s32 $0xC00, v36;
	_ =	sdelay $0x2  }
0x2cd: {  	v40 =	vld [tilespmem:$0x13A0]  }
0x2ce: {  	[tilespmem:$0x1F90] =	vst v0  }
0x2cf: {  	v0 =	vld.idx.msk [tilespmem:v39+s2+$0x0], $0xffff;
	_ =	sdelay $0x4  }
0x2d0: {  	[tilespmem:$0x2390] =	vst v0  }
0x2d1: {  	v0 =	vld.idx.msk [tilespmem:v40+s2+$0x0], $0xffff  }
0x2d2: {  	v41 =	vadd.s32 $0x400, v40;
	_ =	sdelay $0x3  }
0x2d3: {  	[tilespmem:$0x17A0] =	vst v0  }
0x2d4: {  	v0 =	vld.idx.msk [tilespmem:v41+s2+$0x0], $0xffff  }
0x2d5: {  	v42 =	vadd.s32 $0x800, v40;
	_ =	sdelay $0x3  }
0x2d6: {  	[tilespmem:$0x1BA0] =	vst v0  }
0x2d7: {  	v0 =	vld.idx.msk [tilespmem:v42+s2+$0x0], $0xffff  }
0x2d8: {  	v43 =	vadd.s32 $0xC00, v40;
	_ =	sdelay $0x2  }
0x2d9: {  	v44 =	vld [tilespmem:$0x13B0]  }
0x2da: {  	[tilespmem:$0x1FA0] =	vst v0  }
0x2db: {  	v0 =	vld.idx.msk [tilespmem:v43+s2+$0x0], $0xffff;
	_ =	sdelay $0x4  }
0x2dc: {  	[tilespmem:$0x23A0] =	vst v0  }
0x2dd: {  	v0 =	vld.idx.msk [tilespmem:v44+s2+$0x0], $0xffff  }
0x2de: {  	v45 =	vadd.s32 $0x400, v44;
	_ =	sdelay $0x3  }
0x2df: {  	[tilespmem:$0x17B0] =	vst v0  }
0x2e0: {  	v0 =	vld.idx.msk [tilespmem:v45+s2+$0x0], $0xffff  }
0x2e1: {  	v46 =	vadd.s32 $0x800, v44;
	_ =	sdelay $0x3  }
0x2e2: {  	[tilespmem:$0x1BB0] =	vst v0  }
0x2e3: {  	v0 =	vld.idx.msk [tilespmem:v46+s2+$0x0], $0xffff  }
0x2e4: {  	v47 =	vadd.s32 $0xC00, v44;
	_ =	sdelay $0x2  }
0x2e5: {  	v48 =	vld [tilespmem:$0x13C0]  }
0x2e6: {  	[tilespmem:$0x1FB0] =	vst v0  }
0x2e7: {  	v0 =	vld.idx.msk [tilespmem:v47+s2+$0x0], $0xffff;
	_ =	sdelay $0x4  }
0x2e8: {  	[tilespmem:$0x23B0] =	vst v0  }
0x2e9: {  	v0 =	vld.idx.msk [tilespmem:v48+s2+$0x0], $0xffff  }
0x2ea: {  	v49 =	vadd.s32 $0x400, v48;
	_ =	sdelay $0x3  }
0x2eb: {  	[tilespmem:$0x17C0] =	vst v0  }
0x2ec: {  	v0 =	vld.idx.msk [tilespmem:v49+s2+$0x0], $0xffff  }
0x2ed: {  	v50 =	vadd.s32 $0x800, v48;
	_ =	sdelay $0x3  }
0x2ee: {  	[tilespmem:$0x1BC0] =	vst v0  }
0x2ef: {  	v0 =	vld.idx.msk [tilespmem:v50+s2+$0x0], $0xffff  }
0x2f0: {  	v51 =	vadd.s32 $0xC00, v48;
	_ =	sdelay $0x2  }
0x2f1: {  	v52 =	vld [tilespmem:$0x13D0]  }
0x2f2: {  	[tilespmem:$0x1FC0] =	vst v0  }
0x2f3: {  	v0 =	vld.idx.msk [tilespmem:v51+s2+$0x0], $0xffff;
	_ =	sdelay $0x4  }
0x2f4: {  	[tilespmem:$0x23C0] =	vst v0  }
0x2f5: {  	v0 =	vld.idx.msk [tilespmem:v52+s2+$0x0], $0xffff  }
0x2f6: {  	v53 =	vadd.s32 $0x400, v52;
	_ =	sdelay $0x3  }
0x2f7: {  	[tilespmem:$0x17D0] =	vst v0  }
0x2f8: {  	v0 =	vld.idx.msk [tilespmem:v53+s2+$0x0], $0xffff  }
0x2f9: {  	v54 =	vadd.s32 $0x800, v52;
	_ =	sdelay $0x3  }
0x2fa: {  	[tilespmem:$0x1BD0] =	vst v0  }
0x2fb: {  	v0 =	vld.idx.msk [tilespmem:v54+s2+$0x0], $0xffff  }
0x2fc: {  	v55 =	vadd.s32 $0xC00, v52;
	_ =	sdelay $0x2  }
0x2fd: {  	v56 =	vld [tilespmem:$0x13E0]  }
0x2fe: {  	[tilespmem:$0x1FD0] =	vst v0  }
0x2ff: {  	v0 =	vld.idx.msk [tilespmem:v55+s2+$0x0], $0xffff;
	_ =	sdelay $0x4  }
0x300: {  	[tilespmem:$0x23D0] =	vst v0  }
0x301: {  	v0 =	vld.idx.msk [tilespmem:v56+s2+$0x0], $0xffff  }
0x302: {  	v57 =	vadd.s32 $0x400, v56;
	_ =	sdelay $0x3  }
0x303: {  	[tilespmem:$0x17E0] =	vst v0  }
0x304: {  	v0 =	vld.idx.msk [tilespmem:v57+s2+$0x0], $0xffff  }
0x305: {  	v58 =	vadd.s32 $0x800, v56;
	_ =	sdelay $0x3  }
0x306: {  	[tilespmem:$0x1BE0] =	vst v0  }
0x307: {  	v0 =	vld.idx.msk [tilespmem:v58+s2+$0x0], $0xffff  }
0x308: {  	v59 =	vadd.s32 $0xC00, v56;
	_ =	sdelay $0x2  }
0x309: {  	v60 =	vld [tilespmem:$0x13F0]  }
0x30a: {  	[tilespmem:$0x1FE0] =	vst v0  }
0x30b: {  	v0 =	vld.idx.msk [tilespmem:v59+s2+$0x0], $0xffff;
	_ =	sdelay $0x4  }
0x30c: {  	[tilespmem:$0x23E0] =	vst v0  }
0x30d: {  	v0 =	vld.idx.msk [tilespmem:v60+s2+$0x0], $0xffff  }
0x30e: {  	v61 =	vadd.s32 $0x400, v60;
	_ =	sdelay $0x3  }
0x30f: {  	[tilespmem:$0x17F0] =	vst v0  }
0x310: {  	v0 =	vld.idx.msk [tilespmem:v61+s2+$0x0], $0xffff  }
0x311: {  	v62 =	vadd.s32 $0x800, v60;
	_ =	sdelay $0x3  }
0x312: {  	[tilespmem:$0x1BF0] =	vst v0  }
0x313: {  	v0 =	vld.idx.msk [tilespmem:v62+s2+$0x0], $0xffff  }
0x314: {  	v63 =	vadd.s32 $0xC00, v60;
	_ =	sdelay $0x3  }
0x315: {  	[tilespmem:$0x1FF0] =	vst v0  }
0x316: {  	v0 =	vld.idx.msk [tilespmem:v63+s2+$0x0], $0xffff;
	_ =	sdelay $0x4  }
0x317: {  	[tilespmem:$0x23F0] =	vst v0  }
0x318: {  	[hbm4b:s5+s10] =	stream.strided.scatter [tilespmem:s15], [sflag:$0x1], $0x400, s14, s10, $0x38;
	[tilespmem:$0x2400] =	vst v63  }
0x319: {  	_ =	swait.ge [sflag:s12], $0x400  }
0x31a: {  	[sflag:s12] =	ssyncset.done $0x0  }
0x31b: {  	[sflag:s12] =	ssyncadd.s32 $0xFFFFFC00  }
0x31c: {  	[hbm4b:s6+s10] =	stream.strided.scatter [tilespmem:s16], [sflag:$0x1], $0x400, s14, s10, $0x38;
	[tilespmem:$0x2400] =	vst v63  }
0x31d: {  	_ =	swait.ge [sflag:s12], $0x400  }
0x31e: {  	[sflag:s12] =	ssyncset.done $0x0  }
0x31f: {  	[sflag:s12] =	ssyncadd.s32 $0xFFFFFC00  }
0x320: {  	[hbm4b:s7+s10] =	stream.strided.scatter [tilespmem:s17], [sflag:$0x1], $0x400, s14, s10, $0x38;
	[tilespmem:$0x2400] =	vst v63  }
0x321: {  	_ =	swait.ge [sflag:s12], $0x400  }
0x322: {  	p0 =	sne.s32 s9, $0x1;
	[sflag:s12] =	ssyncset.done $0x0  }
.Ltmp0:
0x323: {  	[sflag:s12] =	ssyncadd.s32 $0xFFFFFC00;
	(pc) =	sbr.rel @p0 .LBB2_1-.Ltmp0, $4  }
0x324: {  	[hbm4b:s8+s10] =	stream.strided.scatter [tilespmem:s18], [sflag:$0x1], $0x400, s14, s10, $0x38;
	[tilespmem:$0x2400] =	vst v63  }
0x325: {  	_ =	swait.ge [sflag:s12], $0x400  }
0x326: {  	[sflag:s12] =	ssyncset.done $0x0  }
0x327: {  	s9 =	sadd.s32 $0xFFFFFFFF, s9;
	[sflag:s12] =	ssyncadd.s32 $0xFFFFFC00  }
0x328: {  	_ =	sfence.sel $0x180000  }
0x329: {  	[bflag:$0x0] =	sbarrier.arrive $0xFFFF  }
0x32a: {  	p0 =	sne.s32 s1, $0x0;
	_ =	strace $0x90000047  }
0x32b: {  	s0 =	sadd.s32 @!p0 $0x100000, s0;
	[bflag:$0x2] =	sbarrier.arrive $0xFFFF  }
0x32c: {  	[sflag:s0] =	ssyncadd.tile.s32 @!p0 $0x1;
	_ =	shalt  }
.Lfunc_end2:
_tile_overlayer_lowered:
.L_overlay_start_2:
0x32d: {  	(tag) =	ssettag $0x2  }
0x32e: {  	s0 =	rddreg [dreg:$0x0];
	s2 =	stileid.u32  }
0x32f: {  	s1 =	rddreg [dreg:$0x1];
	p0 =	sne.s32 s2, $0x0  }
0x330: {  	s3 =	rddreg [dreg:$0x2];
	[bflag:$0x3] =	sbarrier.arrive $0xFFFF;
	s2 =	simm.s32 @!p0 $0x1C01  }
0x331: {  	[timem:s3], [sflag:s2] =	dma.local @!p0 [hbm:s0], s1  }
0x332: {  	s0 =	simm.s32 @!p0 $0x1  }
0x333: {  	_ =	swait.ge @!p0 [sflag:s0], s1  }
0x334: {  	s1 =	ssub.s32 @!p0 $0x0, s1;
	[sflag:s0] =	ssyncset.done @!p0 $0x0  }
0x335: {  	[sflag:s0] =	ssyncadd.s32 @!p0 s1  }
0x336: {  	[bflag:$0x3] =	sbarrier.arrive $0xFFFF  }
0x337: {  	_ =	shalt  }

</sc_bundles>
